<compile_context>
chip_gen: v7x
topology: tpu7x:2x2x1
jax: 0.10.2.dev20260603
libtpu: 0.0.44.dev20260713+nightly
codegen_flags: <defaults>
</compile_context>

<pallas_src>
import functools

import numpy as np
import jax
import jax.numpy as jnp
from jax import lax
from jax.experimental import pallas as pl
from jax.experimental.pallas import tpu as pltpu
from jax.experimental.pallas import tpu_sc as plsc

LEVELS = 16
HASH_SIZE = 1 << 20
HASH_MASK = HASH_SIZE - 1
BASE = 16.0
FINEST = 2048.0
RATIO = float(np.exp((np.log(FINEST) - np.log(BASE)) / (LEVELS - 1)))
RES = np.array([int(np.floor(BASE * (RATIO ** l))) for l in range(LEVELS)],
               dtype=np.float32)
P1 = np.int32(np.uint32(2654435761).astype(np.int32))
P2 = np.int32(np.uint32(805459861).astype(np.int32))
N_POINTS = 262144
UNITS = 64
PLANE_ROWS = HASH_SIZE // 8
LEVEL_ROWS = 2 * PLANE_ROWS
TAB_ROWS = LEVELS * LEVEL_ROWS

NW = 32
PW = N_POINTS // NW
C = 16
NCHUNK = PW // C

S0 = 18
L0_CELLS = S0 * S0 * S0
L0_BLOCKS = (L0_CELLS + 127) // 128
NL = LEVELS - 1


def _sc_body(pos_hbm, geo_hbm, col_hbm, res_hbm, enc_hbm, mask_hbm,
             pos_v, idx0_buf, idx1_buf, rem_buf, g0_v, g1_v, c0_v, c1_v,
             w_buf, enc_buf, mask_buf, res_v, grid_v,
             sidx0, sidx1, srem, sg0, sg1, sc0, sc1, sem):
    wid = lax.axis_index("s") * 2 + lax.axis_index("c")
    pltpu.sync_copy(res_hbm, res_v)
    iota = lax.iota(jnp.int32, 16)

    def stage_blk(blk, _):
        def stage_grp(g, _):
            cid = jnp.minimum(iota + g * 16 + blk * 128, L0_CELLS - 1)
            z = cid // (S0 * S0)
            r = cid - z * (S0 * S0)
            y = r // S0
            x = r - y * S0
            h = (x ^ (y * P1) ^ (z * P2)) & HASH_MASK
            t = lax.shift_right_logical(h, 3)
            r0 = (lax.shift_left(lax.shift_right_logical(t, 4), 5)
                  + (t & 15))
            lv = iota + g * 16
            plsc.store_scatter(sidx0, [lv], r0)
            plsc.store_scatter(sidx1, [lv], r0 + 16)
            plsc.store_scatter(srem, [lv], h & 7)
            return 0

        lax.fori_loop(0, 8, stage_grp, 0)
        pltpu.async_copy(geo_hbm.at[sidx0], sg0, sem)
        pltpu.async_copy(geo_hbm.at[sidx1], sg1, sem)
        pltpu.async_copy(col_hbm.at[sidx0], sc0, sem)
        pltpu.async_copy(col_hbm.at[sidx1], sc1, sem)
        pltpu.make_async_copy(geo_hbm.at[sidx0], sg0, sem).wait()
        pltpu.make_async_copy(geo_hbm.at[sidx1], sg1, sem).wait()
        pltpu.make_async_copy(col_hbm.at[sidx0], sc0, sem).wait()
        pltpu.make_async_copy(col_hbm.at[sidx1], sc1, sem).wait()

        def asm_grp(g, _):
            lv = iota + g * 16
            cid = jnp.minimum(lv + blk * 128, L0_CELLS - 1)
            rem = plsc.load_gather(srem, [lv])
            b4 = cid * 4
            plsc.store_scatter(grid_v, [b4],
                               plsc.load_gather(sg0, [lv, rem]))
            plsc.store_scatter(grid_v, [b4 + 1],
                               plsc.load_gather(sg1, [lv, rem]))
            plsc.store_scatter(grid_v, [b4 + 2],
                               plsc.load_gather(sc0, [lv, rem]))
            plsc.store_scatter(grid_v, [b4 + 3],
                               plsc.load_gather(sc1, [lv, rem]))
            return 0

        lax.fori_loop(0, 8, asm_grp, 0)
        return 0

    lax.fori_loop(0, L0_BLOCKS, stage_blk, 0)

    def chunk_body(chunk, _):
        pbase = wid * PW + chunk * C
        pltpu.sync_copy(pos_hbm.at[pl.ds(pbase, C)], pos_v.at[pl.ds(0, C)])
        pltpu.sync_copy(pos_hbm.at[pl.ds(N_POINTS + pbase, C)],
                        pos_v.at[pl.ds(C, C)])
        pltpu.sync_copy(pos_hbm.at[pl.ds(2 * N_POINTS + pbase, C)],
                        pos_v.at[pl.ds(2 * C, C)])

        x = pos_v[pl.ds(0, 16)]
        y = pos_v[pl.ds(C, 16)]
        z = pos_v[pl.ds(2 * C, 16)]
        xc = jnp.minimum(jnp.maximum(x, -1.0), 1.0)
        yc = jnp.minimum(jnp.maximum(y, -1.0), 1.0)
        zc = jnp.minimum(jnp.maximum(z, -1.0), 1.0)
        inb = jnp.logical_and(jnp.logical_and(x == xc, y == yc), z == zc)
        mask_buf[pl.ds(0, 16)] = jnp.where(inb, 1.0, 0.0).astype(jnp.float32)
        lx = (xc + 1.0) * 0.5
        ly = (yc + 1.0) * 0.5
        lz = (zc + 1.0) * 0.5
        e64 = iota * UNITS

        px = lx * 16.0
        py = ly * 16.0
        pz = lz * 16.0
        ix = px.astype(jnp.int32)
        iy = py.astype(jnp.int32)
        iz = pz.astype(jnp.int32)
        fx = px - ix.astype(jnp.float32)
        fy = py - iy.astype(jnp.float32)
        fz = pz - iz.astype(jnp.float32)
        cx = (ix, ix + 1)
        cy = (iy * S0, iy * S0 + S0)
        cz = (iz * (S0 * S0), iz * (S0 * S0) + S0 * S0)
        wx1, wx0 = fx, 1.0 - fx
        wy1, wy0 = fy, 1.0 - fy
        wz0l = (1.0 - fz, fz)
        wxy0 = (wx0 * wy0, wx1 * wy0, wx0 * wy1, wx1 * wy1)
        acc0 = [jnp.zeros((16,), jnp.float32) for _ in range(4)]
        for c in range(8):
            bx, by, bz = c & 1, (c >> 1) & 1, (c >> 2) & 1
            b4 = (cx[bx] + cy[by] + cz[bz]) * 4
            w = wxy0[c & 3] * wz0l[bz]
            for f in range(4):
                acc0[f] = acc0[f] + w * plsc.load_gather(grid_v, [b4 + f])
        for f in range(4):
            plsc.store_scatter(enc_buf, [e64 + f], acc0[f])

        def p1_level(l, _):
            res = plsc.load_gather(res_v, [jnp.full((16,), l, jnp.int32)])
            px = lx * res
            py = ly * res
            pz = lz * res
            ix = px.astype(jnp.int32)
            iy = py.astype(jnp.int32)
            iz = pz.astype(jnp.int32)
            fx = px - ix.astype(jnp.float32)
            fy = py - iy.astype(jnp.float32)
            fz = pz - iz.astype(jnp.float32)
            hx = (ix, ix + 1)
            hy = (iy * P1, iy * P1 + P1)
            hz = (iz * P2, iz * P2 + P2)
            wx1, wx0 = fx, 1.0 - fx
            wy1, wy0 = fy, 1.0 - fy
            wz = (1.0 - fz, fz)
            wxy = (wx0 * wy0, wx1 * wy0, wx0 * wy1, wx1 * wy1)
            lbase = l * LEVEL_ROWS
            for c in range(8):
                bx, by, bz = c & 1, (c >> 1) & 1, (c >> 2) & 1
                h = (hx[bx] ^ hy[by] ^ hz[bz]) & HASH_MASK
                jv = jnp.full((16,), l * 8 + c - 8, jnp.int32)
                t = lax.shift_right_logical(h, 3)
                r0 = (lbase + lax.shift_left(lax.shift_right_logical(t, 4), 5)
                      + (t & 15))
                plsc.store_scatter(idx0_buf, [iota, jv], r0)
                plsc.store_scatter(idx1_buf, [iota, jv], r0 + 16)
                plsc.store_scatter(rem_buf, [iota, jv], h & 7)
                w_off = (l * 8 + c - 8) * 16
                w_buf[pl.ds(w_off, 16)] = wxy[c & 3] * wz[bz]
            return 0

        lax.fori_loop(1, LEVELS, p1_level, 0)

        def fire(j, _):
            pltpu.async_copy(geo_hbm.at[idx0_buf.at[j]], g0_v.at[j], sem)
            pltpu.async_copy(geo_hbm.at[idx1_buf.at[j]], g1_v.at[j], sem)
            pltpu.async_copy(col_hbm.at[idx0_buf.at[j]], c0_v.at[j], sem)
            pltpu.async_copy(col_hbm.at[idx1_buf.at[j]], c1_v.at[j], sem)
            return 0

        def drain(j, _):
            pltpu.make_async_copy(geo_hbm.at[idx0_buf.at[j]], g0_v.at[j],
                                  sem).wait()
            pltpu.make_async_copy(geo_hbm.at[idx1_buf.at[j]], g1_v.at[j],
                                  sem).wait()
            pltpu.make_async_copy(col_hbm.at[idx0_buf.at[j]], c0_v.at[j],
                                  sem).wait()
            pltpu.make_async_copy(col_hbm.at[idx1_buf.at[j]], c1_v.at[j],
                                  sem).wait()
            return 0

        lax.fori_loop(0, C, fire, 0)
        lax.fori_loop(0, C, drain, 0)

        def p2_level(l, _):
            acc = [jnp.zeros((16,), jnp.float32) for _ in range(4)]
            for c in range(8):
                w = w_buf[pl.ds((l * 8 + c - 8) * 16, 16)]
                jv = jnp.full((16,), l * 8 + c - 8, jnp.int32)
                rem = plsc.load_gather(rem_buf, [iota, jv])
                acc[0] = acc[0] + w * plsc.load_gather(g0_v, [iota, jv, rem])
                acc[1] = acc[1] + w * plsc.load_gather(g1_v, [iota, jv, rem])
                acc[2] = acc[2] + w * plsc.load_gather(c0_v, [iota, jv, rem])
                acc[3] = acc[3] + w * plsc.load_gather(c1_v, [iota, jv, rem])
            for f in range(4):
                plsc.store_scatter(enc_buf, [e64 + (l * 4 + f)], acc[f])
            return 0

        lax.fori_loop(1, LEVELS, p2_level, 0)

        pltpu.sync_copy(enc_buf, enc_hbm.at[pl.ds(pbase * UNITS, C * UNITS)])
        pltpu.sync_copy(mask_buf, mask_hbm.at[pl.ds(pbase, C)])
        return 0

    lax.fori_loop(0, NCHUNK, chunk_body, 0)


def _make_sc_encoder():
    mesh = plsc.VectorSubcoreMesh(core_axis_name="c", subcore_axis_name="s")
    return pl.kernel(
        _sc_body,
        mesh=mesh,
        compiler_params=pltpu.CompilerParams(needs_layout_passes=False,
                                             use_tc_tiling_on_sc=False),
        out_type=[
            jax.ShapeDtypeStruct((N_POINTS * UNITS,), jnp.float32),
            jax.ShapeDtypeStruct((N_POINTS,), jnp.float32),
        ],
        scratch_types=[
            pltpu.VMEM((C * 3,), jnp.float32),
            pltpu.VMEM((C, NL * 8), jnp.int32),
            pltpu.VMEM((C, NL * 8), jnp.int32),
            pltpu.VMEM((C, NL * 8), jnp.int32),
            pltpu.VMEM((C, NL * 8, 8), jnp.float32),
            pltpu.VMEM((C, NL * 8, 8), jnp.float32),
            pltpu.VMEM((C, NL * 8, 8), jnp.float32),
            pltpu.VMEM((C, NL * 8, 8), jnp.float32),
            pltpu.VMEM((C * NL * 8,), jnp.float32),
            pltpu.VMEM((C * UNITS,), jnp.float32),
            pltpu.VMEM((C,), jnp.float32),
            pltpu.VMEM((LEVELS,), jnp.float32),
            pltpu.VMEM((L0_CELLS * 4,), jnp.float32),
            pltpu.VMEM((128,), jnp.int32),
            pltpu.VMEM((128,), jnp.int32),
            pltpu.VMEM((128,), jnp.int32),
            pltpu.VMEM((128, 8), jnp.float32),
            pltpu.VMEM((128, 8), jnp.float32),
            pltpu.VMEM((128, 8), jnp.float32),
            pltpu.VMEM((128, 8), jnp.float32),
            pltpu.SemaphoreType.DMA,
        ],
    )


def _mlp_body(enc_ref, w1_ref, w2_ref, geo_ref, col_ref):
    h = jnp.maximum(jnp.dot(enc_ref[...], w1_ref[...],
                            preferred_element_type=jnp.float32), 0.0)
    o = jnp.maximum(jnp.dot(h, w2_ref[...],
                            preferred_element_type=jnp.float32), 0.0)
    geo_ref[...] = o[:, :UNITS]
    col_ref[...] = o[:, UNITS:]


_BN = 1024


def _run_mlp(enc, w1b, w2b):
    grid = (N_POINTS // _BN,)
    return pl.pallas_call(
        _mlp_body,
        grid=grid,
        in_specs=[
            pl.BlockSpec((_BN, UNITS), lambda i: (i, 0)),
            pl.BlockSpec((UNITS, 2 * UNITS), lambda i: (0, 0)),
            pl.BlockSpec((2 * UNITS, 2 * UNITS), lambda i: (0, 0)),
        ],
        out_specs=[
            pl.BlockSpec((_BN, UNITS), lambda i: (i, 0)),
            pl.BlockSpec((_BN, UNITS), lambda i: (i, 0)),
        ],
        out_shape=[
            jax.ShapeDtypeStruct((N_POINTS, UNITS), jnp.float32),
            jax.ShapeDtypeStruct((N_POINTS, UNITS), jnp.float32),
        ],
    )(enc, w1b, w2b)


def kernel(pos_xyz, geo_table, geo_W1, geo_W2, color_table, color_W1, color_W2):
    pos_planes = pos_xyz.transpose(1, 0).reshape(-1)
    gtab = geo_table.reshape(LEVELS, 8192, 128, 2).transpose(
        0, 1, 3, 2).reshape(TAB_ROWS, 8)
    ctab = color_table.reshape(LEVELS, 8192, 128, 2).transpose(
        0, 1, 3, 2).reshape(TAB_ROWS, 8)
    res_arr = jnp.asarray(RES)

    enc_flat, mask = _make_sc_encoder()(pos_planes, gtab, ctab, res_arr)
    enc = enc_flat.reshape(N_POINTS, UNITS)

    g1 = geo_W1.reshape(LEVELS, 2, UNITS)
    c1 = color_W1.reshape(LEVELS, 2, UNITS)
    w1b = jnp.zeros((LEVELS, 4, 2 * UNITS), jnp.float32)
    w1b = w1b.at[:, 0:2, :UNITS].set(g1).at[:, 2:4, UNITS:].set(c1)
    w1b = w1b.reshape(4 * LEVELS, 2 * UNITS)
    w2b = jnp.zeros((2 * UNITS, 2 * UNITS), jnp.float32)
    w2b = w2b.at[:UNITS, :UNITS].set(geo_W2).at[UNITS:, UNITS:].set(color_W2)

    geo_out, col_out = _run_mlp(enc, w1b, w2b)
    return (geo_out, col_out, mask)

# --- scband reference (transcript-rebuilt; emitter-appended) ---
"""Pipeline reference for scband-hash-encoder-47588237639971 (READ-ONLY COPY).

The authoritative reference and input builder live on the scoring server;
editing this copy changes nothing except your own understanding.
"""

import jax, jax.numpy as jnp
import numpy as np

LEVELS = 16
HASH_SIZE = 1 << 20
BASE = 16.0
FINEST = 2048.0
RATIO = float(np.exp((np.log(FINEST) - np.log(BASE)) / (LEVELS - 1)))
F_PER_LEVEL = 2
BOX_MIN = -1.0
BOX_MAX = 1.0
UNITS_NERF = 64
N_POINTS = 262144


def hash_grid_encode(loc, table):
    # loc: [N, 3] in [0, 1]; table: [LEVELS, HASH_SIZE, F_PER_LEVEL]
    primes = (np.uint32(1), np.uint32(2654435761), np.uint32(805459861))
    feats = []
    for l in range(LEVELS):
        res = int(np.floor(BASE * (RATIO ** l)))
        pos = loc * jnp.float32(res)
        pos0 = jnp.floor(pos)
        frac = pos - pos0
        pos0i = pos0.astype(jnp.uint32)
        acc = jnp.zeros((loc.shape[0], F_PER_LEVEL), dtype=loc.dtype)
        for corner in range(8):
            off = np.array([(corner >> d) & 1 for d in range(3)], dtype=np.float32)
            c = pos0i + off.astype(np.uint32)
            h = (c[:, 0] * primes[0]) ^ (c[:, 1] * primes[1]) ^ (c[:, 2] * primes[2])
            idx = (h & np.uint32(HASH_SIZE - 1)).astype(jnp.int32)
            w = jnp.prod(jnp.where(off > 0, frac, 1.0 - frac), axis=-1)
            acc = acc + w[:, None] * jnp.take(table[l], idx, axis=0)
        feats.append(acc)
    return jnp.concatenate(feats, axis=-1)


def setup_inputs(seed: int = 0) -> dict:
    key = jax.random.key(seed)
    ks = jax.random.split(key, 8)
    pos_xyz = jax.random.normal(ks[0], (N_POINTS, 3), dtype=jnp.float32)
    s = 1e-4
    geo_table = jax.random.uniform(ks[1], (LEVELS, HASH_SIZE, F_PER_LEVEL), jnp.float32, -s, s)
    color_table = jax.random.uniform(ks[2], (LEVELS, HASH_SIZE, F_PER_LEVEL), jnp.float32, -s, s)
    d_in = LEVELS * F_PER_LEVEL
    geo_W1 = jax.random.normal(ks[3], (d_in, UNITS_NERF), jnp.float32) * (1.0 / np.sqrt(d_in))
    geo_W2 = jax.random.normal(ks[4], (UNITS_NERF, UNITS_NERF), jnp.float32) * (1.0 / np.sqrt(UNITS_NERF))
    color_W1 = jax.random.normal(ks[5], (d_in, UNITS_NERF), jnp.float32) * (1.0 / np.sqrt(d_in))
    color_W2 = jax.random.normal(ks[6], (UNITS_NERF, UNITS_NERF), jnp.float32) * (1.0 / np.sqrt(UNITS_NERF))
    return {"pos_xyz": pos_xyz, "geo_table": geo_table, "geo_W1": geo_W1, "geo_W2": geo_W2,
            "color_table": color_table, "color_W1": color_W1, "color_W2": color_W2}


def reference(pos_xyz, geo_table, geo_W1, geo_W2, color_table, color_W1, color_W2):
    box_min = jnp.full((3,), BOX_MIN, dtype=jnp.float32)
    box_max = jnp.full((3,), BOX_MAX, dtype=jnp.float32)
    p = jnp.reshape(pos_xyz, (-1, 3))
    clipped = jnp.maximum(jnp.minimum(p, box_max), box_min)
    mask = (jnp.sum((clipped == p).astype(jnp.int32), axis=-1) == 3).astype(jnp.float32)
    loc = (clipped - box_min) / (box_max - box_min)

    def mlp(enc, W1, W2):
        return jax.nn.relu(jax.nn.relu(enc @ W1) @ W2)

    gemo_encodings = mlp(hash_grid_encode(loc, geo_table), geo_W1, geo_W2).astype(jnp.float32)
    color_encodings = mlp(hash_grid_encode(loc, color_table), color_W1, color_W2).astype(jnp.float32)
    return (gemo_encodings, color_encodings, mask)

if __name__ == "__main__":
    import jax
    _d = setup_inputs()
    print(jax.jit(kernel)(*tuple(_d.values())))

</pallas_src>

<mosaic_0001>
#map = affine_map<(d0, d1) -> (0)>
#map1 = affine_map<(d0, d1) -> (0, 0)>
module attributes {stable_mosaic.version = 14 : i64} {
  func.func @_sc_body(%arg0: i32, %arg1: i32, %arg2: memref<786432xf32, #tpu.memory_space<hbm>>, %arg3: memref<4194304x8xf32, #tpu.memory_space<hbm>>, %arg4: memref<4194304x8xf32, #tpu.memory_space<hbm>>, %arg5: memref<16xf32, #tpu.memory_space<hbm>>, %arg6: memref<16777216xf32, #tpu.memory_space<hbm>>, %arg7: memref<262144xf32, #tpu.memory_space<hbm>>, %arg8: memref<48xf32, #tpu.memory_space<vmem>>, %arg9: memref<16x120xi32, #tpu.memory_space<vmem>>, %arg10: memref<16x120xi32, #tpu.memory_space<vmem>>, %arg11: memref<16x120xi32, #tpu.memory_space<vmem>>, %arg12: memref<16x120x8xf32, #tpu.memory_space<vmem>>, %arg13: memref<16x120x8xf32, #tpu.memory_space<vmem>>, %arg14: memref<16x120x8xf32, #tpu.memory_space<vmem>>, %arg15: memref<16x120x8xf32, #tpu.memory_space<vmem>>, %arg16: memref<1920xf32, #tpu.memory_space<vmem>>, %arg17: memref<1024xf32, #tpu.memory_space<vmem>>, %arg18: memref<16xf32, #tpu.memory_space<vmem>>, %arg19: memref<16xf32, #tpu.memory_space<vmem>>, %arg20: memref<23328xf32, #tpu.memory_space<vmem>>, %arg21: memref<128xi32, #tpu.memory_space<vmem>>, %arg22: memref<128xi32, #tpu.memory_space<vmem>>, %arg23: memref<128xi32, #tpu.memory_space<vmem>>, %arg24: memref<128x8xf32, #tpu.memory_space<vmem>>, %arg25: memref<128x8xf32, #tpu.memory_space<vmem>>, %arg26: memref<128x8xf32, #tpu.memory_space<vmem>>, %arg27: memref<128x8xf32, #tpu.memory_space<vmem>>, %arg28: memref<!tpu.dma_semaphore, #tpu.memory_space<semaphore_mem>>) attributes {dimension_semantics = [#tpu.dimension_semantics<core_parallel>, #tpu.dimension_semantics<subcore_parallel>], iteration_bounds = array<i64: 2, 16>, scalar_prefetch = 0 : i64, scratch_operands = 21 : i64, tpu.core_type = #tpu.core_type<sc_vector_subcore>, window_params = [{transform_indices = #map}, {transform_indices = #map1}, {transform_indices = #map1}, {transform_indices = #map}, {transform_indices = #map}, {transform_indices = #map}]} {
    %mul3A = arith.constant 2 : i32
    %mul3A_0 = arith.muli %arg1, %mul3A : i32
    %add3A = arith.addi %mul3A_0, %arg0 : i32
    "tpu.region"() ({
      %run_scoped3A = tpu.sem_alloc : memref<!tpu.dma_semaphore, #tpu.memory_space<semaphore_mem>>
      tpu.enqueue_dma source(%arg5 : memref<16xf32, #tpu.memory_space<hbm>>) target(%arg19 : memref<16xf32, #tpu.memory_space<vmem>>) target_semaphore(%run_scoped3A : memref<!tpu.dma_semaphore, #tpu.memory_space<semaphore_mem>>)
      tpu.wait_dma2 semaphore(%run_scoped3A : memref<!tpu.dma_semaphore, #tpu.memory_space<semaphore_mem>>) src(%arg5 : memref<16xf32, #tpu.memory_space<hbm>>) dst(%arg19 : memref<16xf32, #tpu.memory_space<vmem>>)
      tpu.yield
    }) : () -> ()
    %iota3A = tpu.iota {dimensions = array<i32: 0>} : vector<16xi32>
    %scan3A = arith.constant 0 : i32
    %scan3A_1 = arith.constant 0 : i32
    %scan3A_2 = arith.constant 46 : i32
    %scan3A_3 = arith.addi %scan3A_1, %scan3A_2 : i32
    %scan3A_4 = arith.constant 1 : i32
    %scan3A_5 = scf.for %scan3A_14 = %scan3A_1 to %scan3A_3 step %scan3A_4 iter_args(%scan3A_15 = %scan3A) -> (i32)  : i32 {
      %scan3A_16 = arith.constant 0 : i32
      %scan3A_17 = arith.constant 0 : i32
      %scan3A_18 = arith.constant 8 : i32
      %scan3A_19 = arith.addi %scan3A_17, %scan3A_18 : i32
      %scan3A_20 = arith.constant 1 : i32
      %scan3A_21 = scf.for %scan3A_53 = %scan3A_17 to %scan3A_19 step %scan3A_20 iter_args(%scan3A_54 = %scan3A_16) -> (i32)  : i32 {
        %mul3A_55 = arith.constant 16 : i32
        %mul3A_56 = arith.muli %scan3A_53, %mul3A_55 : i32
        %add3A_57 = vector.broadcast %mul3A_56 : i32 to vector<16xi32>
        %add3A_58 = arith.addi %iota3A, %add3A_57 : vector<16xi32>
        %mul3A_59 = arith.constant 128 : i32
        %mul3A_60 = arith.muli %scan3A_14, %mul3A_59 : i32
        %add3A_61 = vector.broadcast %mul3A_60 : i32 to vector<16xi32>
        %add3A_62 = arith.addi %add3A_58, %add3A_61 : vector<16xi32>
        %min3A = arith.constant 5831 : i32
        %min3A_63 = vector.broadcast %min3A : i32 to vector<16xi32>
        %min3A_64 = arith.minsi %add3A_62, %min3A_63 : vector<16xi32>
        %jit3A = arith.constant 324 : i32
        %div3A = vector.broadcast %jit3A : i32 to vector<16xi32>
        %div3A_65 = arith.divsi %min3A_64, %div3A : vector<16xi32>
        %sign3A = arith.constant 0 : i32
        %sign3A_66 = vector.broadcast %sign3A : i32 to vector<16xi32>
        %sign3A_67 = arith.cmpi sgt, %min3A_64, %sign3A_66 : vector<16xi32>
        %sign3A_68 = arith.extui %sign3A_67 : vector<16xi1> to vector<16xi32>
        %sign3A_69 = arith.constant 0 : i32
        %sign3A_70 = vector.broadcast %sign3A_69 : i32 to vector<16xi32>
        %sign3A_71 = arith.cmpi slt, %min3A_64, %sign3A_70 : vector<16xi32>
        %sign3A_72 = arith.extui %sign3A_71 : vector<16xi1> to vector<16xi32>
        %sign3A_73 = arith.subi %sign3A_68, %sign3A_72 : vector<16xi32>
        %sign3A_74 = arith.constant 0 : i32
        %sign3A_75 = arith.cmpi sgt, %jit3A, %sign3A_74 : i32
        %sign3A_76 = arith.extui %sign3A_75 : i1 to i32
        %sign3A_77 = arith.constant 0 : i32
        %sign3A_78 = arith.cmpi slt, %jit3A, %sign3A_77 : i32
        %sign3A_79 = arith.extui %sign3A_78 : i1 to i32
        %sign3A_80 = arith.subi %sign3A_76, %sign3A_79 : i32
        %ne3A = vector.broadcast %sign3A_80 : i32 to vector<16xi32>
        %ne3A_81 = arith.cmpi ne, %sign3A_73, %ne3A : vector<16xi32>
        %rem3A = vector.broadcast %jit3A : i32 to vector<16xi32>
        %rem3A_82 = arith.remsi %min3A_64, %rem3A : vector<16xi32>
        %ne3A_83 = arith.constant 0 : i32
        %ne3A_84 = vector.broadcast %ne3A_83 : i32 to vector<16xi32>
        %ne3A_85 = arith.cmpi ne, %rem3A_82, %ne3A_84 : vector<16xi32>
        %and3A = arith.andi %ne3A_81, %ne3A_85 : vector<16xi1>
        %sub3A = arith.constant 1 : i32
        %sub3A_86 = vector.broadcast %sub3A : i32 to vector<16xi32>
        %sub3A_87 = arith.subi %div3A_65, %sub3A_86 : vector<16xi32>
        %select_n3A = arith.select %and3A, %sub3A_87, %div3A_65 : vector<16xi1>, vector<16xi32>
        %mul3A_88 = arith.constant 324 : i32
        %mul3A_89 = vector.broadcast %mul3A_88 : i32 to vector<16xi32>
        %mul3A_90 = arith.muli %select_n3A, %mul3A_89 : vector<16xi32>
        %sub3A_91 = arith.subi %min3A_64, %mul3A_90 : vector<16xi32>
        %jit3A_92 = arith.constant 18 : i32
        %div3A_93 = vector.broadcast %jit3A_92 : i32 to vector<16xi32>
        %div3A_94 = arith.divsi %sub3A_91, %div3A_93 : vector<16xi32>
        %sign3A_95 = arith.constant 0 : i32
        %sign3A_96 = vector.broadcast %sign3A_95 : i32 to vector<16xi32>
        %sign3A_97 = arith.cmpi sgt, %sub3A_91, %sign3A_96 : vector<16xi32>
        %sign3A_98 = arith.extui %sign3A_97 : vector<16xi1> to vector<16xi32>
        %sign3A_99 = arith.constant 0 : i32
        %sign3A_100 = vector.broadcast %sign3A_99 : i32 to vector<16xi32>
        %sign3A_101 = arith.cmpi slt, %sub3A_91, %sign3A_100 : vector<16xi32>
        %sign3A_102 = arith.extui %sign3A_101 : vector<16xi1> to vector<16xi32>
        %sign3A_103 = arith.subi %sign3A_98, %sign3A_102 : vector<16xi32>
        %sign3A_104 = arith.constant 0 : i32
        %sign3A_105 = arith.cmpi sgt, %jit3A_92, %sign3A_104 : i32
        %sign3A_106 = arith.extui %sign3A_105 : i1 to i32
        %sign3A_107 = arith.constant 0 : i32
        %sign3A_108 = arith.cmpi slt, %jit3A_92, %sign3A_107 : i32
        %sign3A_109 = arith.extui %sign3A_108 : i1 to i32
        %sign3A_110 = arith.subi %sign3A_106, %sign3A_109 : i32
        %ne3A_111 = vector.broadcast %sign3A_110 : i32 to vector<16xi32>
        %ne3A_112 = arith.cmpi ne, %sign3A_103, %ne3A_111 : vector<16xi32>
        %rem3A_113 = vector.broadcast %jit3A_92 : i32 to vector<16xi32>
        %rem3A_114 = arith.remsi %sub3A_91, %rem3A_113 : vector<16xi32>
        %ne3A_115 = arith.constant 0 : i32
        %ne3A_116 = vector.broadcast %ne3A_115 : i32 to vector<16xi32>
        %ne3A_117 = arith.cmpi ne, %rem3A_114, %ne3A_116 : vector<16xi32>
        %and3A_118 = arith.andi %ne3A_112, %ne3A_117 : vector<16xi1>
        %sub3A_119 = arith.constant 1 : i32
        %sub3A_120 = vector.broadcast %sub3A_119 : i32 to vector<16xi32>
        %sub3A_121 = arith.subi %div3A_94, %sub3A_120 : vector<16xi32>
        %select_n3A_122 = arith.select %and3A_118, %sub3A_121, %div3A_94 : vector<16xi1>, vector<16xi32>
        %mul3A_123 = arith.constant 18 : i32
        %mul3A_124 = vector.broadcast %mul3A_123 : i32 to vector<16xi32>
        %mul3A_125 = arith.muli %select_n3A_122, %mul3A_124 : vector<16xi32>
        %sub3A_126 = arith.subi %sub3A_91, %mul3A_125 : vector<16xi32>
        %mul3A_127 = arith.constant -1640531535 : i32
        %mul3A_128 = vector.broadcast %mul3A_127 : i32 to vector<16xi32>
        %mul3A_129 = arith.muli %select_n3A_122, %mul3A_128 : vector<16xi32>
        %xor3A = arith.xori %sub3A_126, %mul3A_129 : vector<16xi32>
        %mul3A_130 = arith.constant 805459861 : i32
        %mul3A_131 = vector.broadcast %mul3A_130 : i32 to vector<16xi32>
        %mul3A_132 = arith.muli %select_n3A, %mul3A_131 : vector<16xi32>
        %xor3A_133 = arith.xori %xor3A, %mul3A_132 : vector<16xi32>
        %and3A_134 = arith.constant 1048575 : i32
        %and3A_135 = vector.broadcast %and3A_134 : i32 to vector<16xi32>
        %and3A_136 = arith.andi %xor3A_133, %and3A_135 : vector<16xi32>
        %shift_right_logical3A = arith.constant 3 : i32
        %shift_right_logical3A_137 = vector.broadcast %shift_right_logical3A : i32 to vector<16xi32>
        %shift_right_logical3A_138 = arith.shrui %and3A_136, %shift_right_logical3A_137 : vector<16xi32>
        %shift_right_logical3A_139 = arith.constant 4 : i32
        %shift_right_logical3A_140 = vector.broadcast %shift_right_logical3A_139 : i32 to vector<16xi32>
        %shift_right_logical3A_141 = arith.shrui %shift_right_logical3A_138, %shift_right_logical3A_140 : vector<16xi32>
        %shift_left3A = arith.constant 5 : i32
        %shift_left3A_142 = vector.broadcast %shift_left3A : i32 to vector<16xi32>
        %shift_left3A_143 = arith.shli %shift_right_logical3A_141, %shift_left3A_142 : vector<16xi32>
        %and3A_144 = arith.constant 15 : i32
        %and3A_145 = vector.broadcast %and3A_144 : i32 to vector<16xi32>
        %and3A_146 = arith.andi %shift_right_logical3A_138, %and3A_145 : vector<16xi32>
        %add3A_147 = arith.addi %shift_left3A_143, %and3A_146 : vector<16xi32>
        %mul3A_148 = arith.constant 16 : i32
        %mul3A_149 = arith.muli %scan3A_53, %mul3A_148 : i32
        %add3A_150 = vector.broadcast %mul3A_149 : i32 to vector<16xi32>
        %add3A_151 = arith.addi %iota3A, %add3A_150 : vector<16xi32>
        tpu.vector_store_idx %arg21[%add3A_151], %add3A_147 : memref<128xi32, #tpu.memory_space<vmem>>[vector<16xi32>], vector<16xi32>,
        %add3A_152 = arith.constant 16 : i32
        %add3A_153 = vector.broadcast %add3A_152 : i32 to vector<16xi32>
        %add3A_154 = arith.addi %add3A_147, %add3A_153 : vector<16xi32>
        tpu.vector_store_idx %arg22[%add3A_151], %add3A_154 : memref<128xi32, #tpu.memory_space<vmem>>[vector<16xi32>], vector<16xi32>,
        %and3A_155 = arith.constant 7 : i32
        %and3A_156 = vector.broadcast %and3A_155 : i32 to vector<16xi32>
        %and3A_157 = arith.andi %and3A_136, %and3A_156 : vector<16xi32>
        tpu.vector_store_idx %arg23[%add3A_151], %and3A_157 : memref<128xi32, #tpu.memory_space<vmem>>[vector<16xi32>], vector<16xi32>,
        %scan3A_158 = arith.constant 0 : i32
        scf.yield %scan3A_158 : i32
      }
      %scan3A_22 = arith.constant 8 : i32
      %dma_start3A = arith.constant 0 : i32
      %dma_start3A_23 = arith.constant 0 : i32
      %dma_start3A_24 = tpu.memref_slice %arg3[%dma_start3A, %dma_start3A_23] : memref<4194304x8xf32, #tpu.memory_space<hbm>> -> memref<4194304x8xf32, #tpu.memory_space<hbm>>
      tpu.enqueue_indirect_dma source(%dma_start3A_24 : memref<4194304x8xf32, #tpu.memory_space<hbm>>) target(%arg24 : memref<128x8xf32, #tpu.memory_space<vmem>>) offsets(%arg21 : memref<128xi32, #tpu.memory_space<vmem>>) semaphore(%arg28 : memref<!tpu.dma_semaphore, #tpu.memory_space<semaphore_mem>>)
      %dma_start3A_25 = arith.constant 0 : i32
      %dma_start3A_26 = arith.constant 0 : i32
      %dma_start3A_27 = tpu.memref_slice %arg3[%dma_start3A_25, %dma_start3A_26] : memref<4194304x8xf32, #tpu.memory_space<hbm>> -> memref<4194304x8xf32, #tpu.memory_space<hbm>>
      tpu.enqueue_indirect_dma source(%dma_start3A_27 : memref<4194304x8xf32, #tpu.memory_space<hbm>>) target(%arg25 : memref<128x8xf32, #tpu.memory_space<vmem>>) offsets(%arg22 : memref<128xi32, #tpu.memory_space<vmem>>) semaphore(%arg28 : memref<!tpu.dma_semaphore, #tpu.memory_space<semaphore_mem>>)
      %dma_start3A_28 = arith.constant 0 : i32
      %dma_start3A_29 = arith.constant 0 : i32
      %dma_start3A_30 = tpu.memref_slice %arg4[%dma_start3A_28, %dma_start3A_29] : memref<4194304x8xf32, #tpu.memory_space<hbm>> -> memref<4194304x8xf32, #tpu.memory_space<hbm>>
      tpu.enqueue_indirect_dma source(%dma_start3A_30 : memref<4194304x8xf32, #tpu.memory_space<hbm>>) target(%arg26 : memref<128x8xf32, #tpu.memory_space<vmem>>) offsets(%arg21 : memref<128xi32, #tpu.memory_space<vmem>>) semaphore(%arg28 : memref<!tpu.dma_semaphore, #tpu.memory_space<semaphore_mem>>)
      %dma_start3A_31 = arith.constant 0 : i32
      %dma_start3A_32 = arith.constant 0 : i32
      %dma_start3A_33 = tpu.memref_slice %arg4[%dma_start3A_31, %dma_start3A_32] : memref<4194304x8xf32, #tpu.memory_space<hbm>> -> memref<4194304x8xf32, #tpu.memory_space<hbm>>
      tpu.enqueue_indirect_dma source(%dma_start3A_33 : memref<4194304x8xf32, #tpu.memory_space<hbm>>) target(%arg27 : memref<128x8xf32, #tpu.memory_space<vmem>>) offsets(%arg22 : memref<128xi32, #tpu.memory_space<vmem>>) semaphore(%arg28 : memref<!tpu.dma_semaphore, #tpu.memory_space<semaphore_mem>>)
      %dma_wait3A = arith.constant 0 : i32
      %dma_wait3A_34 = arith.constant 0 : i32
      %dma_wait3A_35 = tpu.memref_slice %arg3[%dma_wait3A, %dma_wait3A_34] : memref<4194304x8xf32, #tpu.memory_space<hbm>> -> memref<4194304x8xf32, #tpu.memory_space<hbm>>
      tpu.wait_indirect_dma semaphore(%arg28 : memref<!tpu.dma_semaphore, #tpu.memory_space<semaphore_mem>>) src(%dma_wait3A_35 : memref<4194304x8xf32, #tpu.memory_space<hbm>>) dst(%arg24 : memref<128x8xf32, #tpu.memory_space<vmem>>)
      %dma_wait3A_36 = arith.constant 0 : i32
      %dma_wait3A_37 = arith.constant 0 : i32
      %dma_wait3A_38 = tpu.memref_slice %arg3[%dma_wait3A_36, %dma_wait3A_37] : memref<4194304x8xf32, #tpu.memory_space<hbm>> -> memref<4194304x8xf32, #tpu.memory_space<hbm>>
      tpu.wait_indirect_dma semaphore(%arg28 : memref<!tpu.dma_semaphore, #tpu.memory_space<semaphore_mem>>) src(%dma_wait3A_38 : memref<4194304x8xf32, #tpu.memory_space<hbm>>) dst(%arg25 : memref<128x8xf32, #tpu.memory_space<vmem>>)
      %dma_wait3A_39 = arith.constant 0 : i32
      %dma_wait3A_40 = arith.constant 0 : i32
      %dma_wait3A_41 = tpu.memref_slice %arg4[%dma_wait3A_39, %dma_wait3A_40] : memref<4194304x8xf32, #tpu.memory_space<hbm>> -> memref<4194304x8xf32, #tpu.memory_space<hbm>>
      tpu.wait_indirect_dma semaphore(%arg28 : memref<!tpu.dma_semaphore, #tpu.memory_space<semaphore_mem>>) src(%dma_wait3A_41 : memref<4194304x8xf32, #tpu.memory_space<hbm>>) dst(%arg26 : memref<128x8xf32, #tpu.memory_space<vmem>>)
      %dma_wait3A_42 = arith.constant 0 : i32
      %dma_wait3A_43 = arith.constant 0 : i32
      %dma_wait3A_44 = tpu.memref_slice %arg4[%dma_wait3A_42, %dma_wait3A_43] : memref<4194304x8xf32, #tpu.memory_space<hbm>> -> memref<4194304x8xf32, #tpu.memory_space<hbm>>
      tpu.wait_indirect_dma semaphore(%arg28 : memref<!tpu.dma_semaphore, #tpu.memory_space<semaphore_mem>>) src(%dma_wait3A_44 : memref<4194304x8xf32, #tpu.memory_space<hbm>>) dst(%arg27 : memref<128x8xf32, #tpu.memory_space<vmem>>)
      %scan3A_45 = arith.constant 0 : i32
      %scan3A_46 = arith.constant 0 : i32
      %scan3A_47 = arith.constant 8 : i32
      %scan3A_48 = arith.addi %scan3A_46, %scan3A_47 : i32
      %scan3A_49 = arith.constant 1 : i32
      %scan3A_50 = scf.for %scan3A_53 = %scan3A_46 to %scan3A_48 step %scan3A_49 iter_args(%scan3A_54 = %scan3A_45) -> (i32)  : i32 {
        %mul3A_55 = arith.constant 16 : i32
        %mul3A_56 = arith.muli %scan3A_53, %mul3A_55 : i32
        %add3A_57 = vector.broadcast %mul3A_56 : i32 to vector<16xi32>
        %add3A_58 = arith.addi %iota3A, %add3A_57 : vector<16xi32>
        %mul3A_59 = arith.constant 128 : i32
        %mul3A_60 = arith.muli %scan3A_14, %mul3A_59 : i32
        %add3A_61 = vector.broadcast %mul3A_60 : i32 to vector<16xi32>
        %add3A_62 = arith.addi %add3A_58, %add3A_61 : vector<16xi32>
        %min3A = arith.constant 5831 : i32
        %min3A_63 = vector.broadcast %min3A : i32 to vector<16xi32>
        %min3A_64 = arith.minsi %add3A_62, %min3A_63 : vector<16xi32>
        %gather3A = tpu.vector_load_idx %arg23[%add3A_58] : memref<128xi32, #tpu.memory_space<vmem>>[vector<16xi32>], vector<16xi32>,
        %mul3A_65 = arith.constant 4 : i32
        %mul3A_66 = vector.broadcast %mul3A_65 : i32 to vector<16xi32>
        %mul3A_67 = arith.muli %min3A_64, %mul3A_66 : vector<16xi32>
        %gather3A_68 = tpu.vector_load_idx %arg24[%add3A_58, %gather3A] : memref<128x8xf32, #tpu.memory_space<vmem>>[vector<16xi32>, vector<16xi32>], vector<16xf32>,
        tpu.vector_store_idx %arg20[%mul3A_67], %gather3A_68 : memref<23328xf32, #tpu.memory_space<vmem>>[vector<16xi32>], vector<16xf32>,
        %add3A_69 = arith.constant 1 : i32
        %add3A_70 = vector.broadcast %add3A_69 : i32 to vector<16xi32>
        %add3A_71 = arith.addi %mul3A_67, %add3A_70 : vector<16xi32>
        %gather3A_72 = tpu.vector_load_idx %arg25[%add3A_58, %gather3A] : memref<128x8xf32, #tpu.memory_space<vmem>>[vector<16xi32>, vector<16xi32>], vector<16xf32>,
        tpu.vector_store_idx %arg20[%add3A_71], %gather3A_72 : memref<23328xf32, #tpu.memory_space<vmem>>[vector<16xi32>], vector<16xf32>,
        %add3A_73 = arith.constant 2 : i32
        %add3A_74 = vector.broadcast %add3A_73 : i32 to vector<16xi32>
        %add3A_75 = arith.addi %mul3A_67, %add3A_74 : vector<16xi32>
        %gather3A_76 = tpu.vector_load_idx %arg26[%add3A_58, %gather3A] : memref<128x8xf32, #tpu.memory_space<vmem>>[vector<16xi32>, vector<16xi32>], vector<16xf32>,
        tpu.vector_store_idx %arg20[%add3A_75], %gather3A_76 : memref<23328xf32, #tpu.memory_space<vmem>>[vector<16xi32>], vector<16xf32>,
        %add3A_77 = arith.constant 3 : i32
        %add3A_78 = vector.broadcast %add3A_77 : i32 to vector<16xi32>
        %add3A_79 = arith.addi %mul3A_67, %add3A_78 : vector<16xi32>
        %gather3A_80 = tpu.vector_load_idx %arg27[%add3A_58, %gather3A] : memref<128x8xf32, #tpu.memory_space<vmem>>[vector<16xi32>, vector<16xi32>], vector<16xf32>,
        tpu.vector_store_idx %arg20[%add3A_79], %gather3A_80 : memref<23328xf32, #tpu.memory_space<vmem>>[vector<16xi32>], vector<16xf32>,
        %scan3A_81 = arith.constant 0 : i32
        scf.yield %scan3A_81 : i32
      }
      %scan3A_51 = arith.constant 8 : i32
      %scan3A_52 = arith.constant 0 : i32
      scf.yield %scan3A_52 : i32
    }
    %scan3A_6 = arith.constant 46 : i32
    %scan3A_7 = arith.constant 0 : i32
    %scan3A_8 = arith.constant 0 : i32
    %scan3A_9 = arith.constant 512 : i32
    %scan3A_10 = arith.addi %scan3A_8, %scan3A_9 : i32
    %scan3A_11 = arith.constant 1 : i32
    %scan3A_12 = scf.for %scan3A_14 = %scan3A_8 to %scan3A_10 step %scan3A_11 iter_args(%scan3A_15 = %scan3A_7) -> (i32)  : i32 {
      %mul3A_16 = arith.constant 8192 : i32
      %mul3A_17 = arith.muli %add3A, %mul3A_16 : i32
      %mul3A_18 = arith.constant 16 : i32
      %mul3A_19 = arith.muli %scan3A_14, %mul3A_18 : i32
      %add3A_20 = arith.addi %mul3A_17, %mul3A_19 : i32
      "tpu.region"() ({
        %run_scoped3A = tpu.sem_alloc : memref<!tpu.dma_semaphore, #tpu.memory_space<semaphore_mem>>
        %dma_start3A = arith.constant 0 : i32
        %dma_start3A_413 = tpu.memref_slice %arg8[%dma_start3A] : memref<48xf32, #tpu.memory_space<vmem>> -> memref<16xf32, #tpu.memory_space<vmem>>
        %dma_start3A_414 = tpu.memref_slice %arg2[%add3A_20] : memref<786432xf32, #tpu.memory_space<hbm>> -> memref<16xf32, #tpu.memory_space<hbm>>
        %dma_start3A_415 = arith.constant 0 : i32
        %dma_start3A_416 = tpu.memref_slice %arg8[%dma_start3A_415] : memref<48xf32, #tpu.memory_space<vmem>> -> memref<16xf32, #tpu.memory_space<vmem>>
        %dma_start3A_417 = tpu.memref_slice %arg2[%add3A_20] : memref<786432xf32, #tpu.memory_space<hbm>> -> memref<16xf32, #tpu.memory_space<hbm>>
        tpu.enqueue_dma source(%dma_start3A_417 : memref<16xf32, #tpu.memory_space<hbm>>) target(%dma_start3A_416 : memref<16xf32, #tpu.memory_space<vmem>>) target_semaphore(%run_scoped3A : memref<!tpu.dma_semaphore, #tpu.memory_space<semaphore_mem>>)
        %dma_wait3A = arith.constant 0 : i32
        %dma_wait3A_418 = tpu.memref_slice %arg8[%dma_wait3A] : memref<48xf32, #tpu.memory_space<vmem>> -> memref<16xf32, #tpu.memory_space<vmem>>
        %dma_wait3A_419 = tpu.memref_slice %arg2[%add3A_20] : memref<786432xf32, #tpu.memory_space<hbm>> -> memref<16xf32, #tpu.memory_space<hbm>>
        %dma_wait3A_420 = arith.constant 0 : i32
        %dma_wait3A_421 = tpu.memref_slice %arg8[%dma_wait3A_420] : memref<48xf32, #tpu.memory_space<vmem>> -> memref<16xf32, #tpu.memory_space<vmem>>
        %dma_wait3A_422 = tpu.memref_slice %arg2[%add3A_20] : memref<786432xf32, #tpu.memory_space<hbm>> -> memref<16xf32, #tpu.memory_space<hbm>>
        tpu.wait_dma2 semaphore(%run_scoped3A : memref<!tpu.dma_semaphore, #tpu.memory_space<semaphore_mem>>) src(%dma_wait3A_422 : memref<16xf32, #tpu.memory_space<hbm>>) dst(%dma_wait3A_421 : memref<16xf32, #tpu.memory_space<vmem>>)
        tpu.yield
      }) : () -> ()
      %add3A_21 = arith.constant 262144 : i32
      %add3A_22 = arith.addi %add3A_21, %add3A_20 : i32
      "tpu.region"() ({
        %run_scoped3A = tpu.sem_alloc : memref<!tpu.dma_semaphore, #tpu.memory_space<semaphore_mem>>
        %dma_start3A = arith.constant 16 : i32
        %dma_start3A_413 = tpu.memref_slice %arg8[%dma_start3A] : memref<48xf32, #tpu.memory_space<vmem>> -> memref<16xf32, #tpu.memory_space<vmem>>
        %dma_start3A_414 = tpu.memref_slice %arg2[%add3A_22] : memref<786432xf32, #tpu.memory_space<hbm>> -> memref<16xf32, #tpu.memory_space<hbm>>
        %dma_start3A_415 = arith.constant 16 : i32
        %dma_start3A_416 = tpu.memref_slice %arg8[%dma_start3A_415] : memref<48xf32, #tpu.memory_space<vmem>> -> memref<16xf32, #tpu.memory_space<vmem>>
        %dma_start3A_417 = tpu.memref_slice %arg2[%add3A_22] : memref<786432xf32, #tpu.memory_space<hbm>> -> memref<16xf32, #tpu.memory_space<hbm>>
        tpu.enqueue_dma source(%dma_start3A_417 : memref<16xf32, #tpu.memory_space<hbm>>) target(%dma_start3A_416 : memref<16xf32, #tpu.memory_space<vmem>>) target_semaphore(%run_scoped3A : memref<!tpu.dma_semaphore, #tpu.memory_space<semaphore_mem>>)
        %dma_wait3A = arith.constant 16 : i32
        %dma_wait3A_418 = tpu.memref_slice %arg8[%dma_wait3A] : memref<48xf32, #tpu.memory_space<vmem>> -> memref<16xf32, #tpu.memory_space<vmem>>
        %dma_wait3A_419 = tpu.memref_slice %arg2[%add3A_22] : memref<786432xf32, #tpu.memory_space<hbm>> -> memref<16xf32, #tpu.memory_space<hbm>>
        %dma_wait3A_420 = arith.constant 16 : i32
        %dma_wait3A_421 = tpu.memref_slice %arg8[%dma_wait3A_420] : memref<48xf32, #tpu.memory_space<vmem>> -> memref<16xf32, #tpu.memory_space<vmem>>
        %dma_wait3A_422 = tpu.memref_slice %arg2[%add3A_22] : memref<786432xf32, #tpu.memory_space<hbm>> -> memref<16xf32, #tpu.memory_space<hbm>>
        tpu.wait_dma2 semaphore(%run_scoped3A : memref<!tpu.dma_semaphore, #tpu.memory_space<semaphore_mem>>) src(%dma_wait3A_422 : memref<16xf32, #tpu.memory_space<hbm>>) dst(%dma_wait3A_421 : memref<16xf32, #tpu.memory_space<vmem>>)
        tpu.yield
      }) : () -> ()
      %add3A_23 = arith.constant 524288 : i32
      %add3A_24 = arith.addi %add3A_23, %add3A_20 : i32
      "tpu.region"() ({
        %run_scoped3A = tpu.sem_alloc : memref<!tpu.dma_semaphore, #tpu.memory_space<semaphore_mem>>
        %dma_start3A = arith.constant 32 : i32
        %dma_start3A_413 = tpu.memref_slice %arg8[%dma_start3A] : memref<48xf32, #tpu.memory_space<vmem>> -> memref<16xf32, #tpu.memory_space<vmem>>
        %dma_start3A_414 = tpu.memref_slice %arg2[%add3A_24] : memref<786432xf32, #tpu.memory_space<hbm>> -> memref<16xf32, #tpu.memory_space<hbm>>
        %dma_start3A_415 = arith.constant 32 : i32
        %dma_start3A_416 = tpu.memref_slice %arg8[%dma_start3A_415] : memref<48xf32, #tpu.memory_space<vmem>> -> memref<16xf32, #tpu.memory_space<vmem>>
        %dma_start3A_417 = tpu.memref_slice %arg2[%add3A_24] : memref<786432xf32, #tpu.memory_space<hbm>> -> memref<16xf32, #tpu.memory_space<hbm>>
        tpu.enqueue_dma source(%dma_start3A_417 : memref<16xf32, #tpu.memory_space<hbm>>) target(%dma_start3A_416 : memref<16xf32, #tpu.memory_space<vmem>>) target_semaphore(%run_scoped3A : memref<!tpu.dma_semaphore, #tpu.memory_space<semaphore_mem>>)
        %dma_wait3A = arith.constant 32 : i32
        %dma_wait3A_418 = tpu.memref_slice %arg8[%dma_wait3A] : memref<48xf32, #tpu.memory_space<vmem>> -> memref<16xf32, #tpu.memory_space<vmem>>
        %dma_wait3A_419 = tpu.memref_slice %arg2[%add3A_24] : memref<786432xf32, #tpu.memory_space<hbm>> -> memref<16xf32, #tpu.memory_space<hbm>>
        %dma_wait3A_420 = arith.constant 32 : i32
        %dma_wait3A_421 = tpu.memref_slice %arg8[%dma_wait3A_420] : memref<48xf32, #tpu.memory_space<vmem>> -> memref<16xf32, #tpu.memory_space<vmem>>
        %dma_wait3A_422 = tpu.memref_slice %arg2[%add3A_24] : memref<786432xf32, #tpu.memory_space<hbm>> -> memref<16xf32, #tpu.memory_space<hbm>>
        tpu.wait_dma2 semaphore(%run_scoped3A : memref<!tpu.dma_semaphore, #tpu.memory_space<semaphore_mem>>) src(%dma_wait3A_422 : memref<16xf32, #tpu.memory_space<hbm>>) dst(%dma_wait3A_421 : memref<16xf32, #tpu.memory_space<vmem>>)
        tpu.yield
      }) : () -> ()
      %get3A = arith.constant 0 : index
      %get3A_25 = tpu.vector_load %arg8[%get3A] {strides = array<i32>} : memref<48xf32, #tpu.memory_space<vmem>>, vector<16xf32>,
      %get3A_26 = arith.constant 16 : index
      %get3A_27 = tpu.vector_load %arg8[%get3A_26] {strides = array<i32>} : memref<48xf32, #tpu.memory_space<vmem>>, vector<16xf32>,
      %get3A_28 = arith.constant 32 : index
      %get3A_29 = tpu.vector_load %arg8[%get3A_28] {strides = array<i32>} : memref<48xf32, #tpu.memory_space<vmem>>, vector<16xf32>,
      %max3A = arith.constant -1.000000e+00 : f32
      %max3A_30 = vector.broadcast %max3A : f32 to vector<16xf32>
      %max3A_31 = arith.maximumf %get3A_25, %max3A_30 : vector<16xf32>
      %min3A = arith.constant 1.000000e+00 : f32
      %min3A_32 = vector.broadcast %min3A : f32 to vector<16xf32>
      %min3A_33 = arith.minimumf %max3A_31, %min3A_32 : vector<16xf32>
      %max3A_34 = arith.constant -1.000000e+00 : f32
      %max3A_35 = vector.broadcast %max3A_34 : f32 to vector<16xf32>
      %max3A_36 = arith.maximumf %get3A_27, %max3A_35 : vector<16xf32>
      %min3A_37 = arith.constant 1.000000e+00 : f32
      %min3A_38 = vector.broadcast %min3A_37 : f32 to vector<16xf32>
      %min3A_39 = arith.minimumf %max3A_36, %min3A_38 : vector<16xf32>
      %max3A_40 = arith.constant -1.000000e+00 : f32
      %max3A_41 = vector.broadcast %max3A_40 : f32 to vector<16xf32>
      %max3A_42 = arith.maximumf %get3A_29, %max3A_41 : vector<16xf32>
      %min3A_43 = arith.constant 1.000000e+00 : f32
      %min3A_44 = vector.broadcast %min3A_43 : f32 to vector<16xf32>
      %min3A_45 = arith.minimumf %max3A_42, %min3A_44 : vector<16xf32>
      %eq3A = arith.cmpf oeq, %get3A_25, %min3A_33 : vector<16xf32>
      %eq3A_46 = arith.cmpf oeq, %get3A_27, %min3A_39 : vector<16xf32>
      %and3A = arith.andi %eq3A, %eq3A_46 : vector<16xi1>
      %eq3A_47 = arith.cmpf oeq, %get3A_29, %min3A_45 : vector<16xf32>
      %and3A_48 = arith.andi %and3A, %eq3A_47 : vector<16xi1>
      %jit3A = arith.constant 1.000000e+00 : f32
      %jit3A_49 = arith.constant 0.000000e+00 : f32
      %broadcast_in_dim3A = vector.broadcast %jit3A : f32 to vector<16xf32>
      %broadcast_in_dim3A_50 = vector.broadcast %jit3A_49 : f32 to vector<16xf32>
      %select_n3A = arith.select %and3A_48, %broadcast_in_dim3A, %broadcast_in_dim3A_50 : vector<16xi1>, vector<16xf32>
      %swap3A = arith.constant 0 : index
      %swap3A_51 = tpu.vector_load %arg18[%swap3A] {strides = array<i32>} : memref<16xf32, #tpu.memory_space<vmem>>, vector<16xf32>,
      tpu.vector_store %arg18[%swap3A], %select_n3A {strides = array<i32>} : memref<16xf32, #tpu.memory_space<vmem>>, vector<16xf32>,
      %add3A_52 = arith.constant 1.000000e+00 : f32
      %add3A_53 = vector.broadcast %add3A_52 : f32 to vector<16xf32>
      %add3A_54 = arith.addf %min3A_33, %add3A_53 : vector<16xf32>
      %mul3A_55 = arith.constant 5.000000e-01 : f32
      %mul3A_56 = vector.broadcast %mul3A_55 : f32 to vector<16xf32>
      %mul3A_57 = arith.mulf %add3A_54, %mul3A_56 : vector<16xf32>
      %add3A_58 = arith.constant 1.000000e+00 : f32
      %add3A_59 = vector.broadcast %add3A_58 : f32 to vector<16xf32>
      %add3A_60 = arith.addf %min3A_39, %add3A_59 : vector<16xf32>
      %mul3A_61 = arith.constant 5.000000e-01 : f32
      %mul3A_62 = vector.broadcast %mul3A_61 : f32 to vector<16xf32>
      %mul3A_63 = arith.mulf %add3A_60, %mul3A_62 : vector<16xf32>
      %add3A_64 = arith.constant 1.000000e+00 : f32
      %add3A_65 = vector.broadcast %add3A_64 : f32 to vector<16xf32>
      %add3A_66 = arith.addf %min3A_45, %add3A_65 : vector<16xf32>
      %mul3A_67 = arith.constant 5.000000e-01 : f32
      %mul3A_68 = vector.broadcast %mul3A_67 : f32 to vector<16xf32>
      %mul3A_69 = arith.mulf %add3A_66, %mul3A_68 : vector<16xf32>
      %mul3A_70 = arith.constant 64 : i32
      %mul3A_71 = vector.broadcast %mul3A_70 : i32 to vector<16xi32>
      %mul3A_72 = arith.muli %iota3A, %mul3A_71 : vector<16xi32>
      %mul3A_73 = arith.constant 1.600000e+01 : f32
      %mul3A_74 = vector.broadcast %mul3A_73 : f32 to vector<16xf32>
      %mul3A_75 = arith.mulf %mul3A_57, %mul3A_74 : vector<16xf32>
      %mul3A_76 = arith.constant 1.600000e+01 : f32
      %mul3A_77 = vector.broadcast %mul3A_76 : f32 to vector<16xf32>
      %mul3A_78 = arith.mulf %mul3A_63, %mul3A_77 : vector<16xf32>
      %mul3A_79 = arith.constant 1.600000e+01 : f32
      %mul3A_80 = vector.broadcast %mul3A_79 : f32 to vector<16xf32>
      %mul3A_81 = arith.mulf %mul3A_69, %mul3A_80 : vector<16xf32>
      %convert_element_type3A = arith.fptosi %mul3A_75 : vector<16xf32> to vector<16xi32>
      %convert_element_type3A_82 = arith.fptosi %mul3A_78 : vector<16xf32> to vector<16xi32>
      %convert_element_type3A_83 = arith.fptosi %mul3A_81 : vector<16xf32> to vector<16xi32>
      %convert_element_type3A_84 = arith.sitofp %convert_element_type3A : vector<16xi32> to vector<16xf32>
      %sub3A = arith.subf %mul3A_75, %convert_element_type3A_84 : vector<16xf32>
      %convert_element_type3A_85 = arith.sitofp %convert_element_type3A_82 : vector<16xi32> to vector<16xf32>
      %sub3A_86 = arith.subf %mul3A_78, %convert_element_type3A_85 : vector<16xf32>
      %convert_element_type3A_87 = arith.sitofp %convert_element_type3A_83 : vector<16xi32> to vector<16xf32>
      %sub3A_88 = arith.subf %mul3A_81, %convert_element_type3A_87 : vector<16xf32>
      %add3A_89 = arith.constant 1 : i32
      %add3A_90 = vector.broadcast %add3A_89 : i32 to vector<16xi32>
      %add3A_91 = arith.addi %convert_element_type3A, %add3A_90 : vector<16xi32>
      %mul3A_92 = arith.constant 18 : i32
      %mul3A_93 = vector.broadcast %mul3A_92 : i32 to vector<16xi32>
      %mul3A_94 = arith.muli %convert_element_type3A_82, %mul3A_93 : vector<16xi32>
      %mul3A_95 = arith.constant 18 : i32
      %mul3A_96 = vector.broadcast %mul3A_95 : i32 to vector<16xi32>
      %mul3A_97 = arith.muli %convert_element_type3A_82, %mul3A_96 : vector<16xi32>
      %add3A_98 = arith.constant 18 : i32
      %add3A_99 = vector.broadcast %add3A_98 : i32 to vector<16xi32>
      %add3A_100 = arith.addi %mul3A_97, %add3A_99 : vector<16xi32>
      %mul3A_101 = arith.constant 324 : i32
      %mul3A_102 = vector.broadcast %mul3A_101 : i32 to vector<16xi32>
      %mul3A_103 = arith.muli %convert_element_type3A_83, %mul3A_102 : vector<16xi32>
      %mul3A_104 = arith.constant 324 : i32
      %mul3A_105 = vector.broadcast %mul3A_104 : i32 to vector<16xi32>
      %mul3A_106 = arith.muli %convert_element_type3A_83, %mul3A_105 : vector<16xi32>
      %add3A_107 = arith.constant 324 : i32
      %add3A_108 = vector.broadcast %add3A_107 : i32 to vector<16xi32>
      %add3A_109 = arith.addi %mul3A_106, %add3A_108 : vector<16xi32>
      %sub3A_110 = arith.constant 1.000000e+00 : f32
      %sub3A_111 = vector.broadcast %sub3A_110 : f32 to vector<16xf32>
      %sub3A_112 = arith.subf %sub3A_111, %sub3A : vector<16xf32>
      %sub3A_113 = arith.constant 1.000000e+00 : f32
      %sub3A_114 = vector.broadcast %sub3A_113 : f32 to vector<16xf32>
      %sub3A_115 = arith.subf %sub3A_114, %sub3A_86 : vector<16xf32>
      %sub3A_116 = arith.constant 1.000000e+00 : f32
      %sub3A_117 = vector.broadcast %sub3A_116 : f32 to vector<16xf32>
      %sub3A_118 = arith.subf %sub3A_117, %sub3A_88 : vector<16xf32>
      %mul3A_119 = arith.mulf %sub3A_112, %sub3A_115 : vector<16xf32>
      %mul3A_120 = arith.mulf %sub3A, %sub3A_115 : vector<16xf32>
      %mul3A_121 = arith.mulf %sub3A_112, %sub3A_86 : vector<16xf32>
      %mul3A_122 = arith.mulf %sub3A, %sub3A_86 : vector<16xf32>
      %broadcast_in_dim3A_123 = arith.constant 0.000000e+00 : f32
      %broadcast_in_dim3A_124 = vector.broadcast %broadcast_in_dim3A_123 : f32 to vector<16xf32>
      %broadcast_in_dim3A_125 = arith.constant 0.000000e+00 : f32
      %broadcast_in_dim3A_126 = vector.broadcast %broadcast_in_dim3A_125 : f32 to vector<16xf32>
      %broadcast_in_dim3A_127 = arith.constant 0.000000e+00 : f32
      %broadcast_in_dim3A_128 = vector.broadcast %broadcast_in_dim3A_127 : f32 to vector<16xf32>
      %broadcast_in_dim3A_129 = arith.constant 0.000000e+00 : f32
      %broadcast_in_dim3A_130 = vector.broadcast %broadcast_in_dim3A_129 : f32 to vector<16xf32>
      %add3A_131 = arith.addi %convert_element_type3A, %mul3A_94 : vector<16xi32>
      %add3A_132 = arith.addi %add3A_131, %mul3A_103 : vector<16xi32>
      %mul3A_133 = arith.constant 4 : i32
      %mul3A_134 = vector.broadcast %mul3A_133 : i32 to vector<16xi32>
      %mul3A_135 = arith.muli %add3A_132, %mul3A_134 : vector<16xi32>
      %mul3A_136 = arith.mulf %mul3A_119, %sub3A_118 : vector<16xf32>
      %add3A_137 = arith.constant 0 : i32
      %add3A_138 = vector.broadcast %add3A_137 : i32 to vector<16xi32>
      %add3A_139 = arith.addi %mul3A_135, %add3A_138 : vector<16xi32>
      %gather3A = tpu.vector_load_idx %arg20[%add3A_139] : memref<23328xf32, #tpu.memory_space<vmem>>[vector<16xi32>], vector<16xf32>,
      %mul3A_140 = arith.mulf %mul3A_136, %gather3A : vector<16xf32>
      %add3A_141 = arith.addf %broadcast_in_dim3A_124, %mul3A_140 : vector<16xf32>
      %add3A_142 = arith.constant 1 : i32
      %add3A_143 = vector.broadcast %add3A_142 : i32 to vector<16xi32>
      %add3A_144 = arith.addi %mul3A_135, %add3A_143 : vector<16xi32>
      %gather3A_145 = tpu.vector_load_idx %arg20[%add3A_144] : memref<23328xf32, #tpu.memory_space<vmem>>[vector<16xi32>], vector<16xf32>,
      %mul3A_146 = arith.mulf %mul3A_136, %gather3A_145 : vector<16xf32>
      %add3A_147 = arith.addf %broadcast_in_dim3A_126, %mul3A_146 : vector<16xf32>
      %add3A_148 = arith.constant 2 : i32
      %add3A_149 = vector.broadcast %add3A_148 : i32 to vector<16xi32>
      %add3A_150 = arith.addi %mul3A_135, %add3A_149 : vector<16xi32>
      %gather3A_151 = tpu.vector_load_idx %arg20[%add3A_150] : memref<23328xf32, #tpu.memory_space<vmem>>[vector<16xi32>], vector<16xf32>,
      %mul3A_152 = arith.mulf %mul3A_136, %gather3A_151 : vector<16xf32>
      %add3A_153 = arith.addf %broadcast_in_dim3A_128, %mul3A_152 : vector<16xf32>
      %add3A_154 = arith.constant 3 : i32
      %add3A_155 = vector.broadcast %add3A_154 : i32 to vector<16xi32>
      %add3A_156 = arith.addi %mul3A_135, %add3A_155 : vector<16xi32>
      %gather3A_157 = tpu.vector_load_idx %arg20[%add3A_156] : memref<23328xf32, #tpu.memory_space<vmem>>[vector<16xi32>], vector<16xf32>,
      %mul3A_158 = arith.mulf %mul3A_136, %gather3A_157 : vector<16xf32>
      %add3A_159 = arith.addf %broadcast_in_dim3A_130, %mul3A_158 : vector<16xf32>
      %add3A_160 = arith.addi %add3A_91, %mul3A_94 : vector<16xi32>
      %add3A_161 = arith.addi %add3A_160, %mul3A_103 : vector<16xi32>
      %mul3A_162 = arith.constant 4 : i32
      %mul3A_163 = vector.broadcast %mul3A_162 : i32 to vector<16xi32>
      %mul3A_164 = arith.muli %add3A_161, %mul3A_163 : vector<16xi32>
      %mul3A_165 = arith.mulf %mul3A_120, %sub3A_118 : vector<16xf32>
      %add3A_166 = arith.constant 0 : i32
      %add3A_167 = vector.broadcast %add3A_166 : i32 to vector<16xi32>
      %add3A_168 = arith.addi %mul3A_164, %add3A_167 : vector<16xi32>
      %gather3A_169 = tpu.vector_load_idx %arg20[%add3A_168] : memref<23328xf32, #tpu.memory_space<vmem>>[vector<16xi32>], vector<16xf32>,
      %mul3A_170 = arith.mulf %mul3A_165, %gather3A_169 : vector<16xf32>
      %add3A_171 = arith.addf %add3A_141, %mul3A_170 : vector<16xf32>
      %add3A_172 = arith.constant 1 : i32
      %add3A_173 = vector.broadcast %add3A_172 : i32 to vector<16xi32>
      %add3A_174 = arith.addi %mul3A_164, %add3A_173 : vector<16xi32>
      %gather3A_175 = tpu.vector_load_idx %arg20[%add3A_174] : memref<23328xf32, #tpu.memory_space<vmem>>[vector<16xi32>], vector<16xf32>,
      %mul3A_176 = arith.mulf %mul3A_165, %gather3A_175 : vector<16xf32>
      %add3A_177 = arith.addf %add3A_147, %mul3A_176 : vector<16xf32>
      %add3A_178 = arith.constant 2 : i32
      %add3A_179 = vector.broadcast %add3A_178 : i32 to vector<16xi32>
      %add3A_180 = arith.addi %mul3A_164, %add3A_179 : vector<16xi32>
      %gather3A_181 = tpu.vector_load_idx %arg20[%add3A_180] : memref<23328xf32, #tpu.memory_space<vmem>>[vector<16xi32>], vector<16xf32>,
      %mul3A_182 = arith.mulf %mul3A_165, %gather3A_181 : vector<16xf32>
      %add3A_183 = arith.addf %add3A_153, %mul3A_182 : vector<16xf32>
      %add3A_184 = arith.constant 3 : i32
      %add3A_185 = vector.broadcast %add3A_184 : i32 to vector<16xi32>
      %add3A_186 = arith.addi %mul3A_164, %add3A_185 : vector<16xi32>
      %gather3A_187 = tpu.vector_load_idx %arg20[%add3A_186] : memref<23328xf32, #tpu.memory_space<vmem>>[vector<16xi32>], vector<16xf32>,
      %mul3A_188 = arith.mulf %mul3A_165, %gather3A_187 : vector<16xf32>
      %add3A_189 = arith.addf %add3A_159, %mul3A_188 : vector<16xf32>
      %add3A_190 = arith.addi %convert_element_type3A, %add3A_100 : vector<16xi32>
      %add3A_191 = arith.addi %add3A_190, %mul3A_103 : vector<16xi32>
      %mul3A_192 = arith.constant 4 : i32
      %mul3A_193 = vector.broadcast %mul3A_192 : i32 to vector<16xi32>
      %mul3A_194 = arith.muli %add3A_191, %mul3A_193 : vector<16xi32>
      %mul3A_195 = arith.mulf %mul3A_121, %sub3A_118 : vector<16xf32>
      %add3A_196 = arith.constant 0 : i32
      %add3A_197 = vector.broadcast %add3A_196 : i32 to vector<16xi32>
      %add3A_198 = arith.addi %mul3A_194, %add3A_197 : vector<16xi32>
      %gather3A_199 = tpu.vector_load_idx %arg20[%add3A_198] : memref<23328xf32, #tpu.memory_space<vmem>>[vector<16xi32>], vector<16xf32>,
      %mul3A_200 = arith.mulf %mul3A_195, %gather3A_199 : vector<16xf32>
      %add3A_201 = arith.addf %add3A_171, %mul3A_200 : vector<16xf32>
      %add3A_202 = arith.constant 1 : i32
      %add3A_203 = vector.broadcast %add3A_202 : i32 to vector<16xi32>
      %add3A_204 = arith.addi %mul3A_194, %add3A_203 : vector<16xi32>
      %gather3A_205 = tpu.vector_load_idx %arg20[%add3A_204] : memref<23328xf32, #tpu.memory_space<vmem>>[vector<16xi32>], vector<16xf32>,
      %mul3A_206 = arith.mulf %mul3A_195, %gather3A_205 : vector<16xf32>
      %add3A_207 = arith.addf %add3A_177, %mul3A_206 : vector<16xf32>
      %add3A_208 = arith.constant 2 : i32
      %add3A_209 = vector.broadcast %add3A_208 : i32 to vector<16xi32>
      %add3A_210 = arith.addi %mul3A_194, %add3A_209 : vector<16xi32>
      %gather3A_211 = tpu.vector_load_idx %arg20[%add3A_210] : memref<23328xf32, #tpu.memory_space<vmem>>[vector<16xi32>], vector<16xf32>,
      %mul3A_212 = arith.mulf %mul3A_195, %gather3A_211 : vector<16xf32>
      %add3A_213 = arith.addf %add3A_183, %mul3A_212 : vector<16xf32>
      %add3A_214 = arith.constant 3 : i32
      %add3A_215 = vector.broadcast %add3A_214 : i32 to vector<16xi32>
      %add3A_216 = arith.addi %mul3A_194, %add3A_215 : vector<16xi32>
      %gather3A_217 = tpu.vector_load_idx %arg20[%add3A_216] : memref<23328xf32, #tpu.memory_space<vmem>>[vector<16xi32>], vector<16xf32>,
      %mul3A_218 = arith.mulf %mul3A_195, %gather3A_217 : vector<16xf32>
      %add3A_219 = arith.addf %add3A_189, %mul3A_218 : vector<16xf32>
      %add3A_220 = arith.addi %add3A_91, %add3A_100 : vector<16xi32>
      %add3A_221 = arith.addi %add3A_220, %mul3A_103 : vector<16xi32>
      %mul3A_222 = arith.constant 4 : i32
      %mul3A_223 = vector.broadcast %mul3A_222 : i32 to vector<16xi32>
      %mul3A_224 = arith.muli %add3A_221, %mul3A_223 : vector<16xi32>
      %mul3A_225 = arith.mulf %mul3A_122, %sub3A_118 : vector<16xf32>
      %add3A_226 = arith.constant 0 : i32
      %add3A_227 = vector.broadcast %add3A_226 : i32 to vector<16xi32>
      %add3A_228 = arith.addi %mul3A_224, %add3A_227 : vector<16xi32>
      %gather3A_229 = tpu.vector_load_idx %arg20[%add3A_228] : memref<23328xf32, #tpu.memory_space<vmem>>[vector<16xi32>], vector<16xf32>,
      %mul3A_230 = arith.mulf %mul3A_225, %gather3A_229 : vector<16xf32>
      %add3A_231 = arith.addf %add3A_201, %mul3A_230 : vector<16xf32>
      %add3A_232 = arith.constant 1 : i32
      %add3A_233 = vector.broadcast %add3A_232 : i32 to vector<16xi32>
      %add3A_234 = arith.addi %mul3A_224, %add3A_233 : vector<16xi32>
      %gather3A_235 = tpu.vector_load_idx %arg20[%add3A_234] : memref<23328xf32, #tpu.memory_space<vmem>>[vector<16xi32>], vector<16xf32>,
      %mul3A_236 = arith.mulf %mul3A_225, %gather3A_235 : vector<16xf32>
      %add3A_237 = arith.addf %add3A_207, %mul3A_236 : vector<16xf32>
      %add3A_238 = arith.constant 2 : i32
      %add3A_239 = vector.broadcast %add3A_238 : i32 to vector<16xi32>
      %add3A_240 = arith.addi %mul3A_224, %add3A_239 : vector<16xi32>
      %gather3A_241 = tpu.vector_load_idx %arg20[%add3A_240] : memref<23328xf32, #tpu.memory_space<vmem>>[vector<16xi32>], vector<16xf32>,
      %mul3A_242 = arith.mulf %mul3A_225, %gather3A_241 : vector<16xf32>
      %add3A_243 = arith.addf %add3A_213, %mul3A_242 : vector<16xf32>
      %add3A_244 = arith.constant 3 : i32
      %add3A_245 = vector.broadcast %add3A_244 : i32 to vector<16xi32>
      %add3A_246 = arith.addi %mul3A_224, %add3A_245 : vector<16xi32>
      %gather3A_247 = tpu.vector_load_idx %arg20[%add3A_246] : memref<23328xf32, #tpu.memory_space<vmem>>[vector<16xi32>], vector<16xf32>,
      %mul3A_248 = arith.mulf %mul3A_225, %gather3A_247 : vector<16xf32>
      %add3A_249 = arith.addf %add3A_219, %mul3A_248 : vector<16xf32>
      %add3A_250 = arith.addi %convert_element_type3A, %mul3A_94 : vector<16xi32>
      %add3A_251 = arith.addi %add3A_250, %add3A_109 : vector<16xi32>
      %mul3A_252 = arith.constant 4 : i32
      %mul3A_253 = vector.broadcast %mul3A_252 : i32 to vector<16xi32>
      %mul3A_254 = arith.muli %add3A_251, %mul3A_253 : vector<16xi32>
      %mul3A_255 = arith.mulf %mul3A_119, %sub3A_88 : vector<16xf32>
      %add3A_256 = arith.constant 0 : i32
      %add3A_257 = vector.broadcast %add3A_256 : i32 to vector<16xi32>
      %add3A_258 = arith.addi %mul3A_254, %add3A_257 : vector<16xi32>
      %gather3A_259 = tpu.vector_load_idx %arg20[%add3A_258] : memref<23328xf32, #tpu.memory_space<vmem>>[vector<16xi32>], vector<16xf32>,
      %mul3A_260 = arith.mulf %mul3A_255, %gather3A_259 : vector<16xf32>
      %add3A_261 = arith.addf %add3A_231, %mul3A_260 : vector<16xf32>
      %add3A_262 = arith.constant 1 : i32
      %add3A_263 = vector.broadcast %add3A_262 : i32 to vector<16xi32>
      %add3A_264 = arith.addi %mul3A_254, %add3A_263 : vector<16xi32>
      %gather3A_265 = tpu.vector_load_idx %arg20[%add3A_264] : memref<23328xf32, #tpu.memory_space<vmem>>[vector<16xi32>], vector<16xf32>,
      %mul3A_266 = arith.mulf %mul3A_255, %gather3A_265 : vector<16xf32>
      %add3A_267 = arith.addf %add3A_237, %mul3A_266 : vector<16xf32>
      %add3A_268 = arith.constant 2 : i32
      %add3A_269 = vector.broadcast %add3A_268 : i32 to vector<16xi32>
      %add3A_270 = arith.addi %mul3A_254, %add3A_269 : vector<16xi32>
      %gather3A_271 = tpu.vector_load_idx %arg20[%add3A_270] : memref<23328xf32, #tpu.memory_space<vmem>>[vector<16xi32>], vector<16xf32>,
      %mul3A_272 = arith.mulf %mul3A_255, %gather3A_271 : vector<16xf32>
      %add3A_273 = arith.addf %add3A_243, %mul3A_272 : vector<16xf32>
      %add3A_274 = arith.constant 3 : i32
      %add3A_275 = vector.broadcast %add3A_274 : i32 to vector<16xi32>
      %add3A_276 = arith.addi %mul3A_254, %add3A_275 : vector<16xi32>
      %gather3A_277 = tpu.vector_load_idx %arg20[%add3A_276] : memref<23328xf32, #tpu.memory_space<vmem>>[vector<16xi32>], vector<16xf32>,
      %mul3A_278 = arith.mulf %mul3A_255, %gather3A_277 : vector<16xf32>
      %add3A_279 = arith.addf %add3A_249, %mul3A_278 : vector<16xf32>
      %add3A_280 = arith.addi %add3A_91, %mul3A_94 : vector<16xi32>
      %add3A_281 = arith.addi %add3A_280, %add3A_109 : vector<16xi32>
      %mul3A_282 = arith.constant 4 : i32
      %mul3A_283 = vector.broadcast %mul3A_282 : i32 to vector<16xi32>
      %mul3A_284 = arith.muli %add3A_281, %mul3A_283 : vector<16xi32>
      %mul3A_285 = arith.mulf %mul3A_120, %sub3A_88 : vector<16xf32>
      %add3A_286 = arith.constant 0 : i32
      %add3A_287 = vector.broadcast %add3A_286 : i32 to vector<16xi32>
      %add3A_288 = arith.addi %mul3A_284, %add3A_287 : vector<16xi32>
      %gather3A_289 = tpu.vector_load_idx %arg20[%add3A_288] : memref<23328xf32, #tpu.memory_space<vmem>>[vector<16xi32>], vector<16xf32>,
      %mul3A_290 = arith.mulf %mul3A_285, %gather3A_289 : vector<16xf32>
      %add3A_291 = arith.addf %add3A_261, %mul3A_290 : vector<16xf32>
      %add3A_292 = arith.constant 1 : i32
      %add3A_293 = vector.broadcast %add3A_292 : i32 to vector<16xi32>
      %add3A_294 = arith.addi %mul3A_284, %add3A_293 : vector<16xi32>
      %gather3A_295 = tpu.vector_load_idx %arg20[%add3A_294] : memref<23328xf32, #tpu.memory_space<vmem>>[vector<16xi32>], vector<16xf32>,
      %mul3A_296 = arith.mulf %mul3A_285, %gather3A_295 : vector<16xf32>
      %add3A_297 = arith.addf %add3A_267, %mul3A_296 : vector<16xf32>
      %add3A_298 = arith.constant 2 : i32
      %add3A_299 = vector.broadcast %add3A_298 : i32 to vector<16xi32>
      %add3A_300 = arith.addi %mul3A_284, %add3A_299 : vector<16xi32>
      %gather3A_301 = tpu.vector_load_idx %arg20[%add3A_300] : memref<23328xf32, #tpu.memory_space<vmem>>[vector<16xi32>], vector<16xf32>,
      %mul3A_302 = arith.mulf %mul3A_285, %gather3A_301 : vector<16xf32>
      %add3A_303 = arith.addf %add3A_273, %mul3A_302 : vector<16xf32>
      %add3A_304 = arith.constant 3 : i32
      %add3A_305 = vector.broadcast %add3A_304 : i32 to vector<16xi32>
      %add3A_306 = arith.addi %mul3A_284, %add3A_305 : vector<16xi32>
      %gather3A_307 = tpu.vector_load_idx %arg20[%add3A_306] : memref<23328xf32, #tpu.memory_space<vmem>>[vector<16xi32>], vector<16xf32>,
      %mul3A_308 = arith.mulf %mul3A_285, %gather3A_307 : vector<16xf32>
      %add3A_309 = arith.addf %add3A_279, %mul3A_308 : vector<16xf32>
      %add3A_310 = arith.addi %convert_element_type3A, %add3A_100 : vector<16xi32>
      %add3A_311 = arith.addi %add3A_310, %add3A_109 : vector<16xi32>
      %mul3A_312 = arith.constant 4 : i32
      %mul3A_313 = vector.broadcast %mul3A_312 : i32 to vector<16xi32>
      %mul3A_314 = arith.muli %add3A_311, %mul3A_313 : vector<16xi32>
      %mul3A_315 = arith.mulf %mul3A_121, %sub3A_88 : vector<16xf32>
      %add3A_316 = arith.constant 0 : i32
      %add3A_317 = vector.broadcast %add3A_316 : i32 to vector<16xi32>
      %add3A_318 = arith.addi %mul3A_314, %add3A_317 : vector<16xi32>
      %gather3A_319 = tpu.vector_load_idx %arg20[%add3A_318] : memref<23328xf32, #tpu.memory_space<vmem>>[vector<16xi32>], vector<16xf32>,
      %mul3A_320 = arith.mulf %mul3A_315, %gather3A_319 : vector<16xf32>
      %add3A_321 = arith.addf %add3A_291, %mul3A_320 : vector<16xf32>
      %add3A_322 = arith.constant 1 : i32
      %add3A_323 = vector.broadcast %add3A_322 : i32 to vector<16xi32>
      %add3A_324 = arith.addi %mul3A_314, %add3A_323 : vector<16xi32>
      %gather3A_325 = tpu.vector_load_idx %arg20[%add3A_324] : memref<23328xf32, #tpu.memory_space<vmem>>[vector<16xi32>], vector<16xf32>,
      %mul3A_326 = arith.mulf %mul3A_315, %gather3A_325 : vector<16xf32>
      %add3A_327 = arith.addf %add3A_297, %mul3A_326 : vector<16xf32>
      %add3A_328 = arith.constant 2 : i32
      %add3A_329 = vector.broadcast %add3A_328 : i32 to vector<16xi32>
      %add3A_330 = arith.addi %mul3A_314, %add3A_329 : vector<16xi32>
      %gather3A_331 = tpu.vector_load_idx %arg20[%add3A_330] : memref<23328xf32, #tpu.memory_space<vmem>>[vector<16xi32>], vector<16xf32>,
      %mul3A_332 = arith.mulf %mul3A_315, %gather3A_331 : vector<16xf32>
      %add3A_333 = arith.addf %add3A_303, %mul3A_332 : vector<16xf32>
      %add3A_334 = arith.constant 3 : i32
      %add3A_335 = vector.broadcast %add3A_334 : i32 to vector<16xi32>
      %add3A_336 = arith.addi %mul3A_314, %add3A_335 : vector<16xi32>
      %gather3A_337 = tpu.vector_load_idx %arg20[%add3A_336] : memref<23328xf32, #tpu.memory_space<vmem>>[vector<16xi32>], vector<16xf32>,
      %mul3A_338 = arith.mulf %mul3A_315, %gather3A_337 : vector<16xf32>
      %add3A_339 = arith.addf %add3A_309, %mul3A_338 : vector<16xf32>
      %add3A_340 = arith.addi %add3A_91, %add3A_100 : vector<16xi32>
      %add3A_341 = arith.addi %add3A_340, %add3A_109 : vector<16xi32>
      %mul3A_342 = arith.constant 4 : i32
      %mul3A_343 = vector.broadcast %mul3A_342 : i32 to vector<16xi32>
      %mul3A_344 = arith.muli %add3A_341, %mul3A_343 : vector<16xi32>
      %mul3A_345 = arith.mulf %mul3A_122, %sub3A_88 : vector<16xf32>
      %add3A_346 = arith.constant 0 : i32
      %add3A_347 = vector.broadcast %add3A_346 : i32 to vector<16xi32>
      %add3A_348 = arith.addi %mul3A_344, %add3A_347 : vector<16xi32>
      %gather3A_349 = tpu.vector_load_idx %arg20[%add3A_348] : memref<23328xf32, #tpu.memory_space<vmem>>[vector<16xi32>], vector<16xf32>,
      %mul3A_350 = arith.mulf %mul3A_345, %gather3A_349 : vector<16xf32>
      %add3A_351 = arith.addf %add3A_321, %mul3A_350 : vector<16xf32>
      %add3A_352 = arith.constant 1 : i32
      %add3A_353 = vector.broadcast %add3A_352 : i32 to vector<16xi32>
      %add3A_354 = arith.addi %mul3A_344, %add3A_353 : vector<16xi32>
      %gather3A_355 = tpu.vector_load_idx %arg20[%add3A_354] : memref<23328xf32, #tpu.memory_space<vmem>>[vector<16xi32>], vector<16xf32>,
      %mul3A_356 = arith.mulf %mul3A_345, %gather3A_355 : vector<16xf32>
      %add3A_357 = arith.addf %add3A_327, %mul3A_356 : vector<16xf32>
      %add3A_358 = arith.constant 2 : i32
      %add3A_359 = vector.broadcast %add3A_358 : i32 to vector<16xi32>
      %add3A_360 = arith.addi %mul3A_344, %add3A_359 : vector<16xi32>
      %gather3A_361 = tpu.vector_load_idx %arg20[%add3A_360] : memref<23328xf32, #tpu.memory_space<vmem>>[vector<16xi32>], vector<16xf32>,
      %mul3A_362 = arith.mulf %mul3A_345, %gather3A_361 : vector<16xf32>
      %add3A_363 = arith.addf %add3A_333, %mul3A_362 : vector<16xf32>
      %add3A_364 = arith.constant 3 : i32
      %add3A_365 = vector.broadcast %add3A_364 : i32 to vector<16xi32>
      %add3A_366 = arith.addi %mul3A_344, %add3A_365 : vector<16xi32>
      %gather3A_367 = tpu.vector_load_idx %arg20[%add3A_366] : memref<23328xf32, #tpu.memory_space<vmem>>[vector<16xi32>], vector<16xf32>,
      %mul3A_368 = arith.mulf %mul3A_345, %gather3A_367 : vector<16xf32>
      %add3A_369 = arith.addf %add3A_339, %mul3A_368 : vector<16xf32>
      %add3A_370 = arith.constant 0 : i32
      %add3A_371 = vector.broadcast %add3A_370 : i32 to vector<16xi32>
      %add3A_372 = arith.addi %mul3A_72, %add3A_371 : vector<16xi32>
      tpu.vector_store_idx %arg17[%add3A_372], %add3A_351 : memref<1024xf32, #tpu.memory_space<vmem>>[vector<16xi32>], vector<16xf32>,
      %add3A_373 = arith.constant 1 : i32
      %add3A_374 = vector.broadcast %add3A_373 : i32 to vector<16xi32>
      %add3A_375 = arith.addi %mul3A_72, %add3A_374 : vector<16xi32>
      tpu.vector_store_idx %arg17[%add3A_375], %add3A_357 : memref<1024xf32, #tpu.memory_space<vmem>>[vector<16xi32>], vector<16xf32>,
      %add3A_376 = arith.constant 2 : i32
      %add3A_377 = vector.broadcast %add3A_376 : i32 to vector<16xi32>
      %add3A_378 = arith.addi %mul3A_72, %add3A_377 : vector<16xi32>
      tpu.vector_store_idx %arg17[%add3A_378], %add3A_363 : memref<1024xf32, #tpu.memory_space<vmem>>[vector<16xi32>], vector<16xf32>,
      %add3A_379 = arith.constant 3 : i32
      %add3A_380 = vector.broadcast %add3A_379 : i32 to vector<16xi32>
      %add3A_381 = arith.addi %mul3A_72, %add3A_380 : vector<16xi32>
      tpu.vector_store_idx %arg17[%add3A_381], %add3A_369 : memref<1024xf32, #tpu.memory_space<vmem>>[vector<16xi32>], vector<16xf32>,
      %scan3A_382 = arith.constant 0 : i32
      %scan3A_383 = arith.constant 1 : i32
      %scan3A_384 = arith.constant 15 : i32
      %scan3A_385 = arith.addi %scan3A_383, %scan3A_384 : i32
      %scan3A_386 = arith.constant 1 : i32
      %scan3A_387 = scf.for %scan3A_413 = %scan3A_383 to %scan3A_385 step %scan3A_386 iter_args(%scan3A_414 = %scan3A_382) -> (i32)  : i32 {
        %broadcast_in_dim3A_415 = vector.broadcast %scan3A_413 : i32 to vector<16xi32>
        %gather3A_416 = tpu.vector_load_idx %arg19[%broadcast_in_dim3A_415] : memref<16xf32, #tpu.memory_space<vmem>>[vector<16xi32>], vector<16xf32>,
        %mul3A_417 = arith.mulf %mul3A_57, %gather3A_416 : vector<16xf32>
        %mul3A_418 = arith.mulf %mul3A_63, %gather3A_416 : vector<16xf32>
        %mul3A_419 = arith.mulf %mul3A_69, %gather3A_416 : vector<16xf32>
        %convert_element_type3A_420 = arith.fptosi %mul3A_417 : vector<16xf32> to vector<16xi32>
        %convert_element_type3A_421 = arith.fptosi %mul3A_418 : vector<16xf32> to vector<16xi32>
        %convert_element_type3A_422 = arith.fptosi %mul3A_419 : vector<16xf32> to vector<16xi32>
        %convert_element_type3A_423 = arith.sitofp %convert_element_type3A_420 : vector<16xi32> to vector<16xf32>
        %sub3A_424 = arith.subf %mul3A_417, %convert_element_type3A_423 : vector<16xf32>
        %convert_element_type3A_425 = arith.sitofp %convert_element_type3A_421 : vector<16xi32> to vector<16xf32>
        %sub3A_426 = arith.subf %mul3A_418, %convert_element_type3A_425 : vector<16xf32>
        %convert_element_type3A_427 = arith.sitofp %convert_element_type3A_422 : vector<16xi32> to vector<16xf32>
        %sub3A_428 = arith.subf %mul3A_419, %convert_element_type3A_427 : vector<16xf32>
        %add3A_429 = arith.constant 1 : i32
        %add3A_430 = vector.broadcast %add3A_429 : i32 to vector<16xi32>
        %add3A_431 = arith.addi %convert_element_type3A_420, %add3A_430 : vector<16xi32>
        %mul3A_432 = arith.constant -1640531535 : i32
        %mul3A_433 = vector.broadcast %mul3A_432 : i32 to vector<16xi32>
        %mul3A_434 = arith.muli %convert_element_type3A_421, %mul3A_433 : vector<16xi32>
        %mul3A_435 = arith.constant -1640531535 : i32
        %mul3A_436 = vector.broadcast %mul3A_435 : i32 to vector<16xi32>
        %mul3A_437 = arith.muli %convert_element_type3A_421, %mul3A_436 : vector<16xi32>
        %add3A_438 = arith.constant -1640531535 : i32
        %add3A_439 = vector.broadcast %add3A_438 : i32 to vector<16xi32>
        %add3A_440 = arith.addi %mul3A_437, %add3A_439 : vector<16xi32>
        %mul3A_441 = arith.constant 805459861 : i32
        %mul3A_442 = vector.broadcast %mul3A_441 : i32 to vector<16xi32>
        %mul3A_443 = arith.muli %convert_element_type3A_422, %mul3A_442 : vector<16xi32>
        %mul3A_444 = arith.constant 805459861 : i32
        %mul3A_445 = vector.broadcast %mul3A_444 : i32 to vector<16xi32>
        %mul3A_446 = arith.muli %convert_element_type3A_422, %mul3A_445 : vector<16xi32>
        %add3A_447 = arith.constant 805459861 : i32
        %add3A_448 = vector.broadcast %add3A_447 : i32 to vector<16xi32>
        %add3A_449 = arith.addi %mul3A_446, %add3A_448 : vector<16xi32>
        %sub3A_450 = arith.constant 1.000000e+00 : f32
        %sub3A_451 = vector.broadcast %sub3A_450 : f32 to vector<16xf32>
        %sub3A_452 = arith.subf %sub3A_451, %sub3A_424 : vector<16xf32>
        %sub3A_453 = arith.constant 1.000000e+00 : f32
        %sub3A_454 = vector.broadcast %sub3A_453 : f32 to vector<16xf32>
        %sub3A_455 = arith.subf %sub3A_454, %sub3A_426 : vector<16xf32>
        %sub3A_456 = arith.constant 1.000000e+00 : f32
        %sub3A_457 = vector.broadcast %sub3A_456 : f32 to vector<16xf32>
        %sub3A_458 = arith.subf %sub3A_457, %sub3A_428 : vector<16xf32>
        %mul3A_459 = arith.mulf %sub3A_452, %sub3A_455 : vector<16xf32>
        %mul3A_460 = arith.mulf %sub3A_424, %sub3A_455 : vector<16xf32>
        %mul3A_461 = arith.mulf %sub3A_452, %sub3A_426 : vector<16xf32>
        %mul3A_462 = arith.mulf %sub3A_424, %sub3A_426 : vector<16xf32>
        %mul3A_463 = arith.constant 262144 : i32
        %mul3A_464 = arith.muli %scan3A_413, %mul3A_463 : i32
        %xor3A = arith.xori %convert_element_type3A_420, %mul3A_434 : vector<16xi32>
        %xor3A_465 = arith.xori %xor3A, %mul3A_443 : vector<16xi32>
        %and3A_466 = arith.constant 1048575 : i32
        %and3A_467 = vector.broadcast %and3A_466 : i32 to vector<16xi32>
        %and3A_468 = arith.andi %xor3A_465, %and3A_467 : vector<16xi32>
        %mul3A_469 = arith.constant 8 : i32
        %mul3A_470 = arith.muli %scan3A_413, %mul3A_469 : i32
        %add3A_471 = arith.constant 0 : i32
        %add3A_472 = arith.addi %mul3A_470, %add3A_471 : i32
        %sub3A_473 = arith.constant 8 : i32
        %sub3A_474 = arith.subi %add3A_472, %sub3A_473 : i32
        %broadcast_in_dim3A_475 = vector.broadcast %sub3A_474 : i32 to vector<16xi32>
        %shift_right_logical3A = arith.constant 3 : i32
        %shift_right_logical3A_476 = vector.broadcast %shift_right_logical3A : i32 to vector<16xi32>
        %shift_right_logical3A_477 = arith.shrui %and3A_468, %shift_right_logical3A_476 : vector<16xi32>
        %shift_right_logical3A_478 = arith.constant 4 : i32
        %shift_right_logical3A_479 = vector.broadcast %shift_right_logical3A_478 : i32 to vector<16xi32>
        %shift_right_logical3A_480 = arith.shrui %shift_right_logical3A_477, %shift_right_logical3A_479 : vector<16xi32>
        %shift_left3A = arith.constant 5 : i32
        %shift_left3A_481 = vector.broadcast %shift_left3A : i32 to vector<16xi32>
        %shift_left3A_482 = arith.shli %shift_right_logical3A_480, %shift_left3A_481 : vector<16xi32>
        %add3A_483 = vector.broadcast %mul3A_464 : i32 to vector<16xi32>
        %add3A_484 = arith.addi %add3A_483, %shift_left3A_482 : vector<16xi32>
        %and3A_485 = arith.constant 15 : i32
        %and3A_486 = vector.broadcast %and3A_485 : i32 to vector<16xi32>
        %and3A_487 = arith.andi %shift_right_logical3A_477, %and3A_486 : vector<16xi32>
        %add3A_488 = arith.addi %add3A_484, %and3A_487 : vector<16xi32>
        tpu.vector_store_idx %arg9[%iota3A, %broadcast_in_dim3A_475], %add3A_488 : memref<16x120xi32, #tpu.memory_space<vmem>>[vector<16xi32>, vector<16xi32>], vector<16xi32>,
        %add3A_489 = arith.constant 16 : i32
        %add3A_490 = vector.broadcast %add3A_489 : i32 to vector<16xi32>
        %add3A_491 = arith.addi %add3A_488, %add3A_490 : vector<16xi32>
        tpu.vector_store_idx %arg10[%iota3A, %broadcast_in_dim3A_475], %add3A_491 : memref<16x120xi32, #tpu.memory_space<vmem>>[vector<16xi32>, vector<16xi32>], vector<16xi32>,
        %and3A_492 = arith.constant 7 : i32
        %and3A_493 = vector.broadcast %and3A_492 : i32 to vector<16xi32>
        %and3A_494 = arith.andi %and3A_468, %and3A_493 : vector<16xi32>
        tpu.vector_store_idx %arg11[%iota3A, %broadcast_in_dim3A_475], %and3A_494 : memref<16x120xi32, #tpu.memory_space<vmem>>[vector<16xi32>, vector<16xi32>], vector<16xi32>,
        %mul3A_495 = arith.constant 8 : i32
        %mul3A_496 = arith.muli %scan3A_413, %mul3A_495 : i32
        %add3A_497 = arith.constant 0 : i32
        %add3A_498 = arith.addi %mul3A_496, %add3A_497 : i32
        %sub3A_499 = arith.constant 8 : i32
        %sub3A_500 = arith.subi %add3A_498, %sub3A_499 : i32
        %mul3A_501 = arith.constant 16 : i32
        %mul3A_502 = arith.muli %sub3A_500, %mul3A_501 : i32
        %mul3A_503 = arith.mulf %mul3A_459, %sub3A_458 : vector<16xf32>
        %swap3A_504 = arith.index_cast %mul3A_502 : i32 to index
        %swap3A_505 = tpu.vector_load %arg16[%swap3A_504] {strides = array<i32>} : memref<1920xf32, #tpu.memory_space<vmem>>, vector<16xf32>,
        tpu.vector_store %arg16[%swap3A_504], %mul3A_503 {strides = array<i32>} : memref<1920xf32, #tpu.memory_space<vmem>>, vector<16xf32>,
        %xor3A_506 = arith.xori %add3A_431, %mul3A_434 : vector<16xi32>
        %xor3A_507 = arith.xori %xor3A_506, %mul3A_443 : vector<16xi32>
        %and3A_508 = arith.constant 1048575 : i32
        %and3A_509 = vector.broadcast %and3A_508 : i32 to vector<16xi32>
        %and3A_510 = arith.andi %xor3A_507, %and3A_509 : vector<16xi32>
        %mul3A_511 = arith.constant 8 : i32
        %mul3A_512 = arith.muli %scan3A_413, %mul3A_511 : i32
        %add3A_513 = arith.constant 1 : i32
        %add3A_514 = arith.addi %mul3A_512, %add3A_513 : i32
        %sub3A_515 = arith.constant 8 : i32
        %sub3A_516 = arith.subi %add3A_514, %sub3A_515 : i32
        %broadcast_in_dim3A_517 = vector.broadcast %sub3A_516 : i32 to vector<16xi32>
        %shift_right_logical3A_518 = arith.constant 3 : i32
        %shift_right_logical3A_519 = vector.broadcast %shift_right_logical3A_518 : i32 to vector<16xi32>
        %shift_right_logical3A_520 = arith.shrui %and3A_510, %shift_right_logical3A_519 : vector<16xi32>
        %shift_right_logical3A_521 = arith.constant 4 : i32
        %shift_right_logical3A_522 = vector.broadcast %shift_right_logical3A_521 : i32 to vector<16xi32>
        %shift_right_logical3A_523 = arith.shrui %shift_right_logical3A_520, %shift_right_logical3A_522 : vector<16xi32>
        %shift_left3A_524 = arith.constant 5 : i32
        %shift_left3A_525 = vector.broadcast %shift_left3A_524 : i32 to vector<16xi32>
        %shift_left3A_526 = arith.shli %shift_right_logical3A_523, %shift_left3A_525 : vector<16xi32>
        %add3A_527 = vector.broadcast %mul3A_464 : i32 to vector<16xi32>
        %add3A_528 = arith.addi %add3A_527, %shift_left3A_526 : vector<16xi32>
        %and3A_529 = arith.constant 15 : i32
        %and3A_530 = vector.broadcast %and3A_529 : i32 to vector<16xi32>
        %and3A_531 = arith.andi %shift_right_logical3A_520, %and3A_530 : vector<16xi32>
        %add3A_532 = arith.addi %add3A_528, %and3A_531 : vector<16xi32>
        tpu.vector_store_idx %arg9[%iota3A, %broadcast_in_dim3A_517], %add3A_532 : memref<16x120xi32, #tpu.memory_space<vmem>>[vector<16xi32>, vector<16xi32>], vector<16xi32>,
        %add3A_533 = arith.constant 16 : i32
        %add3A_534 = vector.broadcast %add3A_533 : i32 to vector<16xi32>
        %add3A_535 = arith.addi %add3A_532, %add3A_534 : vector<16xi32>
        tpu.vector_store_idx %arg10[%iota3A, %broadcast_in_dim3A_517], %add3A_535 : memref<16x120xi32, #tpu.memory_space<vmem>>[vector<16xi32>, vector<16xi32>], vector<16xi32>,
        %and3A_536 = arith.constant 7 : i32
        %and3A_537 = vector.broadcast %and3A_536 : i32 to vector<16xi32>
        %and3A_538 = arith.andi %and3A_510, %and3A_537 : vector<16xi32>
        tpu.vector_store_idx %arg11[%iota3A, %broadcast_in_dim3A_517], %and3A_538 : memref<16x120xi32, #tpu.memory_space<vmem>>[vector<16xi32>, vector<16xi32>], vector<16xi32>,
        %mul3A_539 = arith.constant 8 : i32
        %mul3A_540 = arith.muli %scan3A_413, %mul3A_539 : i32
        %add3A_541 = arith.constant 1 : i32
        %add3A_542 = arith.addi %mul3A_540, %add3A_541 : i32
        %sub3A_543 = arith.constant 8 : i32
        %sub3A_544 = arith.subi %add3A_542, %sub3A_543 : i32
        %mul3A_545 = arith.constant 16 : i32
        %mul3A_546 = arith.muli %sub3A_544, %mul3A_545 : i32
        %mul3A_547 = arith.mulf %mul3A_460, %sub3A_458 : vector<16xf32>
        %swap3A_548 = arith.index_cast %mul3A_546 : i32 to index
        %swap3A_549 = tpu.vector_load %arg16[%swap3A_548] {strides = array<i32>} : memref<1920xf32, #tpu.memory_space<vmem>>, vector<16xf32>,
        tpu.vector_store %arg16[%swap3A_548], %mul3A_547 {strides = array<i32>} : memref<1920xf32, #tpu.memory_space<vmem>>, vector<16xf32>,
        %xor3A_550 = arith.xori %convert_element_type3A_420, %add3A_440 : vector<16xi32>
        %xor3A_551 = arith.xori %xor3A_550, %mul3A_443 : vector<16xi32>
        %and3A_552 = arith.constant 1048575 : i32
        %and3A_553 = vector.broadcast %and3A_552 : i32 to vector<16xi32>
        %and3A_554 = arith.andi %xor3A_551, %and3A_553 : vector<16xi32>
        %mul3A_555 = arith.constant 8 : i32
        %mul3A_556 = arith.muli %scan3A_413, %mul3A_555 : i32
        %add3A_557 = arith.constant 2 : i32
        %add3A_558 = arith.addi %mul3A_556, %add3A_557 : i32
        %sub3A_559 = arith.constant 8 : i32
        %sub3A_560 = arith.subi %add3A_558, %sub3A_559 : i32
        %broadcast_in_dim3A_561 = vector.broadcast %sub3A_560 : i32 to vector<16xi32>
        %shift_right_logical3A_562 = arith.constant 3 : i32
        %shift_right_logical3A_563 = vector.broadcast %shift_right_logical3A_562 : i32 to vector<16xi32>
        %shift_right_logical3A_564 = arith.shrui %and3A_554, %shift_right_logical3A_563 : vector<16xi32>
        %shift_right_logical3A_565 = arith.constant 4 : i32
        %shift_right_logical3A_566 = vector.broadcast %shift_right_logical3A_565 : i32 to vector<16xi32>
        %shift_right_logical3A_567 = arith.shrui %shift_right_logical3A_564, %shift_right_logical3A_566 : vector<16xi32>
        %shift_left3A_568 = arith.constant 5 : i32
        %shift_left3A_569 = vector.broadcast %shift_left3A_568 : i32 to vector<16xi32>
        %shift_left3A_570 = arith.shli %shift_right_logical3A_567, %shift_left3A_569 : vector<16xi32>
        %add3A_571 = vector.broadcast %mul3A_464 : i32 to vector<16xi32>
        %add3A_572 = arith.addi %add3A_571, %shift_left3A_570 : vector<16xi32>
        %and3A_573 = arith.constant 15 : i32
        %and3A_574 = vector.broadcast %and3A_573 : i32 to vector<16xi32>
        %and3A_575 = arith.andi %shift_right_logical3A_564, %and3A_574 : vector<16xi32>
        %add3A_576 = arith.addi %add3A_572, %and3A_575 : vector<16xi32>
        tpu.vector_store_idx %arg9[%iota3A, %broadcast_in_dim3A_561], %add3A_576 : memref<16x120xi32, #tpu.memory_space<vmem>>[vector<16xi32>, vector<16xi32>], vector<16xi32>,
        %add3A_577 = arith.constant 16 : i32
        %add3A_578 = vector.broadcast %add3A_577 : i32 to vector<16xi32>
        %add3A_579 = arith.addi %add3A_576, %add3A_578 : vector<16xi32>
        tpu.vector_store_idx %arg10[%iota3A, %broadcast_in_dim3A_561], %add3A_579 : memref<16x120xi32, #tpu.memory_space<vmem>>[vector<16xi32>, vector<16xi32>], vector<16xi32>,
        %and3A_580 = arith.constant 7 : i32
        %and3A_581 = vector.broadcast %and3A_580 : i32 to vector<16xi32>
        %and3A_582 = arith.andi %and3A_554, %and3A_581 : vector<16xi32>
        tpu.vector_store_idx %arg11[%iota3A, %broadcast_in_dim3A_561], %and3A_582 : memref<16x120xi32, #tpu.memory_space<vmem>>[vector<16xi32>, vector<16xi32>], vector<16xi32>,
        %mul3A_583 = arith.constant 8 : i32
        %mul3A_584 = arith.muli %scan3A_413, %mul3A_583 : i32
        %add3A_585 = arith.constant 2 : i32
        %add3A_586 = arith.addi %mul3A_584, %add3A_585 : i32
        %sub3A_587 = arith.constant 8 : i32
        %sub3A_588 = arith.subi %add3A_586, %sub3A_587 : i32
        %mul3A_589 = arith.constant 16 : i32
        %mul3A_590 = arith.muli %sub3A_588, %mul3A_589 : i32
        %mul3A_591 = arith.mulf %mul3A_461, %sub3A_458 : vector<16xf32>
        %swap3A_592 = arith.index_cast %mul3A_590 : i32 to index
        %swap3A_593 = tpu.vector_load %arg16[%swap3A_592] {strides = array<i32>} : memref<1920xf32, #tpu.memory_space<vmem>>, vector<16xf32>,
        tpu.vector_store %arg16[%swap3A_592], %mul3A_591 {strides = array<i32>} : memref<1920xf32, #tpu.memory_space<vmem>>, vector<16xf32>,
        %xor3A_594 = arith.xori %add3A_431, %add3A_440 : vector<16xi32>
        %xor3A_595 = arith.xori %xor3A_594, %mul3A_443 : vector<16xi32>
        %and3A_596 = arith.constant 1048575 : i32
        %and3A_597 = vector.broadcast %and3A_596 : i32 to vector<16xi32>
        %and3A_598 = arith.andi %xor3A_595, %and3A_597 : vector<16xi32>
        %mul3A_599 = arith.constant 8 : i32
        %mul3A_600 = arith.muli %scan3A_413, %mul3A_599 : i32
        %add3A_601 = arith.constant 3 : i32
        %add3A_602 = arith.addi %mul3A_600, %add3A_601 : i32
        %sub3A_603 = arith.constant 8 : i32
        %sub3A_604 = arith.subi %add3A_602, %sub3A_603 : i32
        %broadcast_in_dim3A_605 = vector.broadcast %sub3A_604 : i32 to vector<16xi32>
        %shift_right_logical3A_606 = arith.constant 3 : i32
        %shift_right_logical3A_607 = vector.broadcast %shift_right_logical3A_606 : i32 to vector<16xi32>
        %shift_right_logical3A_608 = arith.shrui %and3A_598, %shift_right_logical3A_607 : vector<16xi32>
        %shift_right_logical3A_609 = arith.constant 4 : i32
        %shift_right_logical3A_610 = vector.broadcast %shift_right_logical3A_609 : i32 to vector<16xi32>
        %shift_right_logical3A_611 = arith.shrui %shift_right_logical3A_608, %shift_right_logical3A_610 : vector<16xi32>
        %shift_left3A_612 = arith.constant 5 : i32
        %shift_left3A_613 = vector.broadcast %shift_left3A_612 : i32 to vector<16xi32>
        %shift_left3A_614 = arith.shli %shift_right_logical3A_611, %shift_left3A_613 : vector<16xi32>
        %add3A_615 = vector.broadcast %mul3A_464 : i32 to vector<16xi32>
        %add3A_616 = arith.addi %add3A_615, %shift_left3A_614 : vector<16xi32>
        %and3A_617 = arith.constant 15 : i32
        %and3A_618 = vector.broadcast %and3A_617 : i32 to vector<16xi32>
        %and3A_619 = arith.andi %shift_right_logical3A_608, %and3A_618 : vector<16xi32>
        %add3A_620 = arith.addi %add3A_616, %and3A_619 : vector<16xi32>
        tpu.vector_store_idx %arg9[%iota3A, %broadcast_in_dim3A_605], %add3A_620 : memref<16x120xi32, #tpu.memory_space<vmem>>[vector<16xi32>, vector<16xi32>], vector<16xi32>,
        %add3A_621 = arith.constant 16 : i32
        %add3A_622 = vector.broadcast %add3A_621 : i32 to vector<16xi32>
        %add3A_623 = arith.addi %add3A_620, %add3A_622 : vector<16xi32>
        tpu.vector_store_idx %arg10[%iota3A, %broadcast_in_dim3A_605], %add3A_623 : memref<16x120xi32, #tpu.memory_space<vmem>>[vector<16xi32>, vector<16xi32>], vector<16xi32>,
        %and3A_624 = arith.constant 7 : i32
        %and3A_625 = vector.broadcast %and3A_624 : i32 to vector<16xi32>
        %and3A_626 = arith.andi %and3A_598, %and3A_625 : vector<16xi32>
        tpu.vector_store_idx %arg11[%iota3A, %broadcast_in_dim3A_605], %and3A_626 : memref<16x120xi32, #tpu.memory_space<vmem>>[vector<16xi32>, vector<16xi32>], vector<16xi32>,
        %mul3A_627 = arith.constant 8 : i32
        %mul3A_628 = arith.muli %scan3A_413, %mul3A_627 : i32
        %add3A_629 = arith.constant 3 : i32
        %add3A_630 = arith.addi %mul3A_628, %add3A_629 : i32
        %sub3A_631 = arith.constant 8 : i32
        %sub3A_632 = arith.subi %add3A_630, %sub3A_631 : i32
        %mul3A_633 = arith.constant 16 : i32
        %mul3A_634 = arith.muli %sub3A_632, %mul3A_633 : i32
        %mul3A_635 = arith.mulf %mul3A_462, %sub3A_458 : vector<16xf32>
        %swap3A_636 = arith.index_cast %mul3A_634 : i32 to index
        %swap3A_637 = tpu.vector_load %arg16[%swap3A_636] {strides = array<i32>} : memref<1920xf32, #tpu.memory_space<vmem>>, vector<16xf32>,
        tpu.vector_store %arg16[%swap3A_636], %mul3A_635 {strides = array<i32>} : memref<1920xf32, #tpu.memory_space<vmem>>, vector<16xf32>,
        %xor3A_638 = arith.xori %convert_element_type3A_420, %mul3A_434 : vector<16xi32>
        %xor3A_639 = arith.xori %xor3A_638, %add3A_449 : vector<16xi32>
        %and3A_640 = arith.constant 1048575 : i32
        %and3A_641 = vector.broadcast %and3A_640 : i32 to vector<16xi32>
        %and3A_642 = arith.andi %xor3A_639, %and3A_641 : vector<16xi32>
        %mul3A_643 = arith.constant 8 : i32
        %mul3A_644 = arith.muli %scan3A_413, %mul3A_643 : i32
        %add3A_645 = arith.constant 4 : i32
        %add3A_646 = arith.addi %mul3A_644, %add3A_645 : i32
        %sub3A_647 = arith.constant 8 : i32
        %sub3A_648 = arith.subi %add3A_646, %sub3A_647 : i32
        %broadcast_in_dim3A_649 = vector.broadcast %sub3A_648 : i32 to vector<16xi32>
        %shift_right_logical3A_650 = arith.constant 3 : i32
        %shift_right_logical3A_651 = vector.broadcast %shift_right_logical3A_650 : i32 to vector<16xi32>
        %shift_right_logical3A_652 = arith.shrui %and3A_642, %shift_right_logical3A_651 : vector<16xi32>
        %shift_right_logical3A_653 = arith.constant 4 : i32
        %shift_right_logical3A_654 = vector.broadcast %shift_right_logical3A_653 : i32 to vector<16xi32>
        %shift_right_logical3A_655 = arith.shrui %shift_right_logical3A_652, %shift_right_logical3A_654 : vector<16xi32>
        %shift_left3A_656 = arith.constant 5 : i32
        %shift_left3A_657 = vector.broadcast %shift_left3A_656 : i32 to vector<16xi32>
        %shift_left3A_658 = arith.shli %shift_right_logical3A_655, %shift_left3A_657 : vector<16xi32>
        %add3A_659 = vector.broadcast %mul3A_464 : i32 to vector<16xi32>
        %add3A_660 = arith.addi %add3A_659, %shift_left3A_658 : vector<16xi32>
        %and3A_661 = arith.constant 15 : i32
        %and3A_662 = vector.broadcast %and3A_661 : i32 to vector<16xi32>
        %and3A_663 = arith.andi %shift_right_logical3A_652, %and3A_662 : vector<16xi32>
        %add3A_664 = arith.addi %add3A_660, %and3A_663 : vector<16xi32>
        tpu.vector_store_idx %arg9[%iota3A, %broadcast_in_dim3A_649], %add3A_664 : memref<16x120xi32, #tpu.memory_space<vmem>>[vector<16xi32>, vector<16xi32>], vector<16xi32>,
        %add3A_665 = arith.constant 16 : i32
        %add3A_666 = vector.broadcast %add3A_665 : i32 to vector<16xi32>
        %add3A_667 = arith.addi %add3A_664, %add3A_666 : vector<16xi32>
        tpu.vector_store_idx %arg10[%iota3A, %broadcast_in_dim3A_649], %add3A_667 : memref<16x120xi32, #tpu.memory_space<vmem>>[vector<16xi32>, vector<16xi32>], vector<16xi32>,
        %and3A_668 = arith.constant 7 : i32
        %and3A_669 = vector.broadcast %and3A_668 : i32 to vector<16xi32>
        %and3A_670 = arith.andi %and3A_642, %and3A_669 : vector<16xi32>
        tpu.vector_store_idx %arg11[%iota3A, %broadcast_in_dim3A_649], %and3A_670 : memref<16x120xi32, #tpu.memory_space<vmem>>[vector<16xi32>, vector<16xi32>], vector<16xi32>,
        %mul3A_671 = arith.constant 8 : i32
        %mul3A_672 = arith.muli %scan3A_413, %mul3A_671 : i32
        %add3A_673 = arith.constant 4 : i32
        %add3A_674 = arith.addi %mul3A_672, %add3A_673 : i32
        %sub3A_675 = arith.constant 8 : i32
        %sub3A_676 = arith.subi %add3A_674, %sub3A_675 : i32
        %mul3A_677 = arith.constant 16 : i32
        %mul3A_678 = arith.muli %sub3A_676, %mul3A_677 : i32
        %mul3A_679 = arith.mulf %mul3A_459, %sub3A_428 : vector<16xf32>
        %swap3A_680 = arith.index_cast %mul3A_678 : i32 to index
        %swap3A_681 = tpu.vector_load %arg16[%swap3A_680] {strides = array<i32>} : memref<1920xf32, #tpu.memory_space<vmem>>, vector<16xf32>,
        tpu.vector_store %arg16[%swap3A_680], %mul3A_679 {strides = array<i32>} : memref<1920xf32, #tpu.memory_space<vmem>>, vector<16xf32>,
        %xor3A_682 = arith.xori %add3A_431, %mul3A_434 : vector<16xi32>
        %xor3A_683 = arith.xori %xor3A_682, %add3A_449 : vector<16xi32>
        %and3A_684 = arith.constant 1048575 : i32
        %and3A_685 = vector.broadcast %and3A_684 : i32 to vector<16xi32>
        %and3A_686 = arith.andi %xor3A_683, %and3A_685 : vector<16xi32>
        %mul3A_687 = arith.constant 8 : i32
        %mul3A_688 = arith.muli %scan3A_413, %mul3A_687 : i32
        %add3A_689 = arith.constant 5 : i32
        %add3A_690 = arith.addi %mul3A_688, %add3A_689 : i32
        %sub3A_691 = arith.constant 8 : i32
        %sub3A_692 = arith.subi %add3A_690, %sub3A_691 : i32
        %broadcast_in_dim3A_693 = vector.broadcast %sub3A_692 : i32 to vector<16xi32>
        %shift_right_logical3A_694 = arith.constant 3 : i32
        %shift_right_logical3A_695 = vector.broadcast %shift_right_logical3A_694 : i32 to vector<16xi32>
        %shift_right_logical3A_696 = arith.shrui %and3A_686, %shift_right_logical3A_695 : vector<16xi32>
        %shift_right_logical3A_697 = arith.constant 4 : i32
        %shift_right_logical3A_698 = vector.broadcast %shift_right_logical3A_697 : i32 to vector<16xi32>
        %shift_right_logical3A_699 = arith.shrui %shift_right_logical3A_696, %shift_right_logical3A_698 : vector<16xi32>
        %shift_left3A_700 = arith.constant 5 : i32
        %shift_left3A_701 = vector.broadcast %shift_left3A_700 : i32 to vector<16xi32>
        %shift_left3A_702 = arith.shli %shift_right_logical3A_699, %shift_left3A_701 : vector<16xi32>
        %add3A_703 = vector.broadcast %mul3A_464 : i32 to vector<16xi32>
        %add3A_704 = arith.addi %add3A_703, %shift_left3A_702 : vector<16xi32>
        %and3A_705 = arith.constant 15 : i32
        %and3A_706 = vector.broadcast %and3A_705 : i32 to vector<16xi32>
        %and3A_707 = arith.andi %shift_right_logical3A_696, %and3A_706 : vector<16xi32>
        %add3A_708 = arith.addi %add3A_704, %and3A_707 : vector<16xi32>
        tpu.vector_store_idx %arg9[%iota3A, %broadcast_in_dim3A_693], %add3A_708 : memref<16x120xi32, #tpu.memory_space<vmem>>[vector<16xi32>, vector<16xi32>], vector<16xi32>,
        %add3A_709 = arith.constant 16 : i32
        %add3A_710 = vector.broadcast %add3A_709 : i32 to vector<16xi32>
        %add3A_711 = arith.addi %add3A_708, %add3A_710 : vector<16xi32>
        tpu.vector_store_idx %arg10[%iota3A, %broadcast_in_dim3A_693], %add3A_711 : memref<16x120xi32, #tpu.memory_space<vmem>>[vector<16xi32>, vector<16xi32>], vector<16xi32>,
        %and3A_712 = arith.constant 7 : i32
        %and3A_713 = vector.broadcast %and3A_712 : i32 to vector<16xi32>
        %and3A_714 = arith.andi %and3A_686, %and3A_713 : vector<16xi32>
        tpu.vector_store_idx %arg11[%iota3A, %broadcast_in_dim3A_693], %and3A_714 : memref<16x120xi32, #tpu.memory_space<vmem>>[vector<16xi32>, vector<16xi32>], vector<16xi32>,
        %mul3A_715 = arith.constant 8 : i32
        %mul3A_716 = arith.muli %scan3A_413, %mul3A_715 : i32
        %add3A_717 = arith.constant 5 : i32
        %add3A_718 = arith.addi %mul3A_716, %add3A_717 : i32
        %sub3A_719 = arith.constant 8 : i32
        %sub3A_720 = arith.subi %add3A_718, %sub3A_719 : i32
        %mul3A_721 = arith.constant 16 : i32
        %mul3A_722 = arith.muli %sub3A_720, %mul3A_721 : i32
        %mul3A_723 = arith.mulf %mul3A_460, %sub3A_428 : vector<16xf32>
        %swap3A_724 = arith.index_cast %mul3A_722 : i32 to index
        %swap3A_725 = tpu.vector_load %arg16[%swap3A_724] {strides = array<i32>} : memref<1920xf32, #tpu.memory_space<vmem>>, vector<16xf32>,
        tpu.vector_store %arg16[%swap3A_724], %mul3A_723 {strides = array<i32>} : memref<1920xf32, #tpu.memory_space<vmem>>, vector<16xf32>,
        %xor3A_726 = arith.xori %convert_element_type3A_420, %add3A_440 : vector<16xi32>
        %xor3A_727 = arith.xori %xor3A_726, %add3A_449 : vector<16xi32>
        %and3A_728 = arith.constant 1048575 : i32
        %and3A_729 = vector.broadcast %and3A_728 : i32 to vector<16xi32>
        %and3A_730 = arith.andi %xor3A_727, %and3A_729 : vector<16xi32>
        %mul3A_731 = arith.constant 8 : i32
        %mul3A_732 = arith.muli %scan3A_413, %mul3A_731 : i32
        %add3A_733 = arith.constant 6 : i32
        %add3A_734 = arith.addi %mul3A_732, %add3A_733 : i32
        %sub3A_735 = arith.constant 8 : i32
        %sub3A_736 = arith.subi %add3A_734, %sub3A_735 : i32
        %broadcast_in_dim3A_737 = vector.broadcast %sub3A_736 : i32 to vector<16xi32>
        %shift_right_logical3A_738 = arith.constant 3 : i32
        %shift_right_logical3A_739 = vector.broadcast %shift_right_logical3A_738 : i32 to vector<16xi32>
        %shift_right_logical3A_740 = arith.shrui %and3A_730, %shift_right_logical3A_739 : vector<16xi32>
        %shift_right_logical3A_741 = arith.constant 4 : i32
        %shift_right_logical3A_742 = vector.broadcast %shift_right_logical3A_741 : i32 to vector<16xi32>
        %shift_right_logical3A_743 = arith.shrui %shift_right_logical3A_740, %shift_right_logical3A_742 : vector<16xi32>
        %shift_left3A_744 = arith.constant 5 : i32
        %shift_left3A_745 = vector.broadcast %shift_left3A_744 : i32 to vector<16xi32>
        %shift_left3A_746 = arith.shli %shift_right_logical3A_743, %shift_left3A_745 : vector<16xi32>
        %add3A_747 = vector.broadcast %mul3A_464 : i32 to vector<16xi32>
        %add3A_748 = arith.addi %add3A_747, %shift_left3A_746 : vector<16xi32>
        %and3A_749 = arith.constant 15 : i32
        %and3A_750 = vector.broadcast %and3A_749 : i32 to vector<16xi32>
        %and3A_751 = arith.andi %shift_right_logical3A_740, %and3A_750 : vector<16xi32>
        %add3A_752 = arith.addi %add3A_748, %and3A_751 : vector<16xi32>
        tpu.vector_store_idx %arg9[%iota3A, %broadcast_in_dim3A_737], %add3A_752 : memref<16x120xi32, #tpu.memory_space<vmem>>[vector<16xi32>, vector<16xi32>], vector<16xi32>,
        %add3A_753 = arith.constant 16 : i32
        %add3A_754 = vector.broadcast %add3A_753 : i32 to vector<16xi32>
        %add3A_755 = arith.addi %add3A_752, %add3A_754 : vector<16xi32>
        tpu.vector_store_idx %arg10[%iota3A, %broadcast_in_dim3A_737], %add3A_755 : memref<16x120xi32, #tpu.memory_space<vmem>>[vector<16xi32>, vector<16xi32>], vector<16xi32>,
        %and3A_756 = arith.constant 7 : i32
        %and3A_757 = vector.broadcast %and3A_756 : i32 to vector<16xi32>
        %and3A_758 = arith.andi %and3A_730, %and3A_757 : vector<16xi32>
        tpu.vector_store_idx %arg11[%iota3A, %broadcast_in_dim3A_737], %and3A_758 : memref<16x120xi32, #tpu.memory_space<vmem>>[vector<16xi32>, vector<16xi32>], vector<16xi32>,
        %mul3A_759 = arith.constant 8 : i32
        %mul3A_760 = arith.muli %scan3A_413, %mul3A_759 : i32
        %add3A_761 = arith.constant 6 : i32
        %add3A_762 = arith.addi %mul3A_760, %add3A_761 : i32
        %sub3A_763 = arith.constant 8 : i32
        %sub3A_764 = arith.subi %add3A_762, %sub3A_763 : i32
        %mul3A_765 = arith.constant 16 : i32
        %mul3A_766 = arith.muli %sub3A_764, %mul3A_765 : i32
        %mul3A_767 = arith.mulf %mul3A_461, %sub3A_428 : vector<16xf32>
        %swap3A_768 = arith.index_cast %mul3A_766 : i32 to index
        %swap3A_769 = tpu.vector_load %arg16[%swap3A_768] {strides = array<i32>} : memref<1920xf32, #tpu.memory_space<vmem>>, vector<16xf32>,
        tpu.vector_store %arg16[%swap3A_768], %mul3A_767 {strides = array<i32>} : memref<1920xf32, #tpu.memory_space<vmem>>, vector<16xf32>,
        %xor3A_770 = arith.xori %add3A_431, %add3A_440 : vector<16xi32>
        %xor3A_771 = arith.xori %xor3A_770, %add3A_449 : vector<16xi32>
        %and3A_772 = arith.constant 1048575 : i32
        %and3A_773 = vector.broadcast %and3A_772 : i32 to vector<16xi32>
        %and3A_774 = arith.andi %xor3A_771, %and3A_773 : vector<16xi32>
        %mul3A_775 = arith.constant 8 : i32
        %mul3A_776 = arith.muli %scan3A_413, %mul3A_775 : i32
        %add3A_777 = arith.constant 7 : i32
        %add3A_778 = arith.addi %mul3A_776, %add3A_777 : i32
        %sub3A_779 = arith.constant 8 : i32
        %sub3A_780 = arith.subi %add3A_778, %sub3A_779 : i32
        %broadcast_in_dim3A_781 = vector.broadcast %sub3A_780 : i32 to vector<16xi32>
        %shift_right_logical3A_782 = arith.constant 3 : i32
        %shift_right_logical3A_783 = vector.broadcast %shift_right_logical3A_782 : i32 to vector<16xi32>
        %shift_right_logical3A_784 = arith.shrui %and3A_774, %shift_right_logical3A_783 : vector<16xi32>
        %shift_right_logical3A_785 = arith.constant 4 : i32
        %shift_right_logical3A_786 = vector.broadcast %shift_right_logical3A_785 : i32 to vector<16xi32>
        %shift_right_logical3A_787 = arith.shrui %shift_right_logical3A_784, %shift_right_logical3A_786 : vector<16xi32>
        %shift_left3A_788 = arith.constant 5 : i32
        %shift_left3A_789 = vector.broadcast %shift_left3A_788 : i32 to vector<16xi32>
        %shift_left3A_790 = arith.shli %shift_right_logical3A_787, %shift_left3A_789 : vector<16xi32>
        %add3A_791 = vector.broadcast %mul3A_464 : i32 to vector<16xi32>
        %add3A_792 = arith.addi %add3A_791, %shift_left3A_790 : vector<16xi32>
        %and3A_793 = arith.constant 15 : i32
        %and3A_794 = vector.broadcast %and3A_793 : i32 to vector<16xi32>
        %and3A_795 = arith.andi %shift_right_logical3A_784, %and3A_794 : vector<16xi32>
        %add3A_796 = arith.addi %add3A_792, %and3A_795 : vector<16xi32>
        tpu.vector_store_idx %arg9[%iota3A, %broadcast_in_dim3A_781], %add3A_796 : memref<16x120xi32, #tpu.memory_space<vmem>>[vector<16xi32>, vector<16xi32>], vector<16xi32>,
        %add3A_797 = arith.constant 16 : i32
        %add3A_798 = vector.broadcast %add3A_797 : i32 to vector<16xi32>
        %add3A_799 = arith.addi %add3A_796, %add3A_798 : vector<16xi32>
        tpu.vector_store_idx %arg10[%iota3A, %broadcast_in_dim3A_781], %add3A_799 : memref<16x120xi32, #tpu.memory_space<vmem>>[vector<16xi32>, vector<16xi32>], vector<16xi32>,
        %and3A_800 = arith.constant 7 : i32
        %and3A_801 = vector.broadcast %and3A_800 : i32 to vector<16xi32>
        %and3A_802 = arith.andi %and3A_774, %and3A_801 : vector<16xi32>
        tpu.vector_store_idx %arg11[%iota3A, %broadcast_in_dim3A_781], %and3A_802 : memref<16x120xi32, #tpu.memory_space<vmem>>[vector<16xi32>, vector<16xi32>], vector<16xi32>,
        %mul3A_803 = arith.constant 8 : i32
        %mul3A_804 = arith.muli %scan3A_413, %mul3A_803 : i32
        %add3A_805 = arith.constant 7 : i32
        %add3A_806 = arith.addi %mul3A_804, %add3A_805 : i32
        %sub3A_807 = arith.constant 8 : i32
        %sub3A_808 = arith.subi %add3A_806, %sub3A_807 : i32
        %mul3A_809 = arith.constant 16 : i32
        %mul3A_810 = arith.muli %sub3A_808, %mul3A_809 : i32
        %mul3A_811 = arith.mulf %mul3A_462, %sub3A_428 : vector<16xf32>
        %swap3A_812 = arith.index_cast %mul3A_810 : i32 to index
        %swap3A_813 = tpu.vector_load %arg16[%swap3A_812] {strides = array<i32>} : memref<1920xf32, #tpu.memory_space<vmem>>, vector<16xf32>,
        tpu.vector_store %arg16[%swap3A_812], %mul3A_811 {strides = array<i32>} : memref<1920xf32, #tpu.memory_space<vmem>>, vector<16xf32>,
        %scan3A_814 = arith.constant 0 : i32
        scf.yield %scan3A_814 : i32
      }
      %scan3A_388 = arith.constant 15 : i32
      %scan3A_389 = arith.constant 0 : i32
      %scan3A_390 = arith.constant 0 : i32
      %scan3A_391 = arith.constant 16 : i32
      %scan3A_392 = arith.addi %scan3A_390, %scan3A_391 : i32
      %scan3A_393 = arith.constant 1 : i32
      %scan3A_394 = scf.for %scan3A_413 = %scan3A_390 to %scan3A_392 step %scan3A_393 iter_args(%scan3A_414 = %scan3A_389) -> (i32)  : i32 {
        %dma_start3A = arith.constant 0 : i32
        %dma_start3A_415 = arith.constant 0 : i32
        %dma_start3A_416 = tpu.memref_slice %arg12[%scan3A_413, %dma_start3A, %dma_start3A_415] : memref<16x120x8xf32, #tpu.memory_space<vmem>> -> memref<1x120x8xf32, #tpu.memory_space<vmem>>
        %dma_start3A_417 = tpu.memref_squeeze %dma_start3A_416 : memref<1x120x8xf32, #tpu.memory_space<vmem>> -> memref<120x8xf32, #tpu.memory_space<vmem>>
        %dma_start3A_418 = arith.constant 0 : i32
        %dma_start3A_419 = tpu.memref_slice %arg9[%scan3A_413, %dma_start3A_418] : memref<16x120xi32, #tpu.memory_space<vmem>> -> memref<1x120xi32, #tpu.memory_space<vmem>>
        %dma_start3A_420 = tpu.memref_squeeze %dma_start3A_419 : memref<1x120xi32, #tpu.memory_space<vmem>> -> memref<120xi32, #tpu.memory_space<vmem>>
        %dma_start3A_421 = arith.constant 0 : i32
        %dma_start3A_422 = arith.constant 0 : i32
        %dma_start3A_423 = tpu.memref_slice %arg3[%dma_start3A_421, %dma_start3A_422] : memref<4194304x8xf32, #tpu.memory_space<hbm>> -> memref<4194304x8xf32, #tpu.memory_space<hbm>>
        tpu.enqueue_indirect_dma source(%dma_start3A_423 : memref<4194304x8xf32, #tpu.memory_space<hbm>>) target(%dma_start3A_417 : memref<120x8xf32, #tpu.memory_space<vmem>>) offsets(%dma_start3A_420 : memref<120xi32, #tpu.memory_space<vmem>>) semaphore(%arg28 : memref<!tpu.dma_semaphore, #tpu.memory_space<semaphore_mem>>)
        %dma_start3A_424 = arith.constant 0 : i32
        %dma_start3A_425 = arith.constant 0 : i32
        %dma_start3A_426 = tpu.memref_slice %arg13[%scan3A_413, %dma_start3A_424, %dma_start3A_425] : memref<16x120x8xf32, #tpu.memory_space<vmem>> -> memref<1x120x8xf32, #tpu.memory_space<vmem>>
        %dma_start3A_427 = tpu.memref_squeeze %dma_start3A_426 : memref<1x120x8xf32, #tpu.memory_space<vmem>> -> memref<120x8xf32, #tpu.memory_space<vmem>>
        %dma_start3A_428 = arith.constant 0 : i32
        %dma_start3A_429 = tpu.memref_slice %arg10[%scan3A_413, %dma_start3A_428] : memref<16x120xi32, #tpu.memory_space<vmem>> -> memref<1x120xi32, #tpu.memory_space<vmem>>
        %dma_start3A_430 = tpu.memref_squeeze %dma_start3A_429 : memref<1x120xi32, #tpu.memory_space<vmem>> -> memref<120xi32, #tpu.memory_space<vmem>>
        %dma_start3A_431 = arith.constant 0 : i32
        %dma_start3A_432 = arith.constant 0 : i32
        %dma_start3A_433 = tpu.memref_slice %arg3[%dma_start3A_431, %dma_start3A_432] : memref<4194304x8xf32, #tpu.memory_space<hbm>> -> memref<4194304x8xf32, #tpu.memory_space<hbm>>
        tpu.enqueue_indirect_dma source(%dma_start3A_433 : memref<4194304x8xf32, #tpu.memory_space<hbm>>) target(%dma_start3A_427 : memref<120x8xf32, #tpu.memory_space<vmem>>) offsets(%dma_start3A_430 : memref<120xi32, #tpu.memory_space<vmem>>) semaphore(%arg28 : memref<!tpu.dma_semaphore, #tpu.memory_space<semaphore_mem>>)
        %dma_start3A_434 = arith.constant 0 : i32
        %dma_start3A_435 = arith.constant 0 : i32
        %dma_start3A_436 = tpu.memref_slice %arg14[%scan3A_413, %dma_start3A_434, %dma_start3A_435] : memref<16x120x8xf32, #tpu.memory_space<vmem>> -> memref<1x120x8xf32, #tpu.memory_space<vmem>>
        %dma_start3A_437 = tpu.memref_squeeze %dma_start3A_436 : memref<1x120x8xf32, #tpu.memory_space<vmem>> -> memref<120x8xf32, #tpu.memory_space<vmem>>
        %dma_start3A_438 = arith.constant 0 : i32
        %dma_start3A_439 = tpu.memref_slice %arg9[%scan3A_413, %dma_start3A_438] : memref<16x120xi32, #tpu.memory_space<vmem>> -> memref<1x120xi32, #tpu.memory_space<vmem>>
        %dma_start3A_440 = tpu.memref_squeeze %dma_start3A_439 : memref<1x120xi32, #tpu.memory_space<vmem>> -> memref<120xi32, #tpu.memory_space<vmem>>
        %dma_start3A_441 = arith.constant 0 : i32
        %dma_start3A_442 = arith.constant 0 : i32
        %dma_start3A_443 = tpu.memref_slice %arg4[%dma_start3A_441, %dma_start3A_442] : memref<4194304x8xf32, #tpu.memory_space<hbm>> -> memref<4194304x8xf32, #tpu.memory_space<hbm>>
        tpu.enqueue_indirect_dma source(%dma_start3A_443 : memref<4194304x8xf32, #tpu.memory_space<hbm>>) target(%dma_start3A_437 : memref<120x8xf32, #tpu.memory_space<vmem>>) offsets(%dma_start3A_440 : memref<120xi32, #tpu.memory_space<vmem>>) semaphore(%arg28 : memref<!tpu.dma_semaphore, #tpu.memory_space<semaphore_mem>>)
        %dma_start3A_444 = arith.constant 0 : i32
        %dma_start3A_445 = arith.constant 0 : i32
        %dma_start3A_446 = tpu.memref_slice %arg15[%scan3A_413, %dma_start3A_444, %dma_start3A_445] : memref<16x120x8xf32, #tpu.memory_space<vmem>> -> memref<1x120x8xf32, #tpu.memory_space<vmem>>
        %dma_start3A_447 = tpu.memref_squeeze %dma_start3A_446 : memref<1x120x8xf32, #tpu.memory_space<vmem>> -> memref<120x8xf32, #tpu.memory_space<vmem>>
        %dma_start3A_448 = arith.constant 0 : i32
        %dma_start3A_449 = tpu.memref_slice %arg10[%scan3A_413, %dma_start3A_448] : memref<16x120xi32, #tpu.memory_space<vmem>> -> memref<1x120xi32, #tpu.memory_space<vmem>>
        %dma_start3A_450 = tpu.memref_squeeze %dma_start3A_449 : memref<1x120xi32, #tpu.memory_space<vmem>> -> memref<120xi32, #tpu.memory_space<vmem>>
        %dma_start3A_451 = arith.constant 0 : i32
        %dma_start3A_452 = arith.constant 0 : i32
        %dma_start3A_453 = tpu.memref_slice %arg4[%dma_start3A_451, %dma_start3A_452] : memref<4194304x8xf32, #tpu.memory_space<hbm>> -> memref<4194304x8xf32, #tpu.memory_space<hbm>>
        tpu.enqueue_indirect_dma source(%dma_start3A_453 : memref<4194304x8xf32, #tpu.memory_space<hbm>>) target(%dma_start3A_447 : memref<120x8xf32, #tpu.memory_space<vmem>>) offsets(%dma_start3A_450 : memref<120xi32, #tpu.memory_space<vmem>>) semaphore(%arg28 : memref<!tpu.dma_semaphore, #tpu.memory_space<semaphore_mem>>)
        %scan3A_454 = arith.constant 0 : i32
        scf.yield %scan3A_454 : i32
      }
      %scan3A_395 = arith.constant 16 : i32
      %scan3A_396 = arith.constant 0 : i32
      %scan3A_397 = arith.constant 0 : i32
      %scan3A_398 = arith.constant 16 : i32
      %scan3A_399 = arith.addi %scan3A_397, %scan3A_398 : i32
      %scan3A_400 = arith.constant 1 : i32
      %scan3A_401 = scf.for %scan3A_413 = %scan3A_397 to %scan3A_399 step %scan3A_400 iter_args(%scan3A_414 = %scan3A_396) -> (i32)  : i32 {
        %dma_wait3A = arith.constant 0 : i32
        %dma_wait3A_415 = arith.constant 0 : i32
        %dma_wait3A_416 = tpu.memref_slice %arg12[%scan3A_413, %dma_wait3A, %dma_wait3A_415] : memref<16x120x8xf32, #tpu.memory_space<vmem>> -> memref<1x120x8xf32, #tpu.memory_space<vmem>>
        %dma_wait3A_417 = tpu.memref_squeeze %dma_wait3A_416 : memref<1x120x8xf32, #tpu.memory_space<vmem>> -> memref<120x8xf32, #tpu.memory_space<vmem>>
        %dma_wait3A_418 = arith.constant 0 : i32
        %dma_wait3A_419 = tpu.memref_slice %arg9[%scan3A_413, %dma_wait3A_418] : memref<16x120xi32, #tpu.memory_space<vmem>> -> memref<1x120xi32, #tpu.memory_space<vmem>>
        %dma_wait3A_420 = tpu.memref_squeeze %dma_wait3A_419 : memref<1x120xi32, #tpu.memory_space<vmem>> -> memref<120xi32, #tpu.memory_space<vmem>>
        %dma_wait3A_421 = arith.constant 0 : i32
        %dma_wait3A_422 = arith.constant 0 : i32
        %dma_wait3A_423 = tpu.memref_slice %arg3[%dma_wait3A_421, %dma_wait3A_422] : memref<4194304x8xf32, #tpu.memory_space<hbm>> -> memref<4194304x8xf32, #tpu.memory_space<hbm>>
        tpu.wait_indirect_dma semaphore(%arg28 : memref<!tpu.dma_semaphore, #tpu.memory_space<semaphore_mem>>) src(%dma_wait3A_423 : memref<4194304x8xf32, #tpu.memory_space<hbm>>) dst(%dma_wait3A_417 : memref<120x8xf32, #tpu.memory_space<vmem>>)
        %dma_wait3A_424 = arith.constant 0 : i32
        %dma_wait3A_425 = arith.constant 0 : i32
        %dma_wait3A_426 = tpu.memref_slice %arg13[%scan3A_413, %dma_wait3A_424, %dma_wait3A_425] : memref<16x120x8xf32, #tpu.memory_space<vmem>> -> memref<1x120x8xf32, #tpu.memory_space<vmem>>
        %dma_wait3A_427 = tpu.memref_squeeze %dma_wait3A_426 : memref<1x120x8xf32, #tpu.memory_space<vmem>> -> memref<120x8xf32, #tpu.memory_space<vmem>>
        %dma_wait3A_428 = arith.constant 0 : i32
        %dma_wait3A_429 = tpu.memref_slice %arg10[%scan3A_413, %dma_wait3A_428] : memref<16x120xi32, #tpu.memory_space<vmem>> -> memref<1x120xi32, #tpu.memory_space<vmem>>
        %dma_wait3A_430 = tpu.memref_squeeze %dma_wait3A_429 : memref<1x120xi32, #tpu.memory_space<vmem>> -> memref<120xi32, #tpu.memory_space<vmem>>
        %dma_wait3A_431 = arith.constant 0 : i32
        %dma_wait3A_432 = arith.constant 0 : i32
        %dma_wait3A_433 = tpu.memref_slice %arg3[%dma_wait3A_431, %dma_wait3A_432] : memref<4194304x8xf32, #tpu.memory_space<hbm>> -> memref<4194304x8xf32, #tpu.memory_space<hbm>>
        tpu.wait_indirect_dma semaphore(%arg28 : memref<!tpu.dma_semaphore, #tpu.memory_space<semaphore_mem>>) src(%dma_wait3A_433 : memref<4194304x8xf32, #tpu.memory_space<hbm>>) dst(%dma_wait3A_427 : memref<120x8xf32, #tpu.memory_space<vmem>>)
        %dma_wait3A_434 = arith.constant 0 : i32
        %dma_wait3A_435 = arith.constant 0 : i32
        %dma_wait3A_436 = tpu.memref_slice %arg14[%scan3A_413, %dma_wait3A_434, %dma_wait3A_435] : memref<16x120x8xf32, #tpu.memory_space<vmem>> -> memref<1x120x8xf32, #tpu.memory_space<vmem>>
        %dma_wait3A_437 = tpu.memref_squeeze %dma_wait3A_436 : memref<1x120x8xf32, #tpu.memory_space<vmem>> -> memref<120x8xf32, #tpu.memory_space<vmem>>
        %dma_wait3A_438 = arith.constant 0 : i32
        %dma_wait3A_439 = tpu.memref_slice %arg9[%scan3A_413, %dma_wait3A_438] : memref<16x120xi32, #tpu.memory_space<vmem>> -> memref<1x120xi32, #tpu.memory_space<vmem>>
        %dma_wait3A_440 = tpu.memref_squeeze %dma_wait3A_439 : memref<1x120xi32, #tpu.memory_space<vmem>> -> memref<120xi32, #tpu.memory_space<vmem>>
        %dma_wait3A_441 = arith.constant 0 : i32
        %dma_wait3A_442 = arith.constant 0 : i32
        %dma_wait3A_443 = tpu.memref_slice %arg4[%dma_wait3A_441, %dma_wait3A_442] : memref<4194304x8xf32, #tpu.memory_space<hbm>> -> memref<4194304x8xf32, #tpu.memory_space<hbm>>
        tpu.wait_indirect_dma semaphore(%arg28 : memref<!tpu.dma_semaphore, #tpu.memory_space<semaphore_mem>>) src(%dma_wait3A_443 : memref<4194304x8xf32, #tpu.memory_space<hbm>>) dst(%dma_wait3A_437 : memref<120x8xf32, #tpu.memory_space<vmem>>)
        %dma_wait3A_444 = arith.constant 0 : i32
        %dma_wait3A_445 = arith.constant 0 : i32
        %dma_wait3A_446 = tpu.memref_slice %arg15[%scan3A_413, %dma_wait3A_444, %dma_wait3A_445] : memref<16x120x8xf32, #tpu.memory_space<vmem>> -> memref<1x120x8xf32, #tpu.memory_space<vmem>>
        %dma_wait3A_447 = tpu.memref_squeeze %dma_wait3A_446 : memref<1x120x8xf32, #tpu.memory_space<vmem>> -> memref<120x8xf32, #tpu.memory_space<vmem>>
        %dma_wait3A_448 = arith.constant 0 : i32
        %dma_wait3A_449 = tpu.memref_slice %arg10[%scan3A_413, %dma_wait3A_448] : memref<16x120xi32, #tpu.memory_space<vmem>> -> memref<1x120xi32, #tpu.memory_space<vmem>>
        %dma_wait3A_450 = tpu.memref_squeeze %dma_wait3A_449 : memref<1x120xi32, #tpu.memory_space<vmem>> -> memref<120xi32, #tpu.memory_space<vmem>>
        %dma_wait3A_451 = arith.constant 0 : i32
        %dma_wait3A_452 = arith.constant 0 : i32
        %dma_wait3A_453 = tpu.memref_slice %arg4[%dma_wait3A_451, %dma_wait3A_452] : memref<4194304x8xf32, #tpu.memory_space<hbm>> -> memref<4194304x8xf32, #tpu.memory_space<hbm>>
        tpu.wait_indirect_dma semaphore(%arg28 : memref<!tpu.dma_semaphore, #tpu.memory_space<semaphore_mem>>) src(%dma_wait3A_453 : memref<4194304x8xf32, #tpu.memory_space<hbm>>) dst(%dma_wait3A_447 : memref<120x8xf32, #tpu.memory_space<vmem>>)
        %scan3A_454 = arith.constant 0 : i32
        scf.yield %scan3A_454 : i32
      }
      %scan3A_402 = arith.constant 16 : i32
      %scan3A_403 = arith.constant 0 : i32
      %scan3A_404 = arith.constant 1 : i32
      %scan3A_405 = arith.constant 15 : i32
      %scan3A_406 = arith.addi %scan3A_404, %scan3A_405 : i32
      %scan3A_407 = arith.constant 1 : i32
      %scan3A_408 = scf.for %scan3A_413 = %scan3A_404 to %scan3A_406 step %scan3A_407 iter_args(%scan3A_414 = %scan3A_403) -> (i32)  : i32 {
        %broadcast_in_dim3A_415 = arith.constant 0.000000e+00 : f32
        %broadcast_in_dim3A_416 = vector.broadcast %broadcast_in_dim3A_415 : f32 to vector<16xf32>
        %broadcast_in_dim3A_417 = arith.constant 0.000000e+00 : f32
        %broadcast_in_dim3A_418 = vector.broadcast %broadcast_in_dim3A_417 : f32 to vector<16xf32>
        %broadcast_in_dim3A_419 = arith.constant 0.000000e+00 : f32
        %broadcast_in_dim3A_420 = vector.broadcast %broadcast_in_dim3A_419 : f32 to vector<16xf32>
        %broadcast_in_dim3A_421 = arith.constant 0.000000e+00 : f32
        %broadcast_in_dim3A_422 = vector.broadcast %broadcast_in_dim3A_421 : f32 to vector<16xf32>
        %mul3A_423 = arith.constant 8 : i32
        %mul3A_424 = arith.muli %scan3A_413, %mul3A_423 : i32
        %add3A_425 = arith.constant 0 : i32
        %add3A_426 = arith.addi %mul3A_424, %add3A_425 : i32
        %sub3A_427 = arith.constant 8 : i32
        %sub3A_428 = arith.subi %add3A_426, %sub3A_427 : i32
        %mul3A_429 = arith.constant 16 : i32
        %mul3A_430 = arith.muli %sub3A_428, %mul3A_429 : i32
        %get3A_431 = arith.index_cast %mul3A_430 : i32 to index
        %get3A_432 = tpu.vector_load %arg16[%get3A_431] {strides = array<i32>} : memref<1920xf32, #tpu.memory_space<vmem>>, vector<16xf32>,
        %mul3A_433 = arith.constant 8 : i32
        %mul3A_434 = arith.muli %scan3A_413, %mul3A_433 : i32
        %add3A_435 = arith.constant 0 : i32
        %add3A_436 = arith.addi %mul3A_434, %add3A_435 : i32
        %sub3A_437 = arith.constant 8 : i32
        %sub3A_438 = arith.subi %add3A_436, %sub3A_437 : i32
        %broadcast_in_dim3A_439 = vector.broadcast %sub3A_438 : i32 to vector<16xi32>
        %gather3A_440 = tpu.vector_load_idx %arg11[%iota3A, %broadcast_in_dim3A_439] : memref<16x120xi32, #tpu.memory_space<vmem>>[vector<16xi32>, vector<16xi32>], vector<16xi32>,
        %gather3A_441 = tpu.vector_load_idx %arg12[%iota3A, %broadcast_in_dim3A_439, %gather3A_440] : memref<16x120x8xf32, #tpu.memory_space<vmem>>[vector<16xi32>, vector<16xi32>, vector<16xi32>], vector<16xf32>,
        %mul3A_442 = arith.mulf %get3A_432, %gather3A_441 : vector<16xf32>
        %add3A_443 = arith.addf %broadcast_in_dim3A_416, %mul3A_442 : vector<16xf32>
        %gather3A_444 = tpu.vector_load_idx %arg13[%iota3A, %broadcast_in_dim3A_439, %gather3A_440] : memref<16x120x8xf32, #tpu.memory_space<vmem>>[vector<16xi32>, vector<16xi32>, vector<16xi32>], vector<16xf32>,
        %mul3A_445 = arith.mulf %get3A_432, %gather3A_444 : vector<16xf32>
        %add3A_446 = arith.addf %broadcast_in_dim3A_418, %mul3A_445 : vector<16xf32>
        %gather3A_447 = tpu.vector_load_idx %arg14[%iota3A, %broadcast_in_dim3A_439, %gather3A_440] : memref<16x120x8xf32, #tpu.memory_space<vmem>>[vector<16xi32>, vector<16xi32>, vector<16xi32>], vector<16xf32>,
        %mul3A_448 = arith.mulf %get3A_432, %gather3A_447 : vector<16xf32>
        %add3A_449 = arith.addf %broadcast_in_dim3A_420, %mul3A_448 : vector<16xf32>
        %gather3A_450 = tpu.vector_load_idx %arg15[%iota3A, %broadcast_in_dim3A_439, %gather3A_440] : memref<16x120x8xf32, #tpu.memory_space<vmem>>[vector<16xi32>, vector<16xi32>, vector<16xi32>], vector<16xf32>,
        %mul3A_451 = arith.mulf %get3A_432, %gather3A_450 : vector<16xf32>
        %add3A_452 = arith.addf %broadcast_in_dim3A_422, %mul3A_451 : vector<16xf32>
        %mul3A_453 = arith.constant 8 : i32
        %mul3A_454 = arith.muli %scan3A_413, %mul3A_453 : i32
        %add3A_455 = arith.constant 1 : i32
        %add3A_456 = arith.addi %mul3A_454, %add3A_455 : i32
        %sub3A_457 = arith.constant 8 : i32
        %sub3A_458 = arith.subi %add3A_456, %sub3A_457 : i32
        %mul3A_459 = arith.constant 16 : i32
        %mul3A_460 = arith.muli %sub3A_458, %mul3A_459 : i32
        %get3A_461 = arith.index_cast %mul3A_460 : i32 to index
        %get3A_462 = tpu.vector_load %arg16[%get3A_461] {strides = array<i32>} : memref<1920xf32, #tpu.memory_space<vmem>>, vector<16xf32>,
        %mul3A_463 = arith.constant 8 : i32
        %mul3A_464 = arith.muli %scan3A_413, %mul3A_463 : i32
        %add3A_465 = arith.constant 1 : i32
        %add3A_466 = arith.addi %mul3A_464, %add3A_465 : i32
        %sub3A_467 = arith.constant 8 : i32
        %sub3A_468 = arith.subi %add3A_466, %sub3A_467 : i32
        %broadcast_in_dim3A_469 = vector.broadcast %sub3A_468 : i32 to vector<16xi32>
        %gather3A_470 = tpu.vector_load_idx %arg11[%iota3A, %broadcast_in_dim3A_469] : memref<16x120xi32, #tpu.memory_space<vmem>>[vector<16xi32>, vector<16xi32>], vector<16xi32>,
        %gather3A_471 = tpu.vector_load_idx %arg12[%iota3A, %broadcast_in_dim3A_469, %gather3A_470] : memref<16x120x8xf32, #tpu.memory_space<vmem>>[vector<16xi32>, vector<16xi32>, vector<16xi32>], vector<16xf32>,
        %mul3A_472 = arith.mulf %get3A_462, %gather3A_471 : vector<16xf32>
        %add3A_473 = arith.addf %add3A_443, %mul3A_472 : vector<16xf32>
        %gather3A_474 = tpu.vector_load_idx %arg13[%iota3A, %broadcast_in_dim3A_469, %gather3A_470] : memref<16x120x8xf32, #tpu.memory_space<vmem>>[vector<16xi32>, vector<16xi32>, vector<16xi32>], vector<16xf32>,
        %mul3A_475 = arith.mulf %get3A_462, %gather3A_474 : vector<16xf32>
        %add3A_476 = arith.addf %add3A_446, %mul3A_475 : vector<16xf32>
        %gather3A_477 = tpu.vector_load_idx %arg14[%iota3A, %broadcast_in_dim3A_469, %gather3A_470] : memref<16x120x8xf32, #tpu.memory_space<vmem>>[vector<16xi32>, vector<16xi32>, vector<16xi32>], vector<16xf32>,
        %mul3A_478 = arith.mulf %get3A_462, %gather3A_477 : vector<16xf32>
        %add3A_479 = arith.addf %add3A_449, %mul3A_478 : vector<16xf32>
        %gather3A_480 = tpu.vector_load_idx %arg15[%iota3A, %broadcast_in_dim3A_469, %gather3A_470] : memref<16x120x8xf32, #tpu.memory_space<vmem>>[vector<16xi32>, vector<16xi32>, vector<16xi32>], vector<16xf32>,
        %mul3A_481 = arith.mulf %get3A_462, %gather3A_480 : vector<16xf32>
        %add3A_482 = arith.addf %add3A_452, %mul3A_481 : vector<16xf32>
        %mul3A_483 = arith.constant 8 : i32
        %mul3A_484 = arith.muli %scan3A_413, %mul3A_483 : i32
        %add3A_485 = arith.constant 2 : i32
        %add3A_486 = arith.addi %mul3A_484, %add3A_485 : i32
        %sub3A_487 = arith.constant 8 : i32
        %sub3A_488 = arith.subi %add3A_486, %sub3A_487 : i32
        %mul3A_489 = arith.constant 16 : i32
        %mul3A_490 = arith.muli %sub3A_488, %mul3A_489 : i32
        %get3A_491 = arith.index_cast %mul3A_490 : i32 to index
        %get3A_492 = tpu.vector_load %arg16[%get3A_491] {strides = array<i32>} : memref<1920xf32, #tpu.memory_space<vmem>>, vector<16xf32>,
        %mul3A_493 = arith.constant 8 : i32
        %mul3A_494 = arith.muli %scan3A_413, %mul3A_493 : i32
        %add3A_495 = arith.constant 2 : i32
        %add3A_496 = arith.addi %mul3A_494, %add3A_495 : i32
        %sub3A_497 = arith.constant 8 : i32
        %sub3A_498 = arith.subi %add3A_496, %sub3A_497 : i32
        %broadcast_in_dim3A_499 = vector.broadcast %sub3A_498 : i32 to vector<16xi32>
        %gather3A_500 = tpu.vector_load_idx %arg11[%iota3A, %broadcast_in_dim3A_499] : memref<16x120xi32, #tpu.memory_space<vmem>>[vector<16xi32>, vector<16xi32>], vector<16xi32>,
        %gather3A_501 = tpu.vector_load_idx %arg12[%iota3A, %broadcast_in_dim3A_499, %gather3A_500] : memref<16x120x8xf32, #tpu.memory_space<vmem>>[vector<16xi32>, vector<16xi32>, vector<16xi32>], vector<16xf32>,
        %mul3A_502 = arith.mulf %get3A_492, %gather3A_501 : vector<16xf32>
        %add3A_503 = arith.addf %add3A_473, %mul3A_502 : vector<16xf32>
        %gather3A_504 = tpu.vector_load_idx %arg13[%iota3A, %broadcast_in_dim3A_499, %gather3A_500] : memref<16x120x8xf32, #tpu.memory_space<vmem>>[vector<16xi32>, vector<16xi32>, vector<16xi32>], vector<16xf32>,
        %mul3A_505 = arith.mulf %get3A_492, %gather3A_504 : vector<16xf32>
        %add3A_506 = arith.addf %add3A_476, %mul3A_505 : vector<16xf32>
        %gather3A_507 = tpu.vector_load_idx %arg14[%iota3A, %broadcast_in_dim3A_499, %gather3A_500] : memref<16x120x8xf32, #tpu.memory_space<vmem>>[vector<16xi32>, vector<16xi32>, vector<16xi32>], vector<16xf32>,
        %mul3A_508 = arith.mulf %get3A_492, %gather3A_507 : vector<16xf32>
        %add3A_509 = arith.addf %add3A_479, %mul3A_508 : vector<16xf32>
        %gather3A_510 = tpu.vector_load_idx %arg15[%iota3A, %broadcast_in_dim3A_499, %gather3A_500] : memref<16x120x8xf32, #tpu.memory_space<vmem>>[vector<16xi32>, vector<16xi32>, vector<16xi32>], vector<16xf32>,
        %mul3A_511 = arith.mulf %get3A_492, %gather3A_510 : vector<16xf32>
        %add3A_512 = arith.addf %add3A_482, %mul3A_511 : vector<16xf32>
        %mul3A_513 = arith.constant 8 : i32
        %mul3A_514 = arith.muli %scan3A_413, %mul3A_513 : i32
        %add3A_515 = arith.constant 3 : i32
        %add3A_516 = arith.addi %mul3A_514, %add3A_515 : i32
        %sub3A_517 = arith.constant 8 : i32
        %sub3A_518 = arith.subi %add3A_516, %sub3A_517 : i32
        %mul3A_519 = arith.constant 16 : i32
        %mul3A_520 = arith.muli %sub3A_518, %mul3A_519 : i32
        %get3A_521 = arith.index_cast %mul3A_520 : i32 to index
        %get3A_522 = tpu.vector_load %arg16[%get3A_521] {strides = array<i32>} : memref<1920xf32, #tpu.memory_space<vmem>>, vector<16xf32>,
        %mul3A_523 = arith.constant 8 : i32
        %mul3A_524 = arith.muli %scan3A_413, %mul3A_523 : i32
        %add3A_525 = arith.constant 3 : i32
        %add3A_526 = arith.addi %mul3A_524, %add3A_525 : i32
        %sub3A_527 = arith.constant 8 : i32
        %sub3A_528 = arith.subi %add3A_526, %sub3A_527 : i32
        %broadcast_in_dim3A_529 = vector.broadcast %sub3A_528 : i32 to vector<16xi32>
        %gather3A_530 = tpu.vector_load_idx %arg11[%iota3A, %broadcast_in_dim3A_529] : memref<16x120xi32, #tpu.memory_space<vmem>>[vector<16xi32>, vector<16xi32>], vector<16xi32>,
        %gather3A_531 = tpu.vector_load_idx %arg12[%iota3A, %broadcast_in_dim3A_529, %gather3A_530] : memref<16x120x8xf32, #tpu.memory_space<vmem>>[vector<16xi32>, vector<16xi32>, vector<16xi32>], vector<16xf32>,
        %mul3A_532 = arith.mulf %get3A_522, %gather3A_531 : vector<16xf32>
        %add3A_533 = arith.addf %add3A_503, %mul3A_532 : vector<16xf32>
        %gather3A_534 = tpu.vector_load_idx %arg13[%iota3A, %broadcast_in_dim3A_529, %gather3A_530] : memref<16x120x8xf32, #tpu.memory_space<vmem>>[vector<16xi32>, vector<16xi32>, vector<16xi32>], vector<16xf32>,
        %mul3A_535 = arith.mulf %get3A_522, %gather3A_534 : vector<16xf32>
        %add3A_536 = arith.addf %add3A_506, %mul3A_535 : vector<16xf32>
        %gather3A_537 = tpu.vector_load_idx %arg14[%iota3A, %broadcast_in_dim3A_529, %gather3A_530] : memref<16x120x8xf32, #tpu.memory_space<vmem>>[vector<16xi32>, vector<16xi32>, vector<16xi32>], vector<16xf32>,
        %mul3A_538 = arith.mulf %get3A_522, %gather3A_537 : vector<16xf32>
        %add3A_539 = arith.addf %add3A_509, %mul3A_538 : vector<16xf32>
        %gather3A_540 = tpu.vector_load_idx %arg15[%iota3A, %broadcast_in_dim3A_529, %gather3A_530] : memref<16x120x8xf32, #tpu.memory_space<vmem>>[vector<16xi32>, vector<16xi32>, vector<16xi32>], vector<16xf32>,
        %mul3A_541 = arith.mulf %get3A_522, %gather3A_540 : vector<16xf32>
        %add3A_542 = arith.addf %add3A_512, %mul3A_541 : vector<16xf32>
        %mul3A_543 = arith.constant 8 : i32
        %mul3A_544 = arith.muli %scan3A_413, %mul3A_543 : i32
        %add3A_545 = arith.constant 4 : i32
        %add3A_546 = arith.addi %mul3A_544, %add3A_545 : i32
        %sub3A_547 = arith.constant 8 : i32
        %sub3A_548 = arith.subi %add3A_546, %sub3A_547 : i32
        %mul3A_549 = arith.constant 16 : i32
        %mul3A_550 = arith.muli %sub3A_548, %mul3A_549 : i32
        %get3A_551 = arith.index_cast %mul3A_550 : i32 to index
        %get3A_552 = tpu.vector_load %arg16[%get3A_551] {strides = array<i32>} : memref<1920xf32, #tpu.memory_space<vmem>>, vector<16xf32>,
        %mul3A_553 = arith.constant 8 : i32
        %mul3A_554 = arith.muli %scan3A_413, %mul3A_553 : i32
        %add3A_555 = arith.constant 4 : i32
        %add3A_556 = arith.addi %mul3A_554, %add3A_555 : i32
        %sub3A_557 = arith.constant 8 : i32
        %sub3A_558 = arith.subi %add3A_556, %sub3A_557 : i32
        %broadcast_in_dim3A_559 = vector.broadcast %sub3A_558 : i32 to vector<16xi32>
        %gather3A_560 = tpu.vector_load_idx %arg11[%iota3A, %broadcast_in_dim3A_559] : memref<16x120xi32, #tpu.memory_space<vmem>>[vector<16xi32>, vector<16xi32>], vector<16xi32>,
        %gather3A_561 = tpu.vector_load_idx %arg12[%iota3A, %broadcast_in_dim3A_559, %gather3A_560] : memref<16x120x8xf32, #tpu.memory_space<vmem>>[vector<16xi32>, vector<16xi32>, vector<16xi32>], vector<16xf32>,
        %mul3A_562 = arith.mulf %get3A_552, %gather3A_561 : vector<16xf32>
        %add3A_563 = arith.addf %add3A_533, %mul3A_562 : vector<16xf32>
        %gather3A_564 = tpu.vector_load_idx %arg13[%iota3A, %broadcast_in_dim3A_559, %gather3A_560] : memref<16x120x8xf32, #tpu.memory_space<vmem>>[vector<16xi32>, vector<16xi32>, vector<16xi32>], vector<16xf32>,
        %mul3A_565 = arith.mulf %get3A_552, %gather3A_564 : vector<16xf32>
        %add3A_566 = arith.addf %add3A_536, %mul3A_565 : vector<16xf32>
        %gather3A_567 = tpu.vector_load_idx %arg14[%iota3A, %broadcast_in_dim3A_559, %gather3A_560] : memref<16x120x8xf32, #tpu.memory_space<vmem>>[vector<16xi32>, vector<16xi32>, vector<16xi32>], vector<16xf32>,
        %mul3A_568 = arith.mulf %get3A_552, %gather3A_567 : vector<16xf32>
        %add3A_569 = arith.addf %add3A_539, %mul3A_568 : vector<16xf32>
        %gather3A_570 = tpu.vector_load_idx %arg15[%iota3A, %broadcast_in_dim3A_559, %gather3A_560] : memref<16x120x8xf32, #tpu.memory_space<vmem>>[vector<16xi32>, vector<16xi32>, vector<16xi32>], vector<16xf32>,
        %mul3A_571 = arith.mulf %get3A_552, %gather3A_570 : vector<16xf32>
        %add3A_572 = arith.addf %add3A_542, %mul3A_571 : vector<16xf32>
        %mul3A_573 = arith.constant 8 : i32
        %mul3A_574 = arith.muli %scan3A_413, %mul3A_573 : i32
        %add3A_575 = arith.constant 5 : i32
        %add3A_576 = arith.addi %mul3A_574, %add3A_575 : i32
        %sub3A_577 = arith.constant 8 : i32
        %sub3A_578 = arith.subi %add3A_576, %sub3A_577 : i32
        %mul3A_579 = arith.constant 16 : i32
        %mul3A_580 = arith.muli %sub3A_578, %mul3A_579 : i32
        %get3A_581 = arith.index_cast %mul3A_580 : i32 to index
        %get3A_582 = tpu.vector_load %arg16[%get3A_581] {strides = array<i32>} : memref<1920xf32, #tpu.memory_space<vmem>>, vector<16xf32>,
        %mul3A_583 = arith.constant 8 : i32
        %mul3A_584 = arith.muli %scan3A_413, %mul3A_583 : i32
        %add3A_585 = arith.constant 5 : i32
        %add3A_586 = arith.addi %mul3A_584, %add3A_585 : i32
        %sub3A_587 = arith.constant 8 : i32
        %sub3A_588 = arith.subi %add3A_586, %sub3A_587 : i32
        %broadcast_in_dim3A_589 = vector.broadcast %sub3A_588 : i32 to vector<16xi32>
        %gather3A_590 = tpu.vector_load_idx %arg11[%iota3A, %broadcast_in_dim3A_589] : memref<16x120xi32, #tpu.memory_space<vmem>>[vector<16xi32>, vector<16xi32>], vector<16xi32>,
        %gather3A_591 = tpu.vector_load_idx %arg12[%iota3A, %broadcast_in_dim3A_589, %gather3A_590] : memref<16x120x8xf32, #tpu.memory_space<vmem>>[vector<16xi32>, vector<16xi32>, vector<16xi32>], vector<16xf32>,
        %mul3A_592 = arith.mulf %get3A_582, %gather3A_591 : vector<16xf32>
        %add3A_593 = arith.addf %add3A_563, %mul3A_592 : vector<16xf32>
        %gather3A_594 = tpu.vector_load_idx %arg13[%iota3A, %broadcast_in_dim3A_589, %gather3A_590] : memref<16x120x8xf32, #tpu.memory_space<vmem>>[vector<16xi32>, vector<16xi32>, vector<16xi32>], vector<16xf32>,
        %mul3A_595 = arith.mulf %get3A_582, %gather3A_594 : vector<16xf32>
        %add3A_596 = arith.addf %add3A_566, %mul3A_595 : vector<16xf32>
        %gather3A_597 = tpu.vector_load_idx %arg14[%iota3A, %broadcast_in_dim3A_589, %gather3A_590] : memref<16x120x8xf32, #tpu.memory_space<vmem>>[vector<16xi32>, vector<16xi32>, vector<16xi32>], vector<16xf32>,
        %mul3A_598 = arith.mulf %get3A_582, %gather3A_597 : vector<16xf32>
        %add3A_599 = arith.addf %add3A_569, %mul3A_598 : vector<16xf32>
        %gather3A_600 = tpu.vector_load_idx %arg15[%iota3A, %broadcast_in_dim3A_589, %gather3A_590] : memref<16x120x8xf32, #tpu.memory_space<vmem>>[vector<16xi32>, vector<16xi32>, vector<16xi32>], vector<16xf32>,
        %mul3A_601 = arith.mulf %get3A_582, %gather3A_600 : vector<16xf32>
        %add3A_602 = arith.addf %add3A_572, %mul3A_601 : vector<16xf32>
        %mul3A_603 = arith.constant 8 : i32
        %mul3A_604 = arith.muli %scan3A_413, %mul3A_603 : i32
        %add3A_605 = arith.constant 6 : i32
        %add3A_606 = arith.addi %mul3A_604, %add3A_605 : i32
        %sub3A_607 = arith.constant 8 : i32
        %sub3A_608 = arith.subi %add3A_606, %sub3A_607 : i32
        %mul3A_609 = arith.constant 16 : i32
        %mul3A_610 = arith.muli %sub3A_608, %mul3A_609 : i32
        %get3A_611 = arith.index_cast %mul3A_610 : i32 to index
        %get3A_612 = tpu.vector_load %arg16[%get3A_611] {strides = array<i32>} : memref<1920xf32, #tpu.memory_space<vmem>>, vector<16xf32>,
        %mul3A_613 = arith.constant 8 : i32
        %mul3A_614 = arith.muli %scan3A_413, %mul3A_613 : i32
        %add3A_615 = arith.constant 6 : i32
        %add3A_616 = arith.addi %mul3A_614, %add3A_615 : i32
        %sub3A_617 = arith.constant 8 : i32
        %sub3A_618 = arith.subi %add3A_616, %sub3A_617 : i32
        %broadcast_in_dim3A_619 = vector.broadcast %sub3A_618 : i32 to vector<16xi32>
        %gather3A_620 = tpu.vector_load_idx %arg11[%iota3A, %broadcast_in_dim3A_619] : memref<16x120xi32, #tpu.memory_space<vmem>>[vector<16xi32>, vector<16xi32>], vector<16xi32>,
        %gather3A_621 = tpu.vector_load_idx %arg12[%iota3A, %broadcast_in_dim3A_619, %gather3A_620] : memref<16x120x8xf32, #tpu.memory_space<vmem>>[vector<16xi32>, vector<16xi32>, vector<16xi32>], vector<16xf32>,
        %mul3A_622 = arith.mulf %get3A_612, %gather3A_621 : vector<16xf32>
        %add3A_623 = arith.addf %add3A_593, %mul3A_622 : vector<16xf32>
        %gather3A_624 = tpu.vector_load_idx %arg13[%iota3A, %broadcast_in_dim3A_619, %gather3A_620] : memref<16x120x8xf32, #tpu.memory_space<vmem>>[vector<16xi32>, vector<16xi32>, vector<16xi32>], vector<16xf32>,
        %mul3A_625 = arith.mulf %get3A_612, %gather3A_624 : vector<16xf32>
        %add3A_626 = arith.addf %add3A_596, %mul3A_625 : vector<16xf32>
        %gather3A_627 = tpu.vector_load_idx %arg14[%iota3A, %broadcast_in_dim3A_619, %gather3A_620] : memref<16x120x8xf32, #tpu.memory_space<vmem>>[vector<16xi32>, vector<16xi32>, vector<16xi32>], vector<16xf32>,
        %mul3A_628 = arith.mulf %get3A_612, %gather3A_627 : vector<16xf32>
        %add3A_629 = arith.addf %add3A_599, %mul3A_628 : vector<16xf32>
        %gather3A_630 = tpu.vector_load_idx %arg15[%iota3A, %broadcast_in_dim3A_619, %gather3A_620] : memref<16x120x8xf32, #tpu.memory_space<vmem>>[vector<16xi32>, vector<16xi32>, vector<16xi32>], vector<16xf32>,
        %mul3A_631 = arith.mulf %get3A_612, %gather3A_630 : vector<16xf32>
        %add3A_632 = arith.addf %add3A_602, %mul3A_631 : vector<16xf32>
        %mul3A_633 = arith.constant 8 : i32
        %mul3A_634 = arith.muli %scan3A_413, %mul3A_633 : i32
        %add3A_635 = arith.constant 7 : i32
        %add3A_636 = arith.addi %mul3A_634, %add3A_635 : i32
        %sub3A_637 = arith.constant 8 : i32
        %sub3A_638 = arith.subi %add3A_636, %sub3A_637 : i32
        %mul3A_639 = arith.constant 16 : i32
        %mul3A_640 = arith.muli %sub3A_638, %mul3A_639 : i32
        %get3A_641 = arith.index_cast %mul3A_640 : i32 to index
        %get3A_642 = tpu.vector_load %arg16[%get3A_641] {strides = array<i32>} : memref<1920xf32, #tpu.memory_space<vmem>>, vector<16xf32>,
        %mul3A_643 = arith.constant 8 : i32
        %mul3A_644 = arith.muli %scan3A_413, %mul3A_643 : i32
        %add3A_645 = arith.constant 7 : i32
        %add3A_646 = arith.addi %mul3A_644, %add3A_645 : i32
        %sub3A_647 = arith.constant 8 : i32
        %sub3A_648 = arith.subi %add3A_646, %sub3A_647 : i32
        %broadcast_in_dim3A_649 = vector.broadcast %sub3A_648 : i32 to vector<16xi32>
        %gather3A_650 = tpu.vector_load_idx %arg11[%iota3A, %broadcast_in_dim3A_649] : memref<16x120xi32, #tpu.memory_space<vmem>>[vector<16xi32>, vector<16xi32>], vector<16xi32>,
        %gather3A_651 = tpu.vector_load_idx %arg12[%iota3A, %broadcast_in_dim3A_649, %gather3A_650] : memref<16x120x8xf32, #tpu.memory_space<vmem>>[vector<16xi32>, vector<16xi32>, vector<16xi32>], vector<16xf32>,
        %mul3A_652 = arith.mulf %get3A_642, %gather3A_651 : vector<16xf32>
        %add3A_653 = arith.addf %add3A_623, %mul3A_652 : vector<16xf32>
        %gather3A_654 = tpu.vector_load_idx %arg13[%iota3A, %broadcast_in_dim3A_649, %gather3A_650] : memref<16x120x8xf32, #tpu.memory_space<vmem>>[vector<16xi32>, vector<16xi32>, vector<16xi32>], vector<16xf32>,
        %mul3A_655 = arith.mulf %get3A_642, %gather3A_654 : vector<16xf32>
        %add3A_656 = arith.addf %add3A_626, %mul3A_655 : vector<16xf32>
        %gather3A_657 = tpu.vector_load_idx %arg14[%iota3A, %broadcast_in_dim3A_649, %gather3A_650] : memref<16x120x8xf32, #tpu.memory_space<vmem>>[vector<16xi32>, vector<16xi32>, vector<16xi32>], vector<16xf32>,
        %mul3A_658 = arith.mulf %get3A_642, %gather3A_657 : vector<16xf32>
        %add3A_659 = arith.addf %add3A_629, %mul3A_658 : vector<16xf32>
        %gather3A_660 = tpu.vector_load_idx %arg15[%iota3A, %broadcast_in_dim3A_649, %gather3A_650] : memref<16x120x8xf32, #tpu.memory_space<vmem>>[vector<16xi32>, vector<16xi32>, vector<16xi32>], vector<16xf32>,
        %mul3A_661 = arith.mulf %get3A_642, %gather3A_660 : vector<16xf32>
        %add3A_662 = arith.addf %add3A_632, %mul3A_661 : vector<16xf32>
        %mul3A_663 = arith.constant 4 : i32
        %mul3A_664 = arith.muli %scan3A_413, %mul3A_663 : i32
        %add3A_665 = arith.constant 0 : i32
        %add3A_666 = arith.addi %mul3A_664, %add3A_665 : i32
        %add3A_667 = vector.broadcast %add3A_666 : i32 to vector<16xi32>
        %add3A_668 = arith.addi %mul3A_72, %add3A_667 : vector<16xi32>
        tpu.vector_store_idx %arg17[%add3A_668], %add3A_653 : memref<1024xf32, #tpu.memory_space<vmem>>[vector<16xi32>], vector<16xf32>,
        %mul3A_669 = arith.constant 4 : i32
        %mul3A_670 = arith.muli %scan3A_413, %mul3A_669 : i32
        %add3A_671 = arith.constant 1 : i32
        %add3A_672 = arith.addi %mul3A_670, %add3A_671 : i32
        %add3A_673 = vector.broadcast %add3A_672 : i32 to vector<16xi32>
        %add3A_674 = arith.addi %mul3A_72, %add3A_673 : vector<16xi32>
        tpu.vector_store_idx %arg17[%add3A_674], %add3A_656 : memref<1024xf32, #tpu.memory_space<vmem>>[vector<16xi32>], vector<16xf32>,
        %mul3A_675 = arith.constant 4 : i32
        %mul3A_676 = arith.muli %scan3A_413, %mul3A_675 : i32
        %add3A_677 = arith.constant 2 : i32
        %add3A_678 = arith.addi %mul3A_676, %add3A_677 : i32
        %add3A_679 = vector.broadcast %add3A_678 : i32 to vector<16xi32>
        %add3A_680 = arith.addi %mul3A_72, %add3A_679 : vector<16xi32>
        tpu.vector_store_idx %arg17[%add3A_680], %add3A_659 : memref<1024xf32, #tpu.memory_space<vmem>>[vector<16xi32>], vector<16xf32>,
        %mul3A_681 = arith.constant 4 : i32
        %mul3A_682 = arith.muli %scan3A_413, %mul3A_681 : i32
        %add3A_683 = arith.constant 3 : i32
        %add3A_684 = arith.addi %mul3A_682, %add3A_683 : i32
        %add3A_685 = vector.broadcast %add3A_684 : i32 to vector<16xi32>
        %add3A_686 = arith.addi %mul3A_72, %add3A_685 : vector<16xi32>
        tpu.vector_store_idx %arg17[%add3A_686], %add3A_662 : memref<1024xf32, #tpu.memory_space<vmem>>[vector<16xi32>], vector<16xf32>,
        %scan3A_687 = arith.constant 0 : i32
        scf.yield %scan3A_687 : i32
      }
      %scan3A_409 = arith.constant 15 : i32
      %mul3A_410 = arith.constant 64 : i32
      %mul3A_411 = arith.muli %add3A_20, %mul3A_410 : i32
      "tpu.region"() ({
        %run_scoped3A = tpu.sem_alloc : memref<!tpu.dma_semaphore, #tpu.memory_space<semaphore_mem>>
        %dma_start3A = tpu.memref_slice %arg6[%mul3A_411] : memref<16777216xf32, #tpu.memory_space<hbm>> -> memref<1024xf32, #tpu.memory_space<hbm>>
        %dma_start3A_413 = tpu.memref_slice %arg6[%mul3A_411] : memref<16777216xf32, #tpu.memory_space<hbm>> -> memref<1024xf32, #tpu.memory_space<hbm>>
        tpu.enqueue_dma source(%arg17 : memref<1024xf32, #tpu.memory_space<vmem>>) target(%dma_start3A_413 : memref<1024xf32, #tpu.memory_space<hbm>>) target_semaphore(%run_scoped3A : memref<!tpu.dma_semaphore, #tpu.memory_space<semaphore_mem>>)
        %dma_wait3A = tpu.memref_slice %arg6[%mul3A_411] : memref<16777216xf32, #tpu.memory_space<hbm>> -> memref<1024xf32, #tpu.memory_space<hbm>>
        %dma_wait3A_414 = tpu.memref_slice %arg6[%mul3A_411] : memref<16777216xf32, #tpu.memory_space<hbm>> -> memref<1024xf32, #tpu.memory_space<hbm>>
        tpu.wait_dma2 semaphore(%run_scoped3A : memref<!tpu.dma_semaphore, #tpu.memory_space<semaphore_mem>>) src(%arg17 : memref<1024xf32, #tpu.memory_space<vmem>>) dst(%dma_wait3A_414 : memref<1024xf32, #tpu.memory_space<hbm>>)
        tpu.yield
      }) : () -> ()
      "tpu.region"() ({
        %run_scoped3A = tpu.sem_alloc : memref<!tpu.dma_semaphore, #tpu.memory_space<semaphore_mem>>
        %dma_start3A = tpu.memref_slice %arg7[%add3A_20] : memref<262144xf32, #tpu.memory_space<hbm>> -> memref<16xf32, #tpu.memory_space<hbm>>
        %dma_start3A_413 = tpu.memref_slice %arg7[%add3A_20] : memref<262144xf32, #tpu.memory_space<hbm>> -> memref<16xf32, #tpu.memory_space<hbm>>
        tpu.enqueue_dma source(%arg18 : memref<16xf32, #tpu.memory_space<vmem>>) target(%dma_start3A_413 : memref<16xf32, #tpu.memory_space<hbm>>) target_semaphore(%run_scoped3A : memref<!tpu.dma_semaphore, #tpu.memory_space<semaphore_mem>>)
        %dma_wait3A = tpu.memref_slice %arg7[%add3A_20] : memref<262144xf32, #tpu.memory_space<hbm>> -> memref<16xf32, #tpu.memory_space<hbm>>
        %dma_wait3A_414 = tpu.memref_slice %arg7[%add3A_20] : memref<262144xf32, #tpu.memory_space<hbm>> -> memref<16xf32, #tpu.memory_space<hbm>>
        tpu.wait_dma2 semaphore(%run_scoped3A : memref<!tpu.dma_semaphore, #tpu.memory_space<semaphore_mem>>) src(%arg18 : memref<16xf32, #tpu.memory_space<vmem>>) dst(%dma_wait3A_414 : memref<16xf32, #tpu.memory_space<hbm>>)
        tpu.yield
      }) : () -> ()
      %scan3A_412 = arith.constant 0 : i32
      scf.yield %scan3A_412 : i32
    }
    %scan3A_13 = arith.constant 512 : i32
    return
  }
}

module attributes {stable_mosaic.version = 14 : i64} {
  func.func @_mlp_body(%arg0: i32, %arg1: memref<1024x64xf32, #tpu.memory_space<vmem>>, %arg2: memref<64x128xf32, #tpu.memory_space<vmem>>, %arg3: memref<128x128xf32, #tpu.memory_space<vmem>>, %arg4: memref<1024x64xf32, #tpu.memory_space<vmem>>, %arg5: memref<1024x64xf32, #tpu.memory_space<vmem>>) attributes {dimension_semantics = [#tpu.dimension_semantics<arbitrary>], iteration_bounds = array<i64: 256>, scalar_prefetch = 0 : i64, scratch_operands = 0 : i64, tpu.core_type = #tpu.core_type<tc>, window_params = [{transform_indices = @transform_0, window_bounds = array<i64: 1024, 64>}, {pipeline_mode = #tpu.pipeline_mode<synchronous>, transform_indices = @transform_1, window_bounds = array<i64: 64, 128>}, {pipeline_mode = #tpu.pipeline_mode<synchronous>, transform_indices = @transform_2, window_bounds = array<i64: 128, 128>}, {transform_indices = @transform_3, window_bounds = array<i64: 1024, 64>}, {transform_indices = @transform_4, window_bounds = array<i64: 1024, 64>}]} {
    %get3A = arith.constant 0 : index
    %get3A_0 = arith.constant 0 : index
    %get3A_1 = vector.load %arg1[%get3A, %get3A_0] : memref<1024x64xf32, #tpu.memory_space<vmem>>, vector<1024x64xf32>
    %get3A_2 = arith.constant 0 : index
    %get3A_3 = arith.constant 0 : index
    %get3A_4 = vector.load %arg2[%get3A_2, %get3A_3] : memref<64x128xf32, #tpu.memory_space<vmem>>, vector<64x128xf32>
    %dot_general3A = arith.constant dense<0.000000e+00> : vector<1024x128xf32>
    %dot_general3A_5 = tpu.matmul %get3A_1, %get3A_4, %dot_general3A {dimension_numbers = #tpu.dot_dimension_numbers<[1], [0], [0], [1], [0, 0, 1, 1], [], []>, transpose_lhs_hint = false} : vector<1024x64xf32>, vector<64x128xf32>, vector<1024x128xf32> -> vector<1024x128xf32>
    %max3A = arith.constant 0.000000e+00 : f32
    %max3A_6 = vector.broadcast %max3A : f32 to vector<1024x128xf32>
    %max3A_7 = arith.maximumf %dot_general3A_5, %max3A_6 : vector<1024x128xf32>
    %get3A_8 = arith.constant 0 : index
    %get3A_9 = arith.constant 0 : index
    %get3A_10 = vector.load %arg3[%get3A_8, %get3A_9] : memref<128x128xf32, #tpu.memory_space<vmem>>, vector<128x128xf32>
    %dot_general3A_11 = arith.constant dense<0.000000e+00> : vector<1024x128xf32>
    %dot_general3A_12 = tpu.matmul %max3A_7, %get3A_10, %dot_general3A_11 {dimension_numbers = #tpu.dot_dimension_numbers<[1], [0], [0], [1], [0, 0, 1, 1], [], []>, transpose_lhs_hint = false} : vector<1024x128xf32>, vector<128x128xf32>, vector<1024x128xf32> -> vector<1024x128xf32>
    %max3A_13 = arith.constant 0.000000e+00 : f32
    %max3A_14 = vector.broadcast %max3A_13 : f32 to vector<1024x128xf32>
    %max3A_15 = arith.maximumf %dot_general3A_12, %max3A_14 : vector<1024x128xf32>
    %slice3A = vector.extract_strided_slice %max3A_15 {offsets = [0, 0], sizes = [1024, 64], strides = [1, 1]} : vector<1024x128xf32> to vector<1024x64xf32>
    %swap3A = arith.constant 0 : index
    %swap3A_16 = arith.constant 0 : index
    %swap3A_17 = vector.load %arg4[%swap3A, %swap3A_16] : memref<1024x64xf32, #tpu.memory_space<vmem>>, vector<1024x64xf32>
    tpu.vector_store %arg4[%swap3A, %swap3A_16], %slice3A {strides = array<i32>} : memref<1024x64xf32, #tpu.memory_space<vmem>>, vector<1024x64xf32>,
    %slice3A_18 = vector.extract_strided_slice %max3A_15 {offsets = [0, 64], sizes = [1024, 64], strides = [1, 1]} : vector<1024x128xf32> to vector<1024x64xf32>
    %swap3A_19 = arith.constant 0 : index
    %swap3A_20 = arith.constant 0 : index
    %swap3A_21 = vector.load %arg5[%swap3A_19, %swap3A_20] : memref<1024x64xf32, #tpu.memory_space<vmem>>, vector<1024x64xf32>
    tpu.vector_store %arg5[%swap3A_19, %swap3A_20], %slice3A_18 {strides = array<i32>} : memref<1024x64xf32, #tpu.memory_space<vmem>>, vector<1024x64xf32>,
    return
  }
  func.func @transform_0(%arg0: i32) -> (i32, i32) {
    %c0_i32 = arith.constant 0 : i32
    %c0_i32_0 = arith.constant 0 : i32
    return %arg0, %c0_i32 : i32, i32
  }
  func.func @transform_1(%arg0: i32) -> (i32, i32) {
    %c0_i32 = arith.constant 0 : i32
    %c0_i32_0 = arith.constant 0 : i32
    %c0_i32_1 = arith.constant 0 : i32
    return %c0_i32, %c0_i32_0 : i32, i32
  }
  func.func @transform_2(%arg0: i32) -> (i32, i32) {
    %c0_i32 = arith.constant 0 : i32
    %c0_i32_0 = arith.constant 0 : i32
    %c0_i32_1 = arith.constant 0 : i32
    return %c0_i32, %c0_i32_0 : i32, i32
  }
  func.func @transform_3(%arg0: i32) -> (i32, i32) {
    %c0_i32 = arith.constant 0 : i32
    %c0_i32_0 = arith.constant 0 : i32
    return %arg0, %c0_i32 : i32, i32
  }
  func.func @transform_4(%arg0: i32) -> (i32, i32) {
    %c0_i32 = arith.constant 0 : i32
    %c0_i32_0 = arith.constant 0 : i32
    return %arg0, %c0_i32 : i32, i32
  }
}

</mosaic_0001>

<sc_bundles>
// kernel: kernel.4.cloned.1.call-start
scs
__scs_entry_jumppad:
0x0: {  	(pc) =	sbr.rel $0x88, $3  }
0x1: {  	(tag) =	ssettag $0x0;
	lr =	simm.s32 $0x1  }
0x2: {  	[smem:$0x3F9A] =	sst lr;
	_ =	strace $0xD0000000  }
0x3: {  	_ = 	snop  }
0x4: {  	_ = 	snop  }
0x5: {  	_ = 	snop  }
0x6: {  	_ = 	snop  }
0x7: {  	_ = 	snop  }
__scs_overlays_trampoline_lowered:
0x8: {  	[smem:$0x3FA9] =	sst s0  }
0x9: {  	[smem:$0x3FAA] =	sst s1  }
0xa: {  	[smem:$0x3FAB] =	sst s2  }
0xb: {  	[smem:$0x3FAC] =	sst s3  }
0xc: {  	[smem:$0x3FAD] =	sst s4  }
0xd: {  	[smem:$0x3FAE] =	sst s5  }
0xe: {  	[smem:$0x3FAF] =	sst s6  }
0xf: {  	[smem:$0x3FB0] =	sst s7  }
0x10: {  	[smem:$0x3FB1] =	sst s8  }
0x11: {  	[smem:$0x3FB2] =	sst s9;
	s0 =	simm.s32 @!p0 $0x0  }
0x12: {  	s1 =	sld [smem:$0x3F98];
	s0 =	simm.s32 @p0 $0x1  }
0x13: {  	[smem:$0x3FB3] =	sst s0;
	s0 =	simm.s32 @!p1 $0x0  }
0x14: {  	s2 =	sld [smem:$0x3F97];
	s0 =	simm.s32 @p1 $0x1  }
0x15: {  	[smem:$0x3FB4] =	sst s0;
	s0 =	simm.s32 @!p2 $0x0  }
0x16: {  	s3 =	sld [smem:$0x3FDB];
	s0 =	simm.s32 @p2 $0x1  }
0x17: {  	s4 =	simm.s32 $0x1BF5;
	[smem:$0x3FB6] =	sst s0  }
0x18: {  	s0 =	sld [smem:$0x3F99];
	_ =	swait.ge [sflag:s4], $0x0  }
0x19: {  	s7 =	sld [smem:$0x3F9A]  }
0x1a: {  	s8 =	sadd.s32 $0xFFFFE003, lr  }
0x1b: {  	s9 =	sadd.s32 $0xFFFFFEF7, lr;
	s5 =	simm.s32 $0xFFFFFFFF;
	p2 =	slt.u32 s8, $0xFFFFF086  }
0x1c: {  	p1 =	slt.u32 s9, $0xF7A;
	s5 =	simm.s32 @!p2 $0x0  }
0x1d: {  	s5 =	simm.s32 @p1 $0x1;
	p0 =	seq.s32 s7, s2  }
0x1e: {  	s7 =	smul.u32 @!p0 $0xF7A, s2;
	p2 =	seq.s32 @!p0 s5, $0x0  }
0x1f: {  	s9 =	smul.u32 $0xF7A, s1;
	s8 =	simm.s32 @!p0 $0x1BF5;
	p2 =	por !p2, p0  }
0x20: {  	[sflag:s8] =	ssyncset.s32 @!p0 $0xFFFFF086;
	s6 =	sadd.s32 @!p0 s3, s7;
	s7 =	simm.s32 @!p0 $0x108  }
0x21: {  	s3 =	sadd.s32 s3, s9;
	s6 =	sadd.s32 @!p0 $0x88, s6;
	s7 =	simm.s32 @p2 $0x1082  }
0x22: {  	[simem:s7], [sflag:s8] =	dma.local @!p0 [hbm:s6], $0xF7A  }
0x23: {  	s9 =	sor.u32 $0xD0000000, s2;
	s6 =	simm.s32 $0x108;
	_ =	swait.ge @!p0 [sflag:s8], $0x0  }
0x24: {  	s3 =	sadd.s32 $0x88, s3;
	s6 =	simm.s32 @!p1 $0x1082;
	[sflag:s4] =	ssyncset.s32 $0xFFFFF086  }
0x25: {  	[simem:s6], [sflag:s4] =	dma.local [hbm:s3], $0xF7A  }
0x26: {  	[smem:$0x3F9A] =	sst s1;
	(tag) =	ssettag s2;
	_ =	strace s9  }
0x27: {  	s1 =	sld [smem:$0x3FAA]  }
0x28: {  	s2 =	sld [smem:$0x3FAB]  }
0x29: {  	s4 =	sld [smem:$0x3FAD]  }
0x2a: {  	p0 =	seq.s32 s5, $0x0;
	s5 =	sld [smem:$0x3FAE]  }
0x2b: {  	s6 =	sld [smem:$0x3FAF]  }
0x2c: {  	s7 =	sld [smem:$0x3FB0]  }
0x2d: {  	s3 =	simm.s32 $0x108;
	s8 =	sld [smem:$0x3FB1]  }
0x2e: {  	s3 =	simm.s32 @!p0 $0x1082;
	s9 =	sld [smem:$0x3FB2]  }
0x2f: {  	lr =	sadd.s32 s0, s3;
	s0 =	sld [smem:$0x3FA9]  }
0x30: {  	s3 =	sld [smem:$0x3FAC]  }
0x31: {  	[smem:$0x3FB5] =	sst s10  }
0x32: {  	s10 =	sld [smem:$0x3FB3];
	_ =	sdelay $0x3  }
0x33: {  	p0 =	seq.s32 s10, $0x1;
	s10 =	sld [smem:$0x3FB5];
	_ =	sdelay $0x3  }
0x34: {  	[smem:$0x3FB5] =	sst s10  }
0x35: {  	s10 =	sld [smem:$0x3FB4];
	_ =	sdelay $0x3  }
0x36: {  	p1 =	seq.s32 s10, $0x1;
	s10 =	sld [smem:$0x3FB5];
	_ =	sdelay $0x3  }
0x37: {  	[smem:$0x3FB5] =	sst s10  }
0x38: {  	s10 =	sld [smem:$0x3FB6]  }
0x39: {  	_ = 	snop;
	(pc) =	sbr.ind lr, $3  }
0x3a: {  	_ = 	snop  }
0x3b: {  	_ = 	snop  }
0x3c: {  	p2 =	seq.s32 s10, $0x1;
	s10 =	sld [smem:$0x3FB5]  }
0x3d: {  	_ =	shalt  }
0x3e: {  	_ =	shalt  }
0x3f: {  	_ =	shalt  }
0x40: {  	_ =	shalt  }
0x41: {  	_ =	shalt  }
0x42: {  	_ =	shalt  }
0x43: {  	_ =	shalt  }
0x44: {  	_ =	shalt  }
0x45: {  	_ =	shalt  }
0x46: {  	_ =	shalt  }
0x47: {  	_ =	shalt  }
0x48: {  	_ =	shalt  }
0x49: {  	_ =	shalt  }
0x4a: {  	_ =	shalt  }
0x4b: {  	_ =	shalt  }
0x4c: {  	_ =	shalt  }
0x4d: {  	_ =	shalt  }
0x4e: {  	_ =	shalt  }
0x4f: {  	_ =	shalt  }
0x50: {  	_ =	shalt  }
0x51: {  	_ =	shalt  }
0x52: {  	_ =	shalt  }
0x53: {  	_ =	shalt  }
0x54: {  	_ =	shalt  }
0x55: {  	_ =	shalt  }
0x56: {  	_ =	shalt  }
0x57: {  	_ =	shalt  }
0x58: {  	_ =	shalt  }
0x59: {  	_ =	shalt  }
0x5a: {  	_ =	shalt  }
0x5b: {  	_ =	shalt  }
0x5c: {  	_ =	shalt  }
0x5d: {  	_ =	shalt  }
0x5e: {  	_ =	shalt  }
0x5f: {  	_ =	shalt  }
0x60: {  	_ =	shalt  }
0x61: {  	_ =	shalt  }
0x62: {  	_ =	shalt  }
0x63: {  	_ =	shalt  }
0x64: {  	_ =	shalt  }
0x65: {  	_ =	shalt  }
0x66: {  	_ =	shalt  }
0x67: {  	_ =	shalt  }
0x68: {  	_ =	shalt  }
0x69: {  	_ =	shalt  }
0x6a: {  	_ =	shalt  }
0x6b: {  	_ =	shalt  }
0x6c: {  	_ =	shalt  }
0x6d: {  	_ =	shalt  }
0x6e: {  	_ =	shalt  }
0x6f: {  	_ =	shalt  }
0x70: {  	_ =	shalt  }
0x71: {  	_ =	shalt  }
0x72: {  	_ =	shalt  }
0x73: {  	_ =	shalt  }
0x74: {  	_ =	shalt  }
0x75: {  	_ =	shalt  }
0x76: {  	_ =	shalt  }
0x77: {  	_ =	shalt  }
0x78: {  	_ =	shalt  }
0x79: {  	_ =	shalt  }
0x7a: {  	_ =	shalt  }
0x7b: {  	_ =	shalt  }
0x7c: {  	_ =	shalt  }
0x7d: {  	_ =	shalt  }
0x7e: {  	_ =	shalt  }
0x7f: {  	_ =	shalt  }
0x80: {  	_ =	shalt  }
0x81: {  	_ =	shalt  }
0x82: {  	_ =	shalt  }
0x83: {  	_ =	shalt  }
0x84: {  	_ =	shalt  }
0x85: {  	_ =	shalt  }
0x86: {  	_ =	shalt  }
0x87: {  	_ =	shalt  }
.Lfunc_end0:
.L_simem_size_0:
called_computation_lowered:
.L_overlay_start_0:
0x88: {  	s2 =	sld [smem:$0x3FD9]  }
0x89: {  	s3 =	sld [smem:$0x3FFE];
	_ =	sdelay $0x1  }
0x8a: {  	s1 =	srdreg.scid  }
0x8b: {  	s0 =	sand.u32 $0x1, s1  }
0x8c: {  	s14 =	sshll.u32 s0, $0xA;
	s2 =	sadd.s32 s3, s2  }
0x8d: {  	s2 =	sadd.s32 s2, s14  }
0x8e: {  	[smem:$0x3FC1] =	sst s2  }
0x8f: {  	_ = 	snop  }
0x90: {  	s2 =	sld [smem:$0x3FD0];
	_ =	sdelay $0x1  }
0x91: {  	s15 =	sld [smem:$0x3FC8]  }
0x92: {  	s5 =	simm.s32 $0xA;
	s6 =	simm.s32 $0x10;
	s4 =	sld [smem:$0x3FC5]  }
0x93: {  	[smem:s6], [sflag:s5] =	dma.local [hbm:s2], $0x1  }
0x94: {  	_ =	swait.eq [sflag:s5], $0x1  }
0x95: {  	s16 =	sld [smem:$0x10];
	[sflag:s5] =	ssyncset.done $0x0  }
0x96: {  	s17 =	sld [smem:$0x11];
	[sflag:s5] =	ssyncadd.s32 $0xFFFFFFFF  }
0x97: {  	s18 =	sld [smem:$0x12];
	(tm) =	ssettm $0x1  }
0x98: {  	s7 =	sld [smem:$0x3FFB];
	_ =	sdelay $0x3  }
0x99: {  	_ =	strace s7  }
0x9a: {  	s7 =	sld [smem:$0x3FFC];
	_ =	sdelay $0x3  }
0x9b: {  	_ =	strace s7  }
0x9c: {  	s7 =	sld [smem:$0x3FFD];
	_ =	sdelay $0x3  }
0x9d: {  	_ =	strace s7  }
0x9e: {  	_ =	strace $0x8FFFFFFF  }
0x9f: {  	s19 =	sld [smem:$0x3FDB];
	_ =	sdelay $0x1  }
0xa0: {  	s8 =	simm.s32 $_scs_section_size  }
0xa1: {  	s9 =	simm.s32 $_size__tile_overlayer_lowered;
	s10 =	simm.s32 $_tile_overlayer_lowered  }
0xa2: {  	s22 =	simm.s32 $0x1BFF;
	s21 =	sshll.u32 s10, $0x1;
	s7 =	sadd.s32 s8, s19  }
0xa3: {  	s11 =	simm.s32 $0x0;
	s20 =	sshll.u32 s9, $0x1;
	s9 =	sadd.s32 s21, s7  }
0xa4: {  	[timem:s11], [sflag:s22] =	dma.local [hbm:s9], s20  }
0xa5: {  	_ =	swait.ge [sflag:s22], s20  }
0xa6: {  	s8 =	ssub.s32 $0x0, s20;
	[sflag:s22] =	ssyncset.done $0x0  }
0xa7: {  	[sflag:s22] =	ssyncadd.s32 s8;
	_ =	sdelay $0x1  }
0xa8: {  	s23 =	simm.s32 $0x1B8B  }
0xa9: {  	_ =	swait.ge [sflag:s23], $0x1  }
0xaa: {  	[sflag:s23] =	ssyncset.done $0x0  }
0xab: {  	s25 =	simm.s32 $0x1B8E;
	s24 =	sld [smem:$0x3FFE];
	[sflag:s23] =	ssyncadd.s32 $0xFFFFFFFF  }
0xac: {  	s26 =	simm.s32 $execute0_lowered;
	[smem:$0x3FD2] =	sst s25  }
0xad: {  	s9 =	sshll.u32 s26, $0x1;
	_ =	strace $0x80000046;
	[dreg:$0x1] =	wrdreg $0xFFFFFFFF  }
0xae: {  	s28 =	simm.s32 $_size_execute0_lowered;
	s7 =	sadd.s32 s7, s9;
	[dreg:$0x0] =	wrdreg $0x0  }
0xaf: {  	s9 =	sshll.u32 s28, $0x1;
	[dreg:$0x2] =	wrdreg s7  }
0xb0: {  	[dreg:$0x3] =	wrdreg s9  }
0xb1: {  	[dreg:$0x4] =	wrdreg $0xC0  }
0xb2: {  	_ =	task [dreg:s11], $0x5FFFF  }
0xb3: {  	[dreg:$0x1] =	wrdreg $0xFFFFFFFF  }
0xb4: {  	[dreg:$0x0] =	wrdreg $0x60  }
0xb5: {  	[dreg:$0x2] =	wrdreg s16  }
0xb6: {  	[dreg:$0x3] =	wrdreg s15  }
0xb7: {  	[dreg:$0x4] =	wrdreg s4  }
0xb8: {  	[dreg:$0x5] =	wrdreg s24  }
0xb9: {  	[dreg:$0x6] =	wrdreg s17  }
0xba: {  	[dreg:$0x7] =	wrdreg s18  }
0xbb: {  	[dreg:$0x8] =	wrdreg $0x9  }
0xbc: {  	_ =	task.clear_ibuf [dreg:s11], $0x9FFFF;
	_ =	strace $0x90000046  }
0xbd: {  	s29 =	simm.s32 $0x9;
	_ =	strace $0x80000048  }
0xbe: {  	_ =	swait.ge [sflag:s29], $0x1  }
0xbf: {  	[sflag:s29] =	ssyncadd.s32 $0xFFFFFFFF  }
0xc0: {  	_ =	strace $0x90000048  }
0xc1: {  	_ =	sfence  }
0xc2: {  	s30 =	sld [smem:$0x0];
	_ =	sdelay $0x2  }
0xc3: {  	s31 =	sshll.u32 s1, $0xD;
	s1 =	sshrl.u32 s1, $0x2  }
0xc4: {  	s3 =	sand.u32 $0x4000, s31;
	s1 =	sadd.s32 s1, s30  }
0xc5: {  	s0 =	sor.u32 s3, s0;
	s1 =	sshll.u32 s1, $0x11  }
0xc6: {  	s0 =	sor.u32 s1, s0  }
0xc7: {  	s0 =	sadd.s32 $0x8F2B, s0  }
0xc8: {  	[sflag:s0] =	ssyncadd.remote.s32 $0x1  }
0xc9: {  	_ =	sfence.sel $0xFFFF  }
0xca: {  	[dreg:$0x0] =	wrdreg $0xFFFFFFFF;
	(pc) =	sbr.abs _section_cstart, $3  }
0xcb: {  	[dreg:$0x1] =	wrdreg $0xFFFFFFFF  }
0xcc: {  	_ =	task.clear_ibuf [dreg:s11], $0x2FFFF;
	_ =	strace $0x9FFFFFFF  }
0xcd: {  	(tm) =	ssettm $0x7FFFFFFF  }
tec
execute0_lowered:
.L_overlay_start_1:
0x0: {  	(tag) =	ssettag $0x1  }
0x1: {  	s3 =	rddreg [dreg:$0x0]  }
0x2: {  	s0 =	rddreg [dreg:$0x3]  }
0x3: {  	s20 =	simm.s32 $0x0;
	s1 =	srdreg.scid;
	s4 =	stileid.u32;
	v0 =	vimm.s32 $0xECA86420;
	vm0 =	vcmask $0xB08;
	vm1 =	vcmask $0x1310  }
0x4: {  	vm2 =	vcmask $0x1B18;
	vm3 =	vcmask $0x300;
	vm4 =	vcmask $0x2320;
	[smem:$0x7FF] =	sst s20;
	s1 =	sand.u32 $0x1, s1;
	s0 =	sadd.s32 $0x1200, s0  }
0x5: {  	vm5 =	vcmask $0x2B28;
	vm6 =	vmmov $0xff;
	vm7 =	vcmask $0xF0C;
	s31 =	sshll.u32 s4, $0xE;
	s22 =	sadd.s32 $0x8000, s3;
	s23 =	sadd.s32 $0x10000, s3  }
0x6: {  	vm12 =	vcmask $0x3734;
	v4 =	vimm.s32 $0x0;
	v6 =	vimm.f32 $0.0e+00;
	_ =	strace $0x80000047;
	s2 =	ssub.s32 $0x2, s1;
	[dreg:$0x8] =	wrdreg s0  }
0x7: {  	vm15 =	vcmask $0x2724;
	v1 =	vunpack.c.l.s4.s8 v0;
	v0 =	vlaneseq.u32;
	s1 =	sshll.u32 s1, $0xD;
	[dreg:$0xa] =	wrdreg s22;
	s30 =	sshrl.u32 s2, $0x1  }
0x8: {  	vm11 =	vcmask $0x2F2C;
	vm8 =	vcmask $0x3B38;
	v3 =	vmul.u32 $0x40, v0;
	[dreg:$0xb] =	wrdreg s23;
	s17 =	sor.u32 s1, s31;
	s0 =	ssub.s32 s2, s30  }
0x9: {  	s24 =	simm.s32 $0x11240;
	v2 =	vmul.u32 $0x2, v0;
	v5 =	vor.u32 $0xFFFFFFF8, v0;
	v1 =	vunpack.c.0.s8.s32 v1;
	[dreg:$0x9] =	wrdreg s17;
	s0 =	smax.u32 s0, $0x1  }
0xa: {  	s28 =	simm.s32 $0x2;
	s1 =	simm.s32 $0x0;
	v7 =	vor.u32 $0x1, v3;
	v8 =	vor.u32 $0x2, v3;
	v9 =	vor.u32 $0x3, v3;
	[dreg:$0xc] =	wrdreg s0  }
.LBB2_1:
0xb: {  	[dreg:$0xd] =	wrdreg s1  }
0xc: {  	s0 =	rddreg [dreg:$0x8]  }
0xd: {  	[tilespmem:s24], [sflag:$0x2] =	stream.linear.gather [hbm4b:s0+s20], $0x10, $0x38;
	[tilespmem:$0x17EF0] =	vst v63  }
0xe: {  	_ =	swait.ge [sflag:s28], $0x10  }
0xf: {  	[sflag:s28] =	ssyncset.done $0x0  }
0x10: {  	s0 =	simm.s32 $0x0;
	[sflag:s28] =	ssyncadd.s32 $0xFFFFFFF0  }
.LBB2_2:
0x11: {  	s7 =	sshll.u32 s0, $0x7  }
0x12: {  	s29 =	simm.s32 $0x0;
	v15 =	vor.u32 s7, v0  }
0x13: {  	v10 =	vor.u32 s29, v15  }
0x14: {  	vm9 =	vlt.s32 v10, $0x16C7  }
0x15: {  	v10 =	vnsel vm9, $0x16C7, v10  }
0x16: {  	v11 =	vmulhi.u32 $0xCA4587E7, v10;
	_ =	sdelay $0x1  }
0x17: {  	v12 =	vshrl.u32 v11, $0x8  }
0x18: {  	v11 =	vmul.u32 $0xFFFFFEBC, v12;
	_ =	sdelay $0x1  }
0x19: {  	v11 =	vadd.s32 v10, v11  }
0x1a: {  	(v2sf) =	vpush v11, $0x4  }
0x1b: {  	(v2sf) =	vpush v11, $0x3  }
0x1c: {  	(v2sf) =	vpush v11, $0xA;
	_ =	sdelay $0x2  }
0x1d: {  	(v2sf) =	vpush v11, $0x2;
	_ =	sdelay $0x1  }
0x1e: {  	(v2sf) =	vpush v11, $0x1;
	_ =	sdelay $0x2  }
0x1f: {  	(v2sf) =	vpush v11, $0x0  }
0x20: {  	(v2sf) =	vpush v11, $0x7;
	_ =	sdelay $0x1  }
0x21: {  	(v2sf) =	vpush v11, $0xC;
	_ =	sdelay $0x1  }
0x22: {  	(v2sf) =	vpush v11, $0xD;
	s2 =	spop (v2sf)  }
0x23: {  	s6 =	smulhi.u32 $0x38E38E39, s2;
	s3 =	spop (v2sf)  }
0x24: {  	s10 =	smulhi.u32 $0x38E38E39, s3;
	s4 =	spop (v2sf)  }
0x25: {  	(v2sf) =	vpush v11, $0x8;
	s3 =	sshra.s32 s3, $0x1F;
	s9 =	smulhi.u32 $0x38E38E39, s4  }
0x26: {  	s4 =	sshra.s32 s4, $0x1F;
	s22 =	smul.u32 $0x38E38E39, s3  }
0x27: {  	s11 =	spop (v2sf);
	s12 =	smul.u32 $0x38E38E39, s4  }
0x28: {  	s26 =	sshra.s32 s11, $0x1F;
	s11 =	smulhi.u32 $0x38E38E39, s11  }
0x29: {  	s13 =	spop (v2sf);
	s14 =	smul.u32 $0x38E38E39, s26  }
0x2a: {  	s2 =	sshra.s32 s2, $0x1F;
	s16 =	smulhi.u32 $0x38E38E39, s13  }
0x2b: {  	[dreg:$0xe] =	wrdreg s0;
	s13 =	sshra.s32 s13, $0x1F;
	s26 =	smul.u32 $0x38E38E39, s2  }
0x2c: {  	(v2sf) =	vpush v11, $0xF;
	s4 =	simm.s32 $0x10;
	s15 =	spop (v2sf);
	s13 =	smul.u32 $0x38E38E39, s13  }
0x2d: {  	(v2sf) =	vpush v11, $0x9;
	s17 =	spop (v2sf);
	s19 =	sshra.s32 s15, $0x1F;
	s15 =	smulhi.u32 $0x38E38E39, s15  }
0x2e: {  	s3 =	sadd.s32 s22, s10;
	s5 =	sadd.s32 s12, s9;
	s18 =	smulhi.u32 $0x38E38E39, s17  }
0x2f: {  	(v2sf) =	vpush v11, $0xE;
	s17 =	sshra.s32 s17, $0x1F;
	s20 =	spop (v2sf);
	s19 =	smul.u32 $0x38E38E39, s19  }
0x30: {  	s28 =	sadd.s32 s14, s11;
	s6 =	sadd.s32 s26, s6;
	s17 =	smul.u32 $0x38E38E39, s17  }
0x31: {  	(v2sf) =	vpush v11, $0x5;
	s21 =	sshra.s32 s20, $0x1F;
	s25 =	spop (v2sf);
	s23 =	sshra.s32 s28, $0x2  }
0x32: {  	s24 =	sshrl.u32 s28, $0x1F;
	s8 =	sshra.s32 s28, $0x1F;
	s31 =	smulhi.u32 $0x38E38E39, s25  }
0x33: {  	s16 =	sadd.s32 s13, s16;
	s30 =	sshra.s32 s25, $0x1F;
	s2 =	smul.u32 $0x38E38E39, s21  }
0x34: {  	s1 =	spop (v2sf);
	s12 =	sadd.s32 s17, s18;
	s17 =	smulhi.u32 $0x38E38E39, s20  }
0x35: {  	v10 =	vor.u32 s4, v15;
	s15 =	sadd.s32 s19, s15;
	s4 =	sshra.s32 s16, $0x2;
	s0 =	smul.u32 $0x38E38E39, s30  }
0x36: {  	(v2sf) =	vpush v11, $0x6;
	s30 =	sshra.s32 s1, $0x1F;
	s25 =	smulhi.u32 $0x38E38E39, s1;
	s1 =	sshra.s32 s15, $0x2  }
0x37: {  	s30 =	smul.u32 $0x38E38E39, s30;
	s18 =	sadd.s32 s0, s31;
	s10 =	sadd.s32 s2, s17  }
0x38: {  	(v2sf) =	vpush v11, $0xB;
	s31 =	simm.s32 $0x10;
	s0 =	sshrl.u32 s15, $0x1F;
	s15 =	sshra.s32 s15, $0x1F  }
0x39: {  	vm9 =	vlt.s32 v10, $0x16C7;
	s2 =	sshra.s32 s12, $0x1F;
	s9 =	sshra.s32 s18, $0x2;
	[dreg:$0x7] =	wrdreg s31  }
0x3a: {  	v14 =	vnsel vm9, $0x16C7, v10;
	s18 =	sshrl.u32 s18, $0x1F;
	v13 =	vmov s2;
	s2 =	sshra.s32 s16, $0x1F;
	v17 =	vmov s0;
	s0 =	sshra.s32 s10, $0x2  }
0x3b: {  	vm9 =	vcmask $0x704;
	s16 =	sshrl.u32 s16, $0x1F;
	v13 =	vsel vm3, s1, v13;
	v19 =	vmov s0;
	s0 =	sshra.s32 s3, $0x1F;
	s28 =	spop (v2sf)  }
0x3c: {  	v13 =	vsel vm9, s15, v13;
	v19 =	vsel vm0, s9, v19;
	s9 =	sshrl.u32 s5, $0x1F;
	s21 =	spop (v2sf);
	s20 =	smulhi.u32 $0x38E38E39, s28  }
0x3d: {  	v16 =	vmulhi.u32 $0xCA4587E7, v14;
	s17 =	sshra.s32 s28, $0x1F;
	v18 =	vsel vm0, s4, v13;
	s4 =	sshrl.u32 s10, $0x1F;
	s10 =	simm.s32 $0x20  }
0x3e: {  	s28 =	sshra.s32 s3, $0x2;
	s11 =	spop (v2sf);
	s17 =	smul.u32 $0x38E38E39, s17  }
0x3f: {  	v10 =	vmov s7;
	v13 =	vshrl.u32 v16, $0x8;
	v16 =	vnsel vm3, $0x0, v17;
	s3 =	sshrl.u32 s3, $0x1F;
	s13 =	sshra.s32 s11, $0x1F;
	s22 =	smulhi.u32 $0x38E38E39, s11  }
0x40: {  	v16 =	vsel vm0, s16, v16;
	v17 =	vsel vm7, s2, v18;
	v18 =	vmul.u32 $0xFFFFFEBC, v13;
	s16 =	sshra.s32 s6, $0x1F;
	s14 =	spop (v2sf);
	s7 =	smul.u32 $0x38E38E39, s13  }
0x41: {  	vm13 =	vcmask $0x1714;
	vm14 =	vcmask $0x1F1C;
	v16 =	vsel vm1, s24, v16;
	s13 =	sshra.s32 s6, $0x2;
	s17 =	sadd.s32 s17, s20;
	s26 =	smulhi.u32 $0x38E38E39, s14  }
0x42: {  	v17 =	vsel vm1, s23, v17;
	v14 =	vadd.s32 v14, v18;
	v16 =	vsel vm2, s3, v16;
	s6 =	sshrl.u32 s6, $0x1F;
	s19 =	sshra.s32 s14, $0x1F;
	s14 =	smulhi.u32 $0x38E38E39, s21  }
0x43: {  	v17 =	vsel vm13, s8, v17;
	s21 =	sshra.s32 s21, $0x1F;
	(v2sf) =	vpush v14, $0x4;
	v16 =	vsel vm4, s6, v16;
	s6 =	sshra.s32 s5, $0x2;
	s19 =	smul.u32 $0x38E38E39, s19  }
0x44: {  	v18 =	vmov s4;
	v17 =	vsel vm2, s28, v17;
	s2 =	sadd.s32 s7, s22;
	s4 =	smul.u32 $0x38E38E39, s21;
	(v2sf) =	vpush v14, $0x3;
	s7 =	sadd.s32 s30, s25  }
0x45: {  	v17 =	vsel vm14, s0, v17;
	s25 =	sshrl.u32 s17, $0x1F;
	s31 =	spop (v2sf);
	(v2sf) =	vpush v14, $0xA;
	s22 =	sshrl.u32 s7, $0x1F  }
0x46: {  	vm7 =	vcmask $0x3330;
	v17 =	vsel vm4, s13, v17;
	s23 =	sshra.s32 s2, $0x2;
	s11 =	sshra.s32 s7, $0x2;
	s2 =	sshrl.u32 s2, $0x1F  }
0x47: {  	v18 =	vsel vm0, s18, v18;
	s15 =	smulhi.u32 $0x38E38E39, s31;
	s1 =	sshra.s32 s31, $0x1F;
	s24 =	spop (v2sf);
	v21 =	vsel vm15, s16, v17;
	(v2sf) =	vpush v14, $0x2  }
0x48: {  	s31 =	sadd.s32 s19, s26;
	s21 =	sadd.s32 s4, s14;
	v20 =	vmov s22;
	v17 =	vsel vm1, s23, v19;
	s8 =	smulhi.u32 $0x38E38E39, s24;
	(v2sf) =	vpush v14, $0x1  }
0x49: {  	v22 =	vmov s11;
	v18 =	vsel vm1, s2, v18;
	s20 =	sshra.s32 s24, $0x1F;
	s1 =	smul.u32 $0x38E38E39, s1;
	s24 =	sshrl.u32 s31, $0x1F;
	(v2sf) =	vpush v14, $0x0  }
0x4a: {  	s26 =	sshra.s32 s31, $0x2;
	s28 =	sshrl.u32 s21, $0x1F;
	s3 =	smul.u32 $0x38E38E39, s20;
	v19 =	vsel vm5, s24, v16;
	v16 =	vsel vm2, s25, v18;
	(v2sf) =	vpush v14, $0x7  }
0x4b: {  	s30 =	sshra.s32 s21, $0x2;
	s31 =	sshra.s32 s31, $0x1F;
	v20 =	vsel vm0, s28, v20;
	v18 =	vsel vm5, s26, v21;
	s1 =	sadd.s32 s1, s15;
	(v2sf) =	vpush v14, $0xC  }
0x4c: {  	s14 =	sshra.s32 s17, $0x2;
	v21 =	vsel vm0, s30, v22;
	v18 =	vsel vm11, s31, v18;
	s11 =	sadd.s32 s3, s8;
	s13 =	sshrl.u32 s1, $0x1F;
	(v2sf) =	vpush v14, $0xD  }
.LBB2_3:
0x4d: {  	_ =	sdelay $0x4  }
0x4e: {  	s2 =	sshrl.u32 s11, $0x1F;
	s3 =	sshra.s32 s11, $0x2;
	s15 =	spop (v2sf)  }
0x4f: {  	s18 =	sshra.s32 s1, $0x1F;
	s25 =	smulhi.u32 $0x38E38E39, s15;
	s21 =	spop (v2sf)  }
0x50: {  	v19 =	vsel vm7, s13, v19;
	s11 =	smov.u32 s10;
	(v2sf) =	vpush v14, $0x8;
	v20 =	vsel vm1, s9, v20;
	s23 =	smulhi.u32 $0x38E38E39, s21;
	s24 =	spop (v2sf)  }
0x51: {  	v21 =	vsel vm1, s6, v21;
	v17 =	vsel vm2, s14, v17;
	s22 =	sshra.s32 s1, $0x2;
	v20 =	vsel vm2, s2, v20;
	s26 =	smulhi.u32 $0x38E38E39, s24;
	s28 =	sshra.s32 s24, $0x1F  }
0x52: {  	s19 =	sshrl.u32 s12, $0x1F;
	v21 =	vsel vm2, s3, v21;
	v18 =	vsel vm7, s22, v18;
	v16 =	vcombine.low v20, v16;
	s30 =	spop (v2sf);
	s31 =	smul.u32 $0x38E38E39, s28  }
0x53: {  	s20 =	sshra.s32 s12, $0x2;
	v19 =	vsel vm8, s19, v19;
	v17 =	vcombine.low v21, v17;
	v18 =	vsel vm12, s18, v18;
	s0 =	sshra.s32 s30, $0x1F;
	s14 =	smulhi.u32 $0x38E38E39, s30  }
0x54: {  	p0 =	sne.s32 s10, $0x70;
	v19 =	vperm.xlane v19, v2;
	v18 =	vsel vm8, s20, v18;
	v16 =	vperm.xlane v16, v1;
	s16 =	spop (v2sf);
	s9 =	smul.u32 $0x38E38E39, s0  }
0x55: {  	v17 =	vperm.xlane v17, v1;
	v18 =	vperm.xlane v18, v2;
	(v2sf) =	vpush v14, $0xF;
	s15 =	sshra.s32 s15, $0x1F;
	s17 =	sshra.s32 s16, $0x1F;
	s16 =	smulhi.u32 $0x38E38E39, s16  }
0x56: {  	s18 =	sadd.s32 $0x10, s10;
	s19 =	spop (v2sf);
	s0 =	smul.u32 $0x38E38E39, s15  }
0x57: {  	v16 =	vsel vm6, v19, v16;
	v17 =	vsel vm6, v18, v17;
	(v2sf) =	vpush v14, $0x9;
	s12 =	sshra.s32 s21, $0x1F;
	s4 =	spop (v2sf);
	s17 =	smul.u32 $0x38E38E39, s17  }
0x58: {  	v16 =	vadd.s32 v16, v17;
	(v2sf) =	vpush v14, $0xE;
	s13 =	sshra.s32 s19, $0x1F;
	s3 =	sadd.s32 s31, s26;
	s31 =	smul.u32 $0x38E38E39, s12  }
0x59: {  	v17 =	vmul.u32 $0xFFFFFFEE, v16;
	s20 =	smulhi.u32 $0x38E38E39, s4;
	s6 =	sshra.s32 s4, $0x1F;
	s21 =	spop (v2sf)  }
0x5a: {  	v18 =	vsub.s32 $0x0, v11;
	s5 =	sadd.s32 s9, s14;
	s9 =	sshrl.u32 s3, $0x1F;
	s4 =	smulhi.u32 $0x38E38E39, s19  }
0x5b: {  	vm9 =	vlt.s32 v11, $0x1;
	vm10 =	vne.s32 v17, v18;
	s2 =	sadd.s32 s0, s25;
	s30 =	sshra.s32 s21, $0x1F;
	s7 =	smul.u32 $0x38E38E39, s6  }
0x5c: {  	vm9 =	vmand vm9, vm10;
	s8 =	spop (v2sf);
	s6 =	sshra.s32 s3, $0x2;
	s26 =	sshra.s32 s5, $0x2  }
0x5d: {  	(v2sf) =	vpush v14, $0x5;
	v17 =	vsel vm9, $0xFFFFFFFF, v4;
	s28 =	smulhi.u32 $0x38E38E39, s21;
	s15 =	sshrl.u32 s5, $0x1F;
	s1 =	sshra.s32 s5, $0x1F  }
0x5e: {  	v16 =	vadd.s32 v17, v16;
	s22 =	sadd.s32 s17, s16;
	s14 =	sadd.s32 s31, s23;
	s21 =	smulhi.u32 $0x38E38E39, s8  }
0x5f: {  	v18 =	vmul.u32 $0x25795, v12;
	v17 =	vmul.u32 $0xFFFEE, v16;
	v16 =	vmul.u32 $0x779B1, v16;
	s24 =	sshra.s32 s8, $0x1F;
	s3 =	sshra.s32 s22, $0x2;
	s30 =	smul.u32 $0x38E38E39, s30  }
0x60: {  	v19 =	vor.u32 s11, v15;
	v12 =	vmov v13;
	v13 =	vor.u32 s29, v0;
	s19 =	sshra.s32 s22, $0x1F;
	s23 =	smul.u32 $0x38E38E39, s24;
	s24 =	spop (v2sf)  }
0x61: {  	(v2sf) =	vpush v14, $0x6;
	s22 =	sshrl.u32 s22, $0x1F;
	s12 =	sadd.s32 s7, s20;
	v17 =	vadd.s32 v11, v17;
	v16 =	vxor.u32 v18, v16;
	s25 =	smulhi.u32 $0x38E38E39, s24  }
0x62: {  	vm9 =	vlt.s32 v19, $0x16C7;
	(v2sf) =	vpush v14, $0xB;
	v11 =	vmovc v14;
	s29 =	sshra.s32 s12, $0x1F;
	v14 =	vxor.u32 v17, v16;
	s5 =	sadd.s32 s23, s21;
	s23 =	smul.u32 $0x38E38E39, s13  }
0x63: {  	v16 =	vand.u32 v5, v13;
	v17 =	vnsel vm9, $0x16C7, v19;
	s30 =	sadd.s32 s30, s28;
	s21 =	sshra.s32 s24, $0x1F;
	v20 =	vmov s29;
	s29 =	sshra.s32 s5, $0x2  }
0x64: {  	v19 =	vmulhi.u32 $0xCA4587E7, v17;
	s28 =	sshrl.u32 s5, $0x1F;
	s0 =	sadd.s32 s23, s4;
	s7 =	spop (v2sf)  }
0x65: {  	vm9 =	vcmask $0x704;
	v13 =	vshrl.u32 v14, $0x3;
	v18 =	vshrl.u32 v14, $0x2;
	s31 =	sshra.s32 s0, $0x2;
	s4 =	sshrl.u32 s0, $0x1F;
	s0 =	sshra.s32 s0, $0x1F  }
0x66: {  	v18 =	vand.u32 $0x3FFE0, v18;
	v21 =	vand.u32 $0xF, v13;
	v13 =	vshrl.u32 v19, $0x8;
	s17 =	spop (v2sf);
	s16 =	smulhi.u32 $0x38E38E39, s7;
	s7 =	sshra.s32 s7, $0x1F  }
0x67: {  	v18 =	vor.u32 v21, v18;
	v19 =	vsel vm3, s31, v20;
	v21 =	vmov s4;
	s4 =	sshra.s32 s30, $0x2;
	s31 =	simm.s32 $0x16D70;
	s8 =	spop (v2sf)  }
0x68: {  	v20 =	vmul.u32 $0xFFFFFEBC, v13;
	s13 =	smulhi.u32 $0x38E38E39, s17;
	[tilespmem:v16+s31+$0x0] =	vst.idx.msk $0xffff, v18;
	v18 =	vor.u32 $0x10, v18;
	v19 =	vsel vm9, s0, v19;
	s0 =	sshra.s32 s2, $0x2;
	s31 =	simm.s32 $0x16DF0  }
0x69: {  	s17 =	sshra.s32 s17, $0x1F;
	s7 =	smul.u32 $0x38E38E39, s7;
	s20 =	sshra.s32 s8, $0x1F;
	[tilespmem:v16+s31+$0x0] =	vst.idx.msk $0xffff, v18;
	v18 =	vand.u32 $0x7, v14  }
0x6a: {  	v14 =	vadd.s32 v17, v20;
	s8 =	smulhi.u32 $0x38E38E39, s8;
	v17 =	vnsel vm3, $0x0, v21;
	v19 =	vsel vm0, s3, v19;
	s31 =	sshra.s32 s2, $0x1F;
	s3 =	simm.s32 $0x16E70  }
0x6b: {  	vm10 =	vcmask $0xF0C;
	s2 =	sshrl.u32 s2, $0x1F;
	s17 =	smul.u32 $0x38E38E39, s17;
	[tilespmem:v16+s3+$0x0] =	vst.idx.msk $0xffff, v18;
	v16 =	vsel vm0, s22, v17;
	v17 =	vmov s4;
	s4 =	sshrl.u32 s30, $0x1F  }
0x6c: {  	vm13 =	vmmov vm2;
	v18 =	vsel vm10, s19, v19;
	s20 =	smul.u32 $0x38E38E39, s20;
	s7 =	sadd.s32 s7, s16;
	s23 =	spop (v2sf)  }
0x6d: {  	vm2 =	vmmov vm1;
	v16 =	vsel vm1, s15, v16;
	s15 =	sshrl.u32 s14, $0x1F;
	v18 =	vsel vm1, s26, v18;
	s26 =	sshra.s32 s14, $0x2;
	s14 =	sshra.s32 s14, $0x1F  }
0x6e: {  	v17 =	vsel vm0, s29, v17;
	vm1 =	vmmov vm0;
	vm0 =	vcmask $0x1714;
	s24 =	sshra.s32 s23, $0x1F;
	s23 =	smulhi.u32 $0x38E38E39, s23;
	s8 =	sadd.s32 s20, s8  }
0x6f: {  	v19 =	vmov s4;
	v18 =	vsel vm0, s1, v18;
	vm0 =	vmmov vm1;
	s1 =	sadd.s32 s17, s13;
	s19 =	smul.u32 $0x38E38E39, s24;
	s24 =	sshrl.u32 s8, $0x1F  }
0x70: {  	v18 =	vsel vm13, s26, v18;
	v19 =	vsel vm0, s28, v19;
	s26 =	sshrl.u32 s7, $0x1F;
	s28 =	sshrl.u32 s1, $0x1F;
	s5 =	spop (v2sf);
	(v2sf) =	vpush v14, $0x4  }
0x71: {  	v18 =	vsel vm14, s14, v18;
	s14 =	sshra.s32 s7, $0x2;
	s22 =	smulhi.u32 $0x38E38E39, s5;
	(v2sf) =	vpush v14, $0x3;
	s30 =	spop (v2sf)  }
0x72: {  	vm1 =	vmmov vm2;
	s5 =	sshra.s32 s5, $0x1F;
	s16 =	sadd.s32 s19, s23;
	(v2sf) =	vpush v14, $0xA;
	s3 =	smulhi.u32 $0x38E38E39, s30  }
0x73: {  	vm2 =	vmmov vm13;
	v16 =	vsel vm13, s15, v16;
	s10 =	sshra.s32 s30, $0x1F;
	s30 =	rddreg [dreg:$0x7];
	s5 =	smul.u32 $0x38E38E39, s5;
	(v2sf) =	vpush v14, $0x2  }
0x74: {  	v16 =	vsel vm4, s2, v16;
	v18 =	vsel vm4, s0, v18;
	s19 =	smov.u32 s11;
	s29 =	smov.u32 s30;
	s30 =	smul.u32 $0x38E38E39, s21;
	(v2sf) =	vpush v14, $0x1  }
.Ltmp0:
0x75: {  	v22 =	vsel vm1, s24, v19;
	v18 =	vsel vm15, s31, v18;
	s23 =	sshrl.u32 s16, $0x1F;
	s31 =	sshra.s32 s16, $0x1F;
	(v2sf) =	vpush v14, $0x0;
	(pc) =	sbr.rel @p0 .LBB2_3-.Ltmp0, $4  }
0x76: {  	s21 =	sshra.s32 s8, $0x2;
	v19 =	vsel vm5, s23, v16;
	v16 =	vsel vm13, s26, v22;
	s4 =	sadd.s32 s30, s25;
	s25 =	sshra.s32 s16, $0x2;
	(v2sf) =	vpush v14, $0x7  }
0x77: {  	s10 =	smul.u32 $0x38E38E39, s10;
	v17 =	vsel vm1, s21, v17;
	s20 =	sshrl.u32 s4, $0x1F;
	s4 =	sshra.s32 s4, $0x2;
	v18 =	vsel vm5, s25, v18;
	(v2sf) =	vpush v14, $0xC  }
0x78: {  	[dreg:$0x7] =	wrdreg s19;
	s30 =	sshra.s32 s1, $0x2;
	s1 =	sadd.s32 s5, s22;
	v20 =	vmov s20;
	v21 =	vmov s4;
	v18 =	vsel vm11, s31, v18  }
0x79: {  	s11 =	sadd.s32 s10, s3;
	s10 =	smov.u32 s18;
	s13 =	sshrl.u32 s1, $0x1F;
	(v2sf) =	vpush v14, $0xD;
	v20 =	vsel vm0, s28, v20;
	v21 =	vsel vm0, s30, v21  }
0x7a: {  	_ =	sdelay $0x4  }
0x7b: {  	s0 =	spop (v2sf)  }
0x7c: {  	s2 =	spop (v2sf);
	s5 =	smulhi.u32 $0x38E38E39, s0  }
0x7d: {  	s0 =	sshra.s32 s0, $0x1F;
	s7 =	smulhi.u32 $0x38E38E39, s2  }
0x7e: {  	s4 =	spop (v2sf);
	s2 =	sshra.s32 s2, $0x1F;
	s0 =	smul.u32 $0x38E38E39, s0  }
0x7f: {  	s3 =	spop (v2sf);
	s2 =	smul.u32 $0x38E38E39, s2  }
0x80: {  	(v2sf) =	vpush v14, $0x8;
	s8 =	sshra.s32 s3, $0x1F;
	s18 =	smulhi.u32 $0x38E38E39, s3  }
0x81: {  	(v2sf) =	vpush v14, $0xF;
	s10 =	spop (v2sf);
	s8 =	smul.u32 $0x38E38E39, s8  }
0x82: {  	s16 =	smulhi.u32 $0x38E38E39, s10;
	s25 =	sshra.s32 s10, $0x1F  }
0x83: {  	(v2sf) =	vpush v14, $0x9;
	s15 =	spop (v2sf);
	s19 =	smul.u32 $0x38E38E39, s25  }
0x84: {  	s28 =	sshrl.u32 s11, $0x1F;
	(v2sf) =	vpush v14, $0xE;
	s17 =	spop (v2sf);
	s24 =	smulhi.u32 $0x38E38E39, s15  }
0x85: {  	[dreg:$0x10] =	wrdreg s28;
	(v2sf) =	vpush v14, $0x5;
	s21 =	sshra.s32 s15, $0x1F;
	s26 =	smulhi.u32 $0x38E38E39, s17  }
0x86: {  	s15 =	sadd.s32 s2, s7;
	s17 =	sshra.s32 s17, $0x1F;
	s21 =	smul.u32 $0x38E38E39, s21  }
0x87: {  	s20 =	spop (v2sf);
	s8 =	sadd.s32 s8, s18;
	s17 =	smul.u32 $0x38E38E39, s17  }
0x88: {  	s23 =	smulhi.u32 $0x38E38E39, s20;
	s20 =	sshra.s32 s20, $0x1F;
	s18 =	sadd.s32 s19, s16  }
0x89: {  	s16 =	sadd.s32 s0, s5;
	s22 =	spop (v2sf);
	s5 =	sadd.s32 s21, s24  }
0x8a: {  	s24 =	sshra.s32 s11, $0x2;
	s31 =	sshra.s32 s22, $0x1F;
	s22 =	smulhi.u32 $0x38E38E39, s22  }
0x8b: {  	s21 =	sshrl.u32 s8, $0x1F;
	s10 =	sadd.s32 s17, s26;
	s26 =	smul.u32 $0x38E38E39, s20  }
0x8c: {  	v19 =	vsel vm7, s13, v19;
	v20 =	vsel vm1, s9, v20;
	(v2sf) =	vpush v14, $0x6;
	s9 =	sshra.s32 s18, $0x2;
	s13 =	sshra.s32 s18, $0x1F;
	s3 =	smul.u32 $0x38E38E39, s31  }
0x8d: {  	v21 =	vsel vm1, s6, v21;
	s30 =	sshra.s32 s10, $0x1F;
	s7 =	sadd.s32 s26, s23;
	s26 =	smulhi.u32 $0x38E38E39, s4  }
0x8e: {  	v21 =	vsel vm2, s24, v21;
	s24 =	sshra.s32 s16, $0x1F;
	s23 =	sshra.s32 s1, $0x1F;
	v15 =	vmov s30;
	s30 =	sshrl.u32 s5, $0x1F  }
0x8f: {  	s17 =	sadd.s32 s3, s22;
	[dreg:$0xf] =	wrdreg s26;
	s19 =	spop (v2sf)  }
0x90: {  	s25 =	spop (v2sf);
	s26 =	sshra.s32 s19, $0x1F;
	s19 =	smulhi.u32 $0x38E38E39, s19  }
0x91: {  	s22 =	sshrl.u32 s12, $0x1F;
	s28 =	smulhi.u32 $0x38E38E39, s25;
	s2 =	sshra.s32 s25, $0x1F  }
0x92: {  	v19 =	vsel vm8, s22, v19;
	s22 =	sshrl.u32 s7, $0x1F;
	s20 =	spop (v2sf);
	s2 =	smul.u32 $0x38E38E39, s2  }
0x93: {  	(v2sf) =	vpush v14, $0xB;
	s25 =	sshra.s32 s12, $0x2;
	s31 =	spop (v2sf);
	s6 =	smulhi.u32 $0x38E38E39, s20  }
0x94: {  	s3 =	smulhi.u32 $0x38E38E39, s31;
	s0 =	sshra.s32 s31, $0x1F;
	s31 =	spop (v2sf)  }
0x95: {  	s0 =	smul.u32 $0x38E38E39, s0;
	s11 =	sadd.s32 s2, s28;
	s28 =	sshra.s32 s4, $0x1F  }
0x96: {  	v17 =	vsel vm2, s14, v17;
	s4 =	sshra.s32 s1, $0x2;
	s2 =	sshra.s32 s8, $0x2;
	s8 =	sshra.s32 s8, $0x1F  }
0x97: {  	v17 =	vcombine.low v21, v17;
	s1 =	sshra.s32 s31, $0x1F;
	s12 =	smul.u32 $0x38E38E39, s28;
	s28 =	sshra.s32 s17, $0x2  }
0x98: {  	s17 =	sshrl.u32 s17, $0x1F;
	v18 =	vsel vm7, s4, v18;
	s1 =	smul.u32 $0x38E38E39, s1;
	s3 =	sadd.s32 s0, s3  }
0x99: {  	v22 =	vmov s30;
	v17 =	vperm.xlane v17, v1;
	s0 =	sshra.s32 s5, $0x2;
	s5 =	sshra.s32 s5, $0x1F;
	v18 =	vsel vm12, s23, v18;
	s23 =	smul.u32 $0x38E38E39, s26  }
0x9a: {  	v22 =	vnsel vm3, $0x0, v22;
	v24 =	vmov s22;
	s26 =	sshra.s32 s15, $0x2;
	v15 =	vsel vm3, s0, v15;
	s0 =	smulhi.u32 $0x38E38E39, s31;
	s31 =	rddreg [dreg:$0x10]  }
0x9b: {  	v19 =	vperm.xlane v19, v2;
	s22 =	sshra.s32 s3, $0x2;
	s3 =	sshrl.u32 s3, $0x1F;
	v20 =	vsel vm2, s31, v20;
	v15 =	vsel vm9, s5, v15;
	s31 =	spop (v2sf)  }
0x9c: {  	v24 =	vsel vm0, s17, v24;
	v18 =	vsel vm8, s25, v18;
	s5 =	sshrl.u32 s18, $0x1F;
	v15 =	vsel vm0, s9, v15;
	s9 =	sshra.s32 s20, $0x1F;
	s14 =	smulhi.u32 $0x38E38E39, s31  }
0x9d: {  	vm3 =	vcmask $0x1714;
	v24 =	vsel vm1, s3, v24;
	v18 =	vperm.xlane v18, v2;
	s18 =	sshra.s32 s31, $0x1F;
	s20 =	sshra.s32 s16, $0x2;
	s0 =	sadd.s32 s1, s0  }
0x9e: {  	v22 =	vsel vm0, s5, v22;
	s31 =	sadd.s32 s23, s19;
	s5 =	sshra.s32 s15, $0x1F;
	s15 =	sshrl.u32 s15, $0x1F;
	v16 =	vcombine.low v20, v16;
	v15 =	vsel vm10, s13, v15  }
0x9f: {  	s19 =	sshrl.u32 s16, $0x1F;
	s13 =	sshra.s32 s7, $0x2;
	v22 =	vsel vm1, s21, v22;
	s23 =	smul.u32 $0x38E38E39, s18;
	v17 =	vsel vm6, v18, v17;
	v15 =	vsel vm1, s2, v15  }
0xa0: {  	s16 =	sshra.s32 s11, $0x2;
	s7 =	smul.u32 $0x38E38E39, s9;
	s21 =	sshrl.u32 s31, $0x1F;
	v23 =	vmov s13;
	v22 =	vsel vm2, s15, v22;
	v15 =	vsel vm3, s8, v15  }
0xa1: {  	s1 =	sshra.s32 s31, $0x2;
	s18 =	sshrl.u32 s10, $0x1F;
	v16 =	vperm.xlane v16, v1;
	v23 =	vsel vm0, s28, v23;
	s28 =	sadd.s32 s23, s14;
	v15 =	vsel vm2, s26, v15  }
0xa2: {  	v25 =	vmov s21;
	v26 =	vmov s1;
	s26 =	sshra.s32 s0, $0x2;
	s25 =	spop (v2sf);
	v15 =	vsel vm14, s5, v15;
	s5 =	sadd.s32 s7, s6  }
0xa3: {  	v22 =	vsel vm4, s19, v22;
	v23 =	vsel vm1, s22, v23;
	v16 =	vsel vm6, v19, v16;
	s2 =	smulhi.u32 $0x38E38E39, s25;
	s9 =	sshra.s32 s25, $0x1F;
	s25 =	sshrl.u32 s11, $0x1F  }
0xa4: {  	v23 =	vsel vm2, s16, v23;
	v16 =	vadd.s32 v16, v17;
	v15 =	vsel vm4, s20, v15;
	s31 =	sshrl.u32 s5, $0x1F;
	s7 =	smul.u32 $0x38E38E39, s9;
	s9 =	rddreg [dreg:$0xf]  }
0xa5: {  	s8 =	sshra.s32 s5, $0x2;
	v15 =	vsel vm15, s24, v15;
	s24 =	sshrl.u32 s0, $0x1F;
	v24 =	vsel vm2, s25, v24;
	v25 =	vsel vm0, s31, v25;
	s5 =	sadd.s32 s12, s9  }
0xa6: {  	s13 =	sshrl.u32 s28, $0x1F;
	s0 =	sshra.s32 s0, $0x1F;
	v51 =	vsel vm0, s8, v26;
	v22 =	vsel vm5, s24, v22;
	v15 =	vsel vm5, s26, v15;
	s14 =	sshrl.u32 s5, $0x1F  }
0xa7: {  	s19 =	sshra.s32 s28, $0x2;
	v15 =	vsel vm11, s0, v15;
	s1 =	sadd.s32 s7, s2;
	v52 =	vsel vm7, s13, v22;
	s15 =	sshra.s32 s5, $0x2;
	v53 =	vsel vm1, s14, v25  }
0xa8: {  	s20 =	sshra.s32 s28, $0x1F;
	s17 =	sshrl.u32 s1, $0x1F;
	v20 =	vsel vm1, s15, v51;
	s1 =	sshra.s32 s1, $0x2;
	v54 =	vsel vm8, s18, v52;
	v15 =	vsel vm7, s19, v15  }
0xa9: {  	s21 =	sshra.s32 s10, $0x2;
	v22 =	vsel vm2, s17, v53;
	v55 =	vsel vm2, s1, v20;
	v15 =	vsel vm12, s20, v15  }
0xaa: {  	v17 =	vcombine.low v22, v24;
	v15 =	vsel vm8, s21, v15;
	v19 =	vcombine.low v55, v23  }
0xab: {  	v56 =	vmul.u32 $0xFFFFFFEE, v16;
	v18 =	vperm.xlane v54, v2;
	v15 =	vperm.xlane v15, v2  }
0xac: {  	v57 =	vsub.s32 $0x0, v11;
	v17 =	vperm.xlane v17, v1;
	v19 =	vperm.xlane v19, v1  }
0xad: {  	vm10 =	vlt.s32 v11, $0x1;
	vm9 =	vne.s32 v56, v57  }
0xae: {  	vm9 =	vmand vm10, vm9;
	v17 =	vsel vm6, v18, v17;
	v15 =	vsel vm6, v15, v19  }
0xaf: {  	v58 =	vsel vm9, $0xFFFFFFFF, v4;
	v15 =	vadd.s32 v17, v15  }
0xb0: {  	v12 =	vmul.u32 $0x25795, v12;
	v16 =	vadd.s32 v58, v16;
	v59 =	vmul.u32 $0xFFFFFFEE, v15  }
0xb1: {  	v60 =	vsub.s32 $0x0, v14;
	v17 =	vmul.u32 $0xFFFEE, v16;
	v16 =	vmul.u32 $0x779B1, v16  }
0xb2: {  	v61 =	vor.u32 s29, v0;
	vm10 =	vlt.s32 v14, $0x1;
	vm9 =	vne.s32 v59, v60  }
0xb3: {  	v11 =	vadd.s32 v11, v17;
	v12 =	vxor.u32 v12, v16;
	vm9 =	vmand vm10, vm9  }
0xb4: {  	v13 =	vmul.u32 $0x25795, v13;
	v11 =	vxor.u32 v11, v12;
	v16 =	vsel vm9, $0xFFFFFFFF, v4  }
0xb5: {  	v12 =	vand.u32 v5, v61;
	v17 =	vshrl.u32 v11, $0x3;
	v15 =	vadd.s32 v16, v15  }
0xb6: {  	s22 =	rddreg [dreg:$0x7];
	v62 =	vshrl.u32 v11, $0x2;
	v16 =	vmul.u32 $0xFFFEE, v15;
	v15 =	vmul.u32 $0x779B1, v15  }
0xb7: {  	v63 =	vor.u32 s22, v0;
	v18 =	vand.u32 $0x3FFE0, v62;
	v17 =	vand.u32 $0xF, v17  }
0xb8: {  	v14 =	vadd.s32 v14, v16;
	v13 =	vxor.u32 v13, v15;
	v15 =	vand.u32 v5, v63  }
0xb9: {  	s23 =	simm.s32 $0x16D70;
	v16 =	vor.u32 v17, v18;
	v13 =	vxor.u32 v14, v13  }
0xba: {  	s24 =	simm.s32 $0x16DF0;
	[tilespmem:v12+s23+$0x0] =	vst.idx.msk $0xffff, v16;
	v14 =	vor.u32 $0x10, v16;
	v16 =	vshrl.u32 v13, $0x3;
	v17 =	vshrl.u32 v13, $0x2  }
0xbb: {  	s25 =	simm.s32 $0x16E70;
	v11 =	vand.u32 $0x7, v11;
	[tilespmem:v12+s24+$0x0] =	vst.idx.msk $0xffff, v14;
	v14 =	vand.u32 $0x3FFE0, v17;
	v16 =	vand.u32 $0xF, v16  }
0xbc: {  	[tilespmem:v12+s25+$0x0] =	vst.idx.msk $0xffff, v11;
	v11 =	vor.u32 v16, v14  }
0xbd: {  	[tilespmem:v15+s23+$0x0] =	vst.idx.msk $0xffff, v11;
	v11 =	vor.u32 $0x10, v11  }
0xbe: {  	[tilespmem:v15+s24+$0x0] =	vst.idx.msk $0xffff, v11;
	v11 =	vand.u32 $0x7, v13  }
0xbf: {  	s3 =	simm.s32 $0x16EF0;
	s26 =	simm.s32 $0x80;
	s15 =	rddreg [dreg:$0x1];
	[tilespmem:v15+s25+$0x0] =	vst.idx.msk $0xffff, v11  }
0xc0: {  	[tilespmem:s3], [sflag:$0x1] =	stream.indirect.gather [hbm4b:s15+s26], $0x8, s23, s26, $0xb8;
	[tilespmem:$0x17EF0] =	vst v63  }
0xc1: {  	s4 =	simm.s32 $0x172F0  }
0xc2: {  	[tilespmem:s4], [sflag:$0x1] =	stream.indirect.gather [hbm4b:s15+s26], $0x8, s24, s26, $0xb8;
	[tilespmem:$0x17EF0] =	vst v63  }
0xc3: {  	s16 =	rddreg [dreg:$0x2];
	s5 =	simm.s32 $0x176F0  }
0xc4: {  	[tilespmem:s5], [sflag:$0x1] =	stream.indirect.gather [hbm4b:s16+s26], $0x8, s23, s26, $0xb8;
	[tilespmem:$0x17EF0] =	vst v63  }
0xc5: {  	s29 =	simm.s32 $0x1;
	s6 =	simm.s32 $0x17AF0  }
0xc6: {  	[tilespmem:s6], [sflag:$0x1] =	stream.indirect.gather [hbm4b:s16+s26], $0x8, s24, s26, $0xb8;
	[tilespmem:$0x17EF0] =	vst v63  }
0xc7: {  	_ =	swait.ge [sflag:s29], $0x400  }
0xc8: {  	[sflag:s29] =	ssyncset.done $0x0  }
0xc9: {  	[sflag:s29] =	ssyncadd.s32 $0xFFFFFC00  }
0xca: {  	_ =	swait.ge [sflag:s29], $0x400  }
0xcb: {  	[sflag:s29] =	ssyncset.done $0x0  }
0xcc: {  	s28 =	simm.s32 $0x0;
	[sflag:s29] =	ssyncadd.s32 $0xFFFFFC00  }
0xcd: {  	v11 =	vor.u32 s28, v0;
	_ =	swait.ge [sflag:s29], $0x400  }
0xce: {  	v12 =	vand.u32 v5, v11;
	[sflag:s29] =	ssyncset.done $0x0  }
0xcf: {  	[sflag:s29] =	ssyncadd.s32 $0xFFFFFC00  }
0xd0: {  	_ =	swait.ge [sflag:s29], $0x400  }
0xd1: {  	[sflag:s29] =	ssyncset.done $0x0  }
0xd2: {  	[sflag:s29] =	ssyncadd.s32 $0xFFFFFC00  }
0xd3: {  	v12 =	vld.idx.msk [tilespmem:v12+s25+$0x0], $0xffff;
	_ =	sdelay $0x4  }
0xd4: {  	v14 =	vshll.u32 v11, $0x3;
	v13 =	vand.u32 $0xFFFFFFF8, v12  }
0xd5: {  	v12 =	vand.u32 $0x7, v12;
	v13 =	vadd.s32 v14, v13  }
0xd6: {  	v13 =	vor.u32 v12, v13;
	_ =	sdelay $0x1  }
0xd7: {  	v11 =	vor.u32 v10, v11  }
0xd8: {  	vm9 =	vlt.s32 v11, $0x16C7  }
0xd9: {  	v11 =	vnsel vm9, $0x16C7, v11  }
0xda: {  	v14 =	vshll.u32 v11, $0x2;
	v12 =	vld.idx.msk [tilespmem:v13+s3+$0x0], $0xffff;
	_ =	sdelay $0x3  }
0xdb: {  	s30 =	simm.s32 $0x11250  }
0xdc: {  	[tilespmem:v14+s30+$0x0] =	vst.idx.msk $0xffff, v12  }
0xdd: {  	v12 =	vor.u32 $0x1, v14;
	v11 =	vld.idx.msk [tilespmem:v13+s4+$0x0], $0xffff;
	_ =	sdelay $0x4  }
0xde: {  	[tilespmem:v12+s30+$0x0] =	vst.idx.msk $0xffff, v11  }
0xdf: {  	v15 =	vor.u32 $0x2, v14;
	v11 =	vld.idx.msk [tilespmem:v13+s5+$0x0], $0xffff;
	_ =	sdelay $0x4  }
0xe0: {  	s31 =	simm.s32 $0x10;
	[tilespmem:v15+s30+$0x0] =	vst.idx.msk $0xffff, v11  }
0xe1: {  	v12 =	vor.u32 s31, v0;
	v15 =	vor.u32 $0x3, v14;
	v13 =	vld.idx.msk [tilespmem:v13+s6+$0x0], $0xffff  }
0xe2: {  	v16 =	vor.u32 v10, v12;
	v14 =	vand.u32 v5, v12  }
0xe3: {  	vm9 =	vlt.s32 v16, $0x16C7  }
0xe4: {  	vm3 =	vmmov vm4;
	vm14 =	vmmov vm5;
	s2 =	simm.s32 $0x16E70;
	s1 =	simm.s32 $0x20;
	v11 =	vnsel vm9, $0x16C7, v16  }
.LBB2_5:
0xe5: {  	_ = 	snop  }
0xe6: {  	p0 =	sne.s32 s1, $0x70;
	[tilespmem:v15+s30+$0x0] =	vst.idx.msk $0xffff, v13;
	s0 =	smov.u32 s1;
	s1 =	sadd.s32 $0x10, s1  }
0xe7: {  	v13 =	vld.idx.msk [tilespmem:v14+s2+$0x0], $0xffff;
	_ =	sdelay $0x5  }
0xe8: {  	v12 =	vshll.u32 v12, $0x3;
	v14 =	vand.u32 $0xFFFFFFF8, v13  }
0xe9: {  	v13 =	vand.u32 $0x7, v13;
	v12 =	vadd.s32 v12, v14  }
0xea: {  	v12 =	vor.u32 v13, v12;
	_ =	sdelay $0x4  }
0xeb: {  	v13 =	vld.idx.msk [tilespmem:v12+s3+$0x0], $0xffff  }
0xec: {  	v11 =	vshll.u32 v11, $0x2;
	_ =	sdelay $0x4  }
0xed: {  	[tilespmem:v11+s30+$0x0] =	vst.idx.msk $0xffff, v13  }
0xee: {  	v13 =	vld.idx.msk [tilespmem:v12+s4+$0x0], $0xffff  }
0xef: {  	v14 =	vor.u32 $0x1, v11;
	_ =	sdelay $0x4  }
0xf0: {  	[tilespmem:v14+s30+$0x0] =	vst.idx.msk $0xffff, v13  }
0xf1: {  	v13 =	vld.idx.msk [tilespmem:v12+s5+$0x0], $0xffff  }
0xf2: {  	v14 =	vor.u32 $0x2, v11;
	_ =	sdelay $0x4  }
0xf3: {  	[tilespmem:v14+s30+$0x0] =	vst.idx.msk $0xffff, v13  }
.Ltmp1:
0xf4: {  	v13 =	vld.idx.msk [tilespmem:v12+s6+$0x0], $0xffff;
	(pc) =	sbr.rel @p0 .LBB2_5-.Ltmp1, $4  }
0xf5: {  	v15 =	vor.u32 $0x3, v11;
	v12 =	vor.u32 s0, v0  }
0xf6: {  	v11 =	vor.u32 v10, v12;
	v14 =	vand.u32 v5, v12  }
0xf7: {  	vm9 =	vlt.s32 v11, $0x16C7  }
0xf8: {  	v11 =	vnsel vm9, $0x16C7, v11  }
0xf9: {  	_ =	sdelay $0x3  }
0xfa: {  	[tilespmem:v15+s30+$0x0] =	vst.idx.msk $0xffff, v13  }
0xfb: {  	v10 =	vld.idx.msk [tilespmem:v14+s2+$0x0], $0xffff;
	_ =	sdelay $0x4  }
0xfc: {  	v12 =	vshll.u32 v12, $0x3;
	v61 =	vand.u32 $0xFFFFFFF8, v10  }
0xfd: {  	v10 =	vand.u32 $0x7, v10;
	v12 =	vadd.s32 v12, v61  }
0xfe: {  	v10 =	vor.u32 v10, v12;
	_ =	sdelay $0x4  }
0xff: {  	v11 =	vshll.u32 v11, $0x2;
	v12 =	vld.idx.msk [tilespmem:v10+s3+$0x0], $0xffff;
	_ =	sdelay $0x4  }
0x100: {  	[tilespmem:v11+s30+$0x0] =	vst.idx.msk $0xffff, v12  }
0x101: {  	v62 =	vor.u32 $0x1, v11;
	v12 =	vld.idx.msk [tilespmem:v10+s4+$0x0], $0xffff;
	_ =	sdelay $0x4  }
0x102: {  	[tilespmem:v62+s30+$0x0] =	vst.idx.msk $0xffff, v12  }
0x103: {  	v63 =	vor.u32 $0x2, v11;
	v12 =	vld.idx.msk [tilespmem:v10+s5+$0x0], $0xffff;
	_ =	sdelay $0x3  }
0x104: {  	s0 =	rddreg [dreg:$0xe]  }
0x105: {  	s0 =	sadd.s32 $0x1, s0;
	[tilespmem:v63+s30+$0x0] =	vst.idx.msk $0xffff, v12  }
0x106: {  	p0 =	sne.s32 s0, $0x2E;
	v11 =	vor.u32 $0x3, v11;
	v10 =	vld.idx.msk [tilespmem:v10+s6+$0x0], $0xffff  }
.Ltmp2:
0x107: {  	_ = 	snop;
	(pc) =	sbr.rel @p0 .LBB2_2-.Ltmp2, $3  }
0x108: {  	_ =	sdelay $0x1  }
0x109: {  	vm7 =	vcmask $0xF0C  }
0x10a: {  	vm4 =	vmmov vm3;
	vm3 =	vcmask $0x300;
	vm5 =	vmmov vm14;
	s4 =	simm.s32 $0x0;
	[tilespmem:v11+s30+$0x0] =	vst.idx.msk $0xffff, v10  }
0x10b: {  	s19 =	rddreg [dreg:$0x5]  }
0x10c: {  	s17 =	rddreg [dreg:$0x9]  }
0x10d: {  	s1 =	simm.s32 $0x0;
	s22 =	rddreg [dreg:$0xa]  }
0x10e: {  	s20 =	simm.s32 $0x0;
	s23 =	rddreg [dreg:$0xb];
	s24 =	simm.s32 $0x11240  }
0x10f: {  	s28 =	simm.s32 $0x2;
	s7 =	simm.s32 $0x10E30;
	s8 =	simm.s32 $0xF30  }
.LBB2_8:
0x110: {  	s0 =	sshll.u32 s1, $0x4  }
0x111: {  	s0 =	sadd.s32 s17, s0  }
0x112: {  	s14 =	rddreg [dreg:$0x0];
	s5 =	sshrl.u32 s0, $0x3  }
0x113: {  	s13 =	smov.u32 s0;
	s0 =	sadd.s32 s14, s5  }
0x114: {  	[tilespmem:s4], [sflag:$0x2] =	stream.linear.gather [hbm4b:s0+s4], $0x10, $0x38;
	[tilespmem:$0x17EF0] =	vst v63  }
0x115: {  	_ =	swait.ge [sflag:s28], $0x10  }
0x116: {  	[sflag:s28] =	ssyncset.done $0x0  }
0x117: {  	s2 =	simm.s32 $0x10;
	s18 =	sadd.s32 s5, s22;
	[sflag:s28] =	ssyncadd.s32 $0xFFFFFFF0  }
0x118: {  	[tilespmem:s2], [sflag:$0x2] =	stream.linear.gather [hbm4b:s18+s4], $0x10, $0x38;
	[tilespmem:$0x17EF0] =	vst v63  }
0x119: {  	_ =	swait.ge [sflag:s28], $0x10  }
0x11a: {  	[sflag:s28] =	ssyncset.done $0x0  }
0x11b: {  	s25 =	simm.s32 $0x20;
	s21 =	sadd.s32 s5, s23;
	[sflag:s28] =	ssyncadd.s32 $0xFFFFFFF0  }
0x11c: {  	[tilespmem:s25], [sflag:$0x2] =	stream.linear.gather [hbm4b:s21+s4], $0x10, $0x38;
	[tilespmem:$0x17EF0] =	vst v63  }
0x11d: {  	_ =	swait.ge [sflag:s28], $0x10  }
0x11e: {  	[sflag:s28] =	ssyncset.done $0x0  }
0x11f: {  	[sflag:s28] =	ssyncadd.s32 $0xFFFFFFF0  }
0x120: {  	v10 =	vld [tilespmem:$0x10]  }
0x121: {  	v11 =	vld [tilespmem:$0x20]  }
0x122: {  	v12 =	vld [tilespmem:$0x0];
	_ =	sdelay $0x3  }
0x123: {  	v13 =	vmax.f32 v10, $-1.000000000e+00;
	v14 =	vmax.f32 v11, $-1.000000000e+00  }
0x124: {  	v15 =	vmax.f32 v12, $-1.000000000e+00;
	v13 =	vmin.f32 v13, $1.000000000e+00;
	v14 =	vmin.f32 v14, $1.000000000e+00  }
0x125: {  	v15 =	vmin.f32 v15, $1.000000000e+00;
	v16 =	vadd.f32 $1.000000000e+00, v13;
	v17 =	vadd.f32 $1.000000000e+00, v14  }
0x126: {  	v19 =	vadd.f32 $1.000000000e+00, v15  }
0x127: {  	v20 =	vmul.f32 $5.000000000e-01, v16;
	v18 =	vmul.f32 $5.000000000e-01, v17  }
0x128: {  	v19 =	vmul.f32 $5.000000000e-01, v19  }
0x129: {  	v16 =	vmul.f32 $1.600000000e+01, v20;
	v17 =	vmul.f32 $1.600000000e+01, v18  }
0x12a: {  	v21 =	vmul.f32 $1.600000000e+01, v19  }
0x12b: {  	v22 =	vtrunc.f32 v16;
	v23 =	vtrunc.f32 v17  }
0x12c: {  	vm9 =	veq.f32 v12, v15;
	v12 =	vtrunc.f32 v21;
	v22 =	vcvt.f32.s32 v22  }
0x12d: {  	vm10 =	veq.f32 v10, v13;
	v15 =	vcvt.f32.s32 v23;
	v12 =	vcvt.f32.s32 v12  }
0x12e: {  	vm9 =	vmand vm9, vm10;
	vm10 =	veq.f32 v11, v14;
	v13 =	vmul.u32 $0x12, v22  }
0x12f: {  	vm9 =	vmand vm9, vm10;
	v11 =	vmul.u32 $0x144, v15;
	v10 =	vcvt.s32.f32 v12  }
0x130: {  	v23 =	vsel vm9, $0x3F800000, v6;
	v14 =	vadd.s32 v12, v13  }
0x131: {  	v21 =	vsub.f32 v21, v10;
	v10 =	vcvt.s32.f32 v22;
	v33 =	vadd.s32 $0x144, v11  }
0x132: {  	v15 =	vcvt.s32.f32 v15;
	v24 =	vadd.s32 v11, v14;
	v14 =	vadd.s32 v14, v33  }
0x133: {  	v22 =	vshll.u32 v24, $0x2;
	v24 =	vadd.s32 $0x1, v12;
	v16 =	vsub.f32 v16, v10  }
0x134: {  	[tilespmem:$0x11230] =	vst v23;
	v10 =	vsub.f32 v17, v15;
	v23 =	vsub.f32 $1.000000000e+00, v21;
	v14 =	vshll.u32 v14, $0x2  }
0x135: {  	v25 =	vor.u32 $0x1, v22;
	v26 =	vor.u32 $0x2, v22;
	v27 =	vadd.s32 v24, v13  }
0x136: {  	v15 =	vor.u32 $0x3, v22;
	v13 =	vadd.s32 $0x12, v13;
	v41 =	vor.u32 $0x1, v14  }
0x137: {  	v58 =	vor.u32 $0x2, v14;
	v42 =	vor.u32 $0x3, v14;
	v17 =	vadd.s32 v11, v27  }
0x138: {  	v28 =	vsub.f32 $1.000000000e+00, v16;
	v29 =	vsub.f32 $1.000000000e+00, v10;
	v12 =	vadd.s32 v12, v13  }
0x139: {  	v13 =	vadd.s32 v24, v13;
	v27 =	vadd.s32 v27, v33;
	v17 =	vshll.u32 v17, $0x2;
	v22 =	vld.idx.msk [tilespmem:v22+s30+$0x0], $0xffff  }
0x13a: {  	v35 =	vadd.s32 v11, v12;
	v11 =	vadd.s32 v11, v13;
	v27 =	vshll.u32 v27, $0x2;
	v14 =	vld.idx.msk [tilespmem:v14+s30+$0x0], $0xffff  }
0x13b: {  	v12 =	vadd.s32 v33, v12;
	v13 =	vadd.s32 v33, v13;
	v30 =	vor.u32 $0x1, v17;
	v25 =	vld.idx.msk [tilespmem:v25+s30+$0x0], $0xffff  }
0x13c: {  	v31 =	vmul.f32 v28, v23;
	v32 =	vor.u32 $0x2, v17;
	v34 =	vor.u32 $0x3, v17;
	v26 =	vld.idx.msk [tilespmem:v26+s30+$0x0], $0xffff  }
0x13d: {  	v28 =	vmul.f32 v28, v21;
	v35 =	vshll.u32 v35, $0x2;
	v23 =	vmul.f32 v16, v23;
	v15 =	vld.idx.msk [tilespmem:v15+s30+$0x0], $0xffff  }
0x13e: {  	v16 =	vmul.f32 v16, v21;
	v11 =	vshll.u32 v11, $0x2;
	v21 =	vor.u32 $0x1, v35;
	v60 =	vld.idx.msk [tilespmem:v41+s30+$0x0], $0xffff  }
0x13f: {  	v61 =	vor.u32 $0x2, v27;
	v63 =	vor.u32 $0x3, v27;
	v12 =	vshll.u32 v12, $0x2;
	v17 =	vld.idx.msk [tilespmem:v17+s30+$0x0], $0xffff  }
0x140: {  	v13 =	vshll.u32 v13, $0x2;
	v37 =	vor.u32 $0x2, v35;
	v36 =	vmul.f32 v29, v31;
	v30 =	vld.idx.msk [tilespmem:v30+s30+$0x0], $0xffff  }
0x141: {  	v54 =	vor.u32 $0x3, v35;
	v39 =	vor.u32 $0x1, v11;
	v55 =	vor.u32 $0x2, v11;
	v34 =	vld.idx.msk [tilespmem:v34+s30+$0x0], $0xffff  }
0x142: {  	v40 =	vor.u32 $0x3, v11;
	v38 =	vmul.f32 v29, v28;
	v35 =	vld.idx.msk [tilespmem:v35+s30+$0x0], $0xffff;
	v22 =	vmul.f32 v36, v22  }
0x143: {  	v45 =	vor.u32 $0x2, v12;
	v46 =	vor.u32 $0x3, v12;
	v56 =	vmul.f32 v29, v23;
	v21 =	vld.idx.msk [tilespmem:v21+s30+$0x0], $0xffff  }
0x144: {  	v11 =	vld.idx.msk [tilespmem:v11+s30+$0x0], $0xffff;
	v24 =	vmul.f32 v36, v25;
	v22 =	vadd.f32 $0.0e+00, v22;
	v17 =	vmul.f32 v38, v17  }
0x145: {  	v47 =	vor.u32 $0x1, v13;
	v28 =	vmul.f32 v28, v10;
	v25 =	vld.idx.msk [tilespmem:v32+s30+$0x0], $0xffff;
	v26 =	vmul.f32 v36, v26  }
0x146: {  	v24 =	vadd.f32 $0.0e+00, v24;
	v30 =	vmul.f32 v38, v30;
	v17 =	vadd.f32 v22, v17;
	v22 =	vld.idx.msk [tilespmem:v54+s30+$0x0], $0xffff  }
0x147: {  	v50 =	vor.u32 $0x3, v13;
	v23 =	vmul.f32 v10, v23;
	v37 =	vld.idx.msk [tilespmem:v37+s30+$0x0], $0xffff;
	v15 =	vmul.f32 v36, v15  }
0x148: {  	v57 =	vld.idx.msk [tilespmem:v39+s30+$0x0], $0xffff;
	v26 =	vadd.f32 $0.0e+00, v26;
	v21 =	vmul.f32 v21, v56;
	v24 =	vadd.f32 v24, v30  }
0x149: {  	v62 =	vld.idx.msk [tilespmem:v58+s30+$0x0], $0xffff;
	v15 =	vadd.f32 $0.0e+00, v15;
	v34 =	vmul.f32 v38, v34;
	v35 =	vmul.f32 v35, v56  }
0x14a: {  	v36 =	vld.idx.msk [tilespmem:v55+s30+$0x0], $0xffff;
	v25 =	vmul.f32 v38, v25;
	v21 =	vadd.f32 v24, v21;
	v24 =	vmul.f32 v29, v16  }
0x14b: {  	v49 =	vld.idx.msk [tilespmem:v45+s30+$0x0], $0xffff;
	v15 =	vadd.f32 v15, v34;
	v30 =	vor.u32 $0x1, v27;
	v22 =	vmul.f32 v22, v56  }
0x14c: {  	v17 =	vadd.f32 v17, v35;
	v25 =	vadd.f32 v26, v25;
	v26 =	vld.idx.msk [tilespmem:v40+s30+$0x0], $0xffff;
	v11 =	vmul.f32 v11, v24  }
0x14d: {  	v59 =	vmul.f32 v37, v56;
	v29 =	vld.idx.msk [tilespmem:v42+s30+$0x0], $0xffff;
	v44 =	vmul.f32 v57, v24;
	v15 =	vadd.f32 v22, v15  }
0x14e: {  	v22 =	vld.idx.msk [tilespmem:v27+s30+$0x0], $0xffff;
	v27 =	vor.u32 $0x1, v12;
	v11 =	vadd.f32 v11, v17;
	v17 =	vmul.f32 v31, v10  }
0x14f: {  	v37 =	vld.idx.msk [tilespmem:v61+s30+$0x0], $0xffff;
	v54 =	vmov s4;
	v25 =	vadd.f32 v59, v25;
	v36 =	vmul.f32 v36, v24  }
0x150: {  	v35 =	vshrl.u32 v54, $0x3;
	v30 =	vld.idx.msk [tilespmem:v30+s30+$0x0], $0xffff;
	v21 =	vadd.f32 v44, v21;
	v14 =	vmul.f32 v14, v17  }
0x151: {  	v25 =	vadd.f32 v36, v25;
	v12 =	vld.idx.msk [tilespmem:v12+s30+$0x0], $0xffff;
	v10 =	vmul.f32 v10, v16;
	v24 =	vmul.f32 v26, v24  }
0x152: {  	v31 =	vld.idx.msk [tilespmem:v63+s30+$0x0], $0xffff;
	v48 =	vmul.f32 v60, v17;
	v11 =	vadd.f32 v14, v11;
	v14 =	vmul.f32 v62, v17  }
0x153: {  	v15 =	vadd.f32 v24, v15;
	v17 =	vmul.f32 v29, v17;
	v26 =	vld.idx.msk [tilespmem:v27+s30+$0x0], $0xffff;
	v27 =	vor.u32 $0x2, v13  }
0x154: {  	v21 =	vadd.f32 v48, v21;
	v22 =	vmul.f32 v22, v28;
	v13 =	vld.idx.msk [tilespmem:v13+s30+$0x0], $0xffff;
	v14 =	vadd.f32 v14, v25  }
0x155: {  	s18 =	simm.s32 $0xC;
	v29 =	vld.idx.msk [tilespmem:v47+s30+$0x0], $0xffff;
	v25 =	vmul.f32 v30, v28;
	v15 =	vadd.f32 v17, v15;
	v17 =	vmul.f32 v37, v28  }
0x156: {  	v24 =	vld.idx.msk [tilespmem:v46+s30+$0x0], $0xffff;
	v12 =	vmul.f32 v12, v23;
	v30 =	vmov s18;
	v11 =	vadd.f32 v22, v11  }
0x157: {  	v21 =	vadd.f32 v25, v21;
	v25 =	vmul.f32 v31, v28;
	v14 =	vadd.f32 v17, v14  }
0x158: {  	s25 =	simm.s32 $0xE;
	v11 =	vadd.f32 v12, v11;
	v12 =	vmul.f32 v49, v23;
	v22 =	vld.idx.msk [tilespmem:v27+s30+$0x0], $0xffff;
	v17 =	vmul.f32 v26, v23  }
0x159: {  	v27 =	vld.idx.msk [tilespmem:v50+s30+$0x0], $0xffff;
	v15 =	vadd.f32 v25, v15;
	v13 =	vmul.f32 v13, v10;
	v25 =	vmov s25  }
0x15a: {  	s26 =	simm.s32 $0x1;
	v12 =	vadd.f32 v12, v14;
	v14 =	vmul.f32 v29, v10;
	v16 =	vadd.f32 v17, v21  }
0x15b: {  	s11 =	simm.s32 $0x1;
	s21 =	simm.s32 $0xD;
	v17 =	vmul.f32 v24, v23;
	v13 =	vadd.f32 v13, v11;
	v11 =	vmov s26;
	s26 =	simm.s32 $0xB  }
0x15c: {  	v29 =	vmov s11;
	v24 =	vmov s21;
	v31 =	vmov s26  }
0x15d: {  	s10 =	simm.s32 $0x3;
	v53 =	vshrl.u32 v11, $0x3;
	v15 =	vadd.f32 v17, v15;
	v21 =	vmul.f32 v22, v10  }
0x15e: {  	s12 =	simm.s32 $0x9;
	v14 =	vadd.f32 v14, v16;
	v10 =	vmul.f32 v27, v10;
	v22 =	vmov s10  }
0x15f: {  	s31 =	simm.s32 $0x2;
	s6 =	simm.s32 $0x5;
	v27 =	vshrl.u32 v22, $0x3;
	v22 =	vmov s12;
	v16 =	vadd.f32 v21, v12  }
0x160: {  	s3 =	simm.s32 $0x4;
	s9 =	simm.s32 $0x6;
	v17 =	vadd.f32 v10, v15;
	v10 =	vmov s31;
	v12 =	vmov s6  }
0x161: {  	v21 =	vmov s9;
	v15 =	vshrl.u32 v10, $0x3;
	v10 =	vmov s3  }
0x162: {  	s14 =	simm.s32 $0xA;
	s3 =	simm.s32 $0x7;
	v51 =	vshrl.u32 v21, $0x3;
	v52 =	vshrl.u32 v12, $0x3;
	v21 =	vsel vm3, $0x3, v4  }
0x163: {  	[tilespmem:v3+s7+$0x0] =	vst.idx.msk $0xffff, v13;
	v23 =	vmov s3;
	v28 =	vshrl.u32 v10, $0x3;
	v10 =	vmov s14  }
0x164: {  	v55 =	vshll.u32 v15, v21;
	v35 =	vshll.u32 v35, v21;
	v34 =	vshll.u32 v53, v21  }
0x165: {  	v33 =	vshll.u32 v52, v21;
	v32 =	vshll.u32 v51, v21;
	v27 =	vshll.u32 v27, v21  }
0x166: {  	[tilespmem:v7+s7+$0x0] =	vst.idx.msk $0xffff, v14;
	v26 =	vshrl.u32 v23, $0x3;
	v23 =	vshrl.u32 v10, $0x3;
	v10 =	vmul.u32 $0x78, v0  }
0x167: {  	[tilespmem:v8+s7+$0x0] =	vst.idx.msk $0xffff, v16;
	v35 =	vbroadcast v35, $0x0;
	v36 =	vbroadcast v55, $0x0;
	v28 =	vshll.u32 v28, v21  }
0x168: {  	s31 =	simm.s32 $0xF;
	[tilespmem:v9+s7+$0x0] =	vst.idx.msk $0xffff, v17;
	v34 =	vbroadcast v34, $0x0;
	v58 =	vbroadcast v27, $0x0;
	v27 =	vshrl.u32 v31, $0x3  }
0x169: {  	v31 =	vbroadcast v32, $0x0;
	v33 =	vbroadcast v33, $0x0;
	v56 =	vld.idx.msk [tilespmem:v29+s24+$0x0], $0xffff;
	v29 =	vmov s31  }
0x16a: {  	v57 =	vshll.u32 v26, v21;
	v59 =	vbroadcast v28, $0x0;
	v28 =	vshrl.u32 v30, $0x3  }
0x16b: {  	v11 =	vor.u32 $0x1, v10;
	v12 =	vor.u32 $0x2, v10;
	v13 =	vor.u32 $0x3, v10  }
0x16c: {  	v14 =	vor.u32 $0x4, v10;
	v15 =	vor.u32 $0x5, v10;
	v16 =	vor.u32 $0x6, v10  }
0x16d: {  	v17 =	vor.u32 $0x7, v10;
	v26 =	vshrl.u32 v29, $0x3;
	v29 =	vbroadcast v57, $0x0  }
0x16e: {  	v42 =	vadd.s32 v10, v35;
	v60 =	vmul.f32 v56, v20;
	v41 =	vmul.f32 v56, v18  }
0x16f: {  	v35 =	vadd.s32 v12, v36;
	v40 =	vadd.s32 v11, v34;
	v37 =	vmul.f32 v56, v19  }
0x170: {  	v30 =	vadd.s32 v16, v31;
	v61 =	vtrunc.f32 v60;
	v62 =	vtrunc.f32 v41  }
0x171: {  	v31 =	vadd.s32 v15, v33;
	v43 =	vtrunc.f32 v37;
	v44 =	vcvt.f32.s32 v61  }
0x172: {  	v34 =	vadd.s32 v14, v59;
	v48 =	vcvt.f32.s32 v43;
	v63 =	vcvt.f32.s32 v62  }
0x173: {  	v38 =	vadd.s32 v13, v58;
	v56 =	vcvt.s32.f32 v44;
	v51 =	vmul.u32 $0x9E3779B1, v44  }
0x174: {  	v57 =	vcvt.s32.f32 v48;
	v52 =	vadd.s32 $0x1, v48;
	v44 =	vmul.u32 $0x30025795, v63  }
0x175: {  	v58 =	vcvt.s32.f32 v63;
	v46 =	vsub.f32 v60, v56;
	v45 =	vxor.u32 v48, v51  }
0x176: {  	v47 =	vsub.f32 v37, v57;
	v39 =	vxor.u32 v51, v52;
	v57 =	vadd.s32 $0x9E3779B1, v51  }
0x177: {  	v32 =	vsub.f32 v41, v58;
	v59 =	vxor.u32 v44, v45;
	v48 =	vxor.u32 v48, v57  }
0x178: {  	v36 =	vsub.f32 $1.000000000e+00, v46;
	v60 =	vshrl.u32 v59, $0x3;
	v61 =	vshrl.u32 v59, $0x2  }
0x179: {  	v53 =	vsub.f32 $1.000000000e+00, v47;
	v43 =	vand.u32 $0x3FFE0, v61;
	v49 =	vand.u32 $0xF, v60  }
0x17a: {  	s26 =	simm.s32 $0x40000;
	v33 =	vand.u32 $0x7, v59;
	v37 =	vmul.f32 v36, v47;
	v43 =	vor.u32 v43, v49  }
0x17b: {  	s9 =	simm.s32 $0x30;
	v41 =	vmul.f32 v36, v53;
	v62 =	vor.u32 s26, v43;
	v43 =	vsub.f32 $1.000000000e+00, v32  }
0x17c: {  	s10 =	simm.s32 $0x7B0;
	v49 =	vxor.u32 v44, v39;
	v36 =	vmul.f32 v53, v46;
	v50 =	vor.u32 $0x10, v62;
	[tilespmem:v42+s9+$0x0] =	vst.idx.msk $0xffff, v62  }
0x17d: {  	v54 =	vshrl.u32 v49, $0x3;
	v63 =	vshrl.u32 v49, $0x2;
	[tilespmem:v42+s10+$0x0] =	vst.idx.msk $0xffff, v50;
	v55 =	vmul.f32 v41, v43  }
0x17e: {  	s2 =	simm.s32 $0x10;
	s25 =	simm.s32 $0x2;
	s12 =	simm.s32 $0x106F0;
	v54 =	vand.u32 $0xF, v54;
	v56 =	vand.u32 $0x3FFE0, v63;
	v50 =	vmul.f32 v37, v43;
	[tilespmem:v42+s8+$0x0] =	vst.idx.msk $0xffff, v33  }
0x17f: {  	s18 =	simm.s32 $0x40000;
	s11 =	simm.s32 $0x8;
	s6 =	simm.s32 $0x106F0;
	v51 =	vor.u32 v56, v54;
	v33 =	vmov s25;
	v42 =	vxor.u32 v52, v57;
	[tilespmem:s12+$0xFFFFFFC0] =	vst v55  }
.LBB2_9:
0x180: {  	s26 =	sadd.s32 $0x40000, s26  }
0x181: {  	v52 =	vadd.s32 $0x30025795, v44;
	v46 =	vmul.f32 v46, v47;
	v47 =	vxor.u32 v44, v48;
	s12 =	sadd.s32 $0x80, s12;
	s14 =	smov.u32 s2;
	s4 =	sadd.s32 $0x8, s2  }
0x182: {  	p0 =	sne.s32 s2, $0x70;
	v51 =	vor.u32 s18, v51;
	v53 =	vshrl.u32 v47, $0x3;
	v54 =	vshrl.u32 v47, $0x2  }
0x183: {  	v49 =	vand.u32 $0x7, v49;
	[tilespmem:v40+s9+$0x0] =	vst.idx.msk $0xffff, v51;
	v51 =	vor.u32 $0x10, v51;
	v53 =	vand.u32 $0xF, v53  }
0x184: {  	v45 =	vxor.u32 v52, v45;
	[tilespmem:v40+s10+$0x0] =	vst.idx.msk $0xffff, v51;
	v51 =	vand.u32 $0x3FFE0, v54;
	v54 =	vmul.f32 v36, v43  }
0x185: {  	v44 =	vxor.u32 v44, v42;
	v47 =	vand.u32 $0x7, v47;
	[tilespmem:v40+s8+$0x0] =	vst.idx.msk $0xffff, v49;
	v40 =	vor.u32 v51, v53  }
0x186: {  	v49 =	vshrl.u32 v44, $0x3;
	[tilespmem:s6+$0xFFFFFFD0] =	vst v50;
	v40 =	vor.u32 s18, v40;
	v50 =	vshrl.u32 v44, $0x2  }
0x187: {  	v49 =	vand.u32 $0xF, v49;
	[tilespmem:v35+s9+$0x0] =	vst.idx.msk $0xffff, v40;
	v40 =	vor.u32 $0x10, v40;
	v50 =	vand.u32 $0x3FFE0, v50  }
0x188: {  	[tilespmem:v35+s10+$0x0] =	vst.idx.msk $0xffff, v40;
	v40 =	vor.u32 v50, v49;
	v49 =	vshrl.u32 v45, $0x3;
	v50 =	vshrl.u32 v45, $0x2  }
0x189: {  	[tilespmem:v35+s8+$0x0] =	vst.idx.msk $0xffff, v47;
	v35 =	vor.u32 s18, v40;
	v40 =	vand.u32 $0x3FFE0, v50;
	v47 =	vand.u32 $0xF, v49  }
0x18a: {  	[tilespmem:s6+$0xFFFFFFE0] =	vst v54;
	v49 =	vor.u32 $0x10, v35;
	v40 =	vor.u32 v40, v47;
	v47 =	vxor.u32 v52, v48  }
0x18b: {  	v43 =	vmul.f32 v43, v46;
	[tilespmem:v38+s9+$0x0] =	vst.idx.msk $0xffff, v35;
	v35 =	vand.u32 $0x7, v44;
	v44 =	vshrl.u32 v47, $0x2  }
0x18c: {  	v41 =	vmul.f32 v41, v32;
	v39 =	vxor.u32 v52, v39;
	v45 =	vand.u32 $0x7, v45;
	[tilespmem:v38+s10+$0x0] =	vst.idx.msk $0xffff, v49  }
0x18d: {  	[tilespmem:v38+s8+$0x0] =	vst.idx.msk $0xffff, v35;
	v35 =	vor.u32 s18, v40;
	v38 =	vshrl.u32 v39, $0x3;
	v40 =	vshrl.u32 v39, $0x2  }
0x18e: {  	v48 =	vshrl.u32 v47, $0x3;
	[tilespmem:s6+$0xFFFFFFF0] =	vst v43;
	v43 =	vor.u32 $0x10, v35;
	v40 =	vand.u32 $0x3FFE0, v40  }
0x18f: {  	s0 =	sadd.s32 $0x1, s14;
	[tilespmem:v34+s9+$0x0] =	vst.idx.msk $0xffff, v35;
	v35 =	vand.u32 $0xF, v38;
	v38 =	vand.u32 $0x3FFE0, v44;
	v44 =	vand.u32 $0xF, v48  }
0x190: {  	v48 =	vmov s0;
	[tilespmem:v34+s10+$0x0] =	vst.idx.msk $0xffff, v43;
	v35 =	vor.u32 v40, v35;
	v38 =	vor.u32 v38, v44  }
0x191: {  	[tilespmem:v34+s8+$0x0] =	vst.idx.msk $0xffff, v45;
	v34 =	vor.u32 s18, v35;
	v35 =	vmul.f32 v37, v32;
	v37 =	vxor.u32 v52, v42  }
0x192: {  	[tilespmem:s6+$0x0] =	vst v41;
	v40 =	vor.u32 $0x10, v34;
	v41 =	vshrl.u32 v37, $0x3;
	v42 =	vshrl.u32 v37, $0x2  }
0x193: {  	s0 =	sadd.s32 $0x2, s14;
	[tilespmem:v31+s9+$0x0] =	vst.idx.msk $0xffff, v34;
	v34 =	vand.u32 $0x7, v39;
	v39 =	vand.u32 $0x3FFE0, v42;
	v41 =	vand.u32 $0xF, v41  }
0x194: {  	s2 =	sadd.s32 $0x5, s14;
	v42 =	vmov s0;
	s0 =	sadd.s32 $0x4, s14;
	[tilespmem:v31+s10+$0x0] =	vst.idx.msk $0xffff, v40;
	v39 =	vor.u32 v39, v41;
	v40 =	vmul.f32 v46, v32  }
0x195: {  	v43 =	vmov s2;
	v41 =	vshrl.u32 v42, $0x3;
	v42 =	vmov s0;
	s0 =	sadd.s32 $0x6, s14;
	[tilespmem:v31+s8+$0x0] =	vst.idx.msk $0xffff, v34  }
0x196: {  	v29 =	vadd.s32 v17, v29;
	s2 =	sadd.s32 $0x3, s14;
	v31 =	vmov s0;
	v34 =	vor.u32 s18, v38;
	[tilespmem:s6+$0x10] =	vst v35  }
0x197: {  	v38 =	vmov s2;
	v35 =	vshrl.u32 v25, $0x3;
	v25 =	vmovc v31;
	[tilespmem:v30+s9+$0x0] =	vst.idx.msk $0xffff, v34;
	v34 =	vor.u32 $0x10, v34  }
0x198: {  	v32 =	vmul.f32 v36, v32;
	v31 =	vshrl.u32 v24, $0x3;
	v24 =	vmovc v43;
	[tilespmem:v30+s10+$0x0] =	vst.idx.msk $0xffff, v34;
	v34 =	vand.u32 $0x7, v47  }
0x199: {  	v36 =	vshrl.u32 v22, $0x3;
	v22 =	vmov v48;
	[tilespmem:v30+s8+$0x0] =	vst.idx.msk $0xffff, v34;
	v30 =	vand.u32 $0x7, v37  }
0x19a: {  	v34 =	vmov s11;
	s11 =	smov.u32 s14;
	[tilespmem:s6+$0x20] =	vst v32;
	v32 =	vor.u32 s18, v39;
	s18 =	smov.u32 s26  }
0x19b: {  	[tilespmem:v29+s9+$0x0] =	vst.idx.msk $0xffff, v32;
	v32 =	vor.u32 $0x10, v32  }
0x19c: {  	v37 =	vshll.u32 v23, v21;
	v23 =	vmov v41;
	v34 =	vshrl.u32 v34, $0x3;
	[tilespmem:v29+s10+$0x0] =	vst.idx.msk $0xffff, v32  }
0x19d: {  	v32 =	vshll.u32 v34, v21;
	[tilespmem:v29+s8+$0x0] =	vst.idx.msk $0xffff, v30  }
0x19e: {  	v29 =	vbroadcast v32, $0x0;
	v30 =	vshll.u32 v36, v21;
	[tilespmem:s6+$0x30] =	vst v40;
	s6 =	smov.u32 s12  }
0x19f: {  	v31 =	vshll.u32 v31, v21;
	v32 =	vld.idx.msk [tilespmem:v33+s24+$0x0], $0xffff;
	v33 =	vbroadcast v37, $0x0  }
0x1a0: {  	v28 =	vshll.u32 v28, v21;
	v34 =	vshll.u32 v35, v21;
	v48 =	vadd.s32 v10, v29  }
0x1a1: {  	v27 =	vshll.u32 v27, v21;
	s0 =	sadd.s32 $0x7, s11;
	v30 =	vbroadcast v30, $0x0;
	v35 =	vadd.s32 v12, v33  }
0x1a2: {  	v29 =	vmov s0;
	v33 =	vshll.u32 v26, v21  }
0x1a3: {  	v36 =	vbroadcast v27, $0x0;
	v26 =	vshrl.u32 v29, $0x3;
	v29 =	vbroadcast v33, $0x0  }
0x1a4: {  	v27 =	vshrl.u32 v38, $0x3;
	v34 =	vbroadcast v34, $0x0;
	v33 =	vbroadcast v28, $0x0  }
0x1a5: {  	v28 =	vshrl.u32 v42, $0x3;
	v37 =	vmul.f32 v32, v20;
	v41 =	vmul.f32 v32, v18  }
0x1a6: {  	v31 =	vbroadcast v31, $0x0;
	v40 =	vadd.s32 v11, v30;
	v32 =	vmul.f32 v32, v19  }
0x1a7: {  	v30 =	vadd.s32 v16, v34;
	v38 =	vtrunc.f32 v37;
	v39 =	vtrunc.f32 v41  }
0x1a8: {  	v31 =	vadd.s32 v15, v31;
	v34 =	vtrunc.f32 v32;
	v38 =	vcvt.f32.s32 v38  }
0x1a9: {  	v42 =	vcvt.f32.s32 v34;
	v39 =	vcvt.f32.s32 v39;
	v34 =	vadd.s32 v14, v33  }
0x1aa: {  	v33 =	vcvt.s32.f32 v38;
	v51 =	vmul.u32 $0x9E3779B1, v38;
	v38 =	vadd.s32 v13, v36  }
0x1ab: {  	v36 =	vcvt.s32.f32 v42;
	v52 =	vadd.s32 $0x1, v42;
	v44 =	vmul.u32 $0x30025795, v39  }
0x1ac: {  	v46 =	vsub.f32 v37, v33;
	v33 =	vcvt.s32.f32 v39;
	v45 =	vxor.u32 v42, v51  }
0x1ad: {  	v47 =	vsub.f32 v32, v36;
	v39 =	vxor.u32 v51, v52;
	v36 =	vxor.u32 v44, v45  }
0x1ae: {  	v43 =	vsub.f32 $1.000000000e+00, v46;
	v32 =	vshrl.u32 v36, $0x3;
	v37 =	vshrl.u32 v36, $0x2  }
0x1af: {  	v53 =	vsub.f32 $1.000000000e+00, v47;
	v49 =	vand.u32 $0x3FFE0, v37;
	v50 =	vand.u32 $0xF, v32  }
0x1b0: {  	v32 =	vsub.f32 v41, v33;
	v37 =	vmul.f32 v43, v47;
	v33 =	vor.u32 v49, v50  }
0x1b1: {  	v41 =	vmul.f32 v43, v53;
	v49 =	vxor.u32 v44, v39;
	v33 =	vor.u32 s26, v33  }
.Ltmp3:
0x1b2: {  	v43 =	vsub.f32 $1.000000000e+00, v32;
	v54 =	vshrl.u32 v49, $0x3;
	v50 =	vor.u32 $0x10, v33;
	(pc) =	sbr.rel @p0 .LBB2_9-.Ltmp3, $4  }
0x1b3: {  	v54 =	vand.u32 $0xF, v54;
	[tilespmem:v48+s9+$0x0] =	vst.idx.msk $0xffff, v33;
	v33 =	vand.u32 $0x7, v36;
	v36 =	vshrl.u32 v49, $0x2  }
0x1b4: {  	v55 =	vmul.f32 v41, v43;
	[tilespmem:v48+s10+$0x0] =	vst.idx.msk $0xffff, v50;
	v56 =	vand.u32 $0x3FFE0, v36;
	v50 =	vmul.f32 v37, v43  }
0x1b5: {  	s25 =	sadd.s32 $0x1, s25;
	v57 =	vadd.s32 $0x9E3779B1, v51;
	v36 =	vmul.f32 v53, v46;
	[tilespmem:v48+s8+$0x0] =	vst.idx.msk $0xffff, v33;
	v51 =	vor.u32 v56, v54  }
0x1b6: {  	s2 =	smov.u32 s4;
	v33 =	vmov s25;
	v48 =	vxor.u32 v42, v57;
	v42 =	vxor.u32 v52, v57;
	[tilespmem:s12+$0xFFFFFFC0] =	vst v55  }
0x1b7: {  	_ =	sdelay $0x2  }
0x1b8: {  	v52 =	vxor.u32 v44, v48;
	v51 =	vor.u32 s18, v51  }
0x1b9: {  	v53 =	vshrl.u32 v52, $0x3;
	v54 =	vshrl.u32 v52, $0x2;
	[tilespmem:v40+s9+$0x0] =	vst.idx.msk $0xffff, v51;
	v51 =	vor.u32 $0x10, v51  }
0x1ba: {  	v49 =	vand.u32 $0x7, v49;
	v53 =	vand.u32 $0xF, v53;
	[tilespmem:v40+s10+$0x0] =	vst.idx.msk $0xffff, v51;
	v61 =	vand.u32 $0x3FFE0, v54  }
0x1bb: {  	[tilespmem:v40+s8+$0x0] =	vst.idx.msk $0xffff, v49;
	v62 =	vor.u32 v61, v53  }
0x1bc: {  	v63 =	vmul.f32 v36, v43;
	v56 =	vxor.u32 v44, v42;
	[tilespmem:s6+$0xFFFFFFD0] =	vst v50;
	v40 =	vor.u32 s18, v62  }
0x1bd: {  	v57 =	vshrl.u32 v56, $0x3;
	v58 =	vshrl.u32 v56, $0x2;
	[tilespmem:v35+s9+$0x0] =	vst.idx.msk $0xffff, v40;
	v40 =	vor.u32 $0x10, v40  }
0x1be: {  	v52 =	vand.u32 $0x7, v52;
	v51 =	vand.u32 $0x3FFE0, v58;
	v50 =	vand.u32 $0xF, v57;
	[tilespmem:v35+s10+$0x0] =	vst.idx.msk $0xffff, v40  }
0x1bf: {  	v54 =	vadd.s32 $0x30025795, v44;
	v44 =	vand.u32 $0x7, v56;
	v60 =	vor.u32 v51, v50;
	[tilespmem:v35+s8+$0x0] =	vst.idx.msk $0xffff, v52  }
0x1c0: {  	v59 =	vxor.u32 v54, v45;
	v45 =	vor.u32 s18, v60;
	v35 =	vmul.f32 v46, v47;
	[tilespmem:s6+$0xFFFFFFE0] =	vst v63  }
0x1c1: {  	v61 =	vshrl.u32 v59, $0x2;
	v62 =	vshrl.u32 v59, $0x3;
	v63 =	vor.u32 $0x10, v45;
	[tilespmem:v38+s9+$0x0] =	vst.idx.msk $0xffff, v45  }
0x1c2: {  	v50 =	vand.u32 $0xF, v62;
	v46 =	vand.u32 $0x3FFE0, v61;
	v51 =	vmul.f32 v43, v35;
	[tilespmem:v38+s10+$0x0] =	vst.idx.msk $0xffff, v63  }
0x1c3: {  	v39 =	vxor.u32 v54, v39;
	v45 =	vor.u32 v46, v50;
	[tilespmem:v38+s8+$0x0] =	vst.idx.msk $0xffff, v44  }
0x1c4: {  	v55 =	vshrl.u32 v39, $0x3;
	v53 =	vor.u32 s18, v45;
	[tilespmem:s6+$0xFFFFFFF0] =	vst v51  }
0x1c5: {  	v56 =	vshrl.u32 v39, $0x2;
	v57 =	vmul.f32 v41, v32;
	v45 =	vor.u32 $0x10, v53;
	[tilespmem:v34+s9+$0x0] =	vst.idx.msk $0xffff, v53  }
0x1c6: {  	v58 =	vand.u32 $0x3FFE0, v56;
	v52 =	vand.u32 $0x7, v59;
	v43 =	vand.u32 $0xF, v55;
	[tilespmem:v34+s10+$0x0] =	vst.idx.msk $0xffff, v45  }
0x1c7: {  	v41 =	vor.u32 v58, v43;
	[tilespmem:v34+s8+$0x0] =	vst.idx.msk $0xffff, v52  }
0x1c8: {  	v37 =	vmul.f32 v37, v32;
	v59 =	vxor.u32 v54, v48;
	v61 =	vor.u32 s18, v41;
	[tilespmem:s6+$0x0] =	vst v57  }
0x1c9: {  	v60 =	vshrl.u32 v59, $0x2;
	v62 =	vshrl.u32 v59, $0x3;
	v41 =	vor.u32 $0x10, v61;
	[tilespmem:v31+s9+$0x0] =	vst.idx.msk $0xffff, v61  }
0x1ca: {  	v39 =	vand.u32 $0x7, v39;
	v63 =	vand.u32 $0xF, v62;
	v34 =	vand.u32 $0x3FFE0, v60;
	[tilespmem:v31+s10+$0x0] =	vst.idx.msk $0xffff, v41  }
0x1cb: {  	v29 =	vadd.s32 v17, v29;
	v34 =	vor.u32 v34, v63;
	[tilespmem:v31+s8+$0x0] =	vst.idx.msk $0xffff, v39  }
0x1cc: {  	v48 =	vmul.f32 v36, v32;
	v43 =	vxor.u32 v54, v42;
	v34 =	vor.u32 s18, v34;
	[tilespmem:s6+$0x10] =	vst v37  }
0x1cd: {  	v46 =	vshrl.u32 v43, $0x3;
	v45 =	vshrl.u32 v43, $0x2;
	[tilespmem:v30+s9+$0x0] =	vst.idx.msk $0xffff, v34;
	v34 =	vor.u32 $0x10, v34  }
0x1ce: {  	v47 =	vand.u32 $0x7, v59;
	v31 =	vand.u32 $0x3FFE0, v45;
	v37 =	vand.u32 $0xF, v46;
	[tilespmem:v30+s10+$0x0] =	vst.idx.msk $0xffff, v34  }
0x1cf: {  	v31 =	vor.u32 v31, v37;
	[tilespmem:v30+s8+$0x0] =	vst.idx.msk $0xffff, v47  }
0x1d0: {  	v49 =	vor.u32 s18, v31;
	[tilespmem:s6+$0x20] =	vst v48  }
0x1d1: {  	v30 =	vor.u32 $0x10, v49;
	[tilespmem:v29+s9+$0x0] =	vst.idx.msk $0xffff, v49  }
0x1d2: {  	v50 =	vmul.f32 v35, v32;
	v51 =	vand.u32 $0x7, v43;
	[tilespmem:v29+s10+$0x0] =	vst.idx.msk $0xffff, v30  }
0x1d3: {  	[tilespmem:v29+s8+$0x0] =	vst.idx.msk $0xffff, v51  }
0x1d4: {  	[tilespmem:s6+$0x30] =	vst v50  }
0x1d5: {  	v25 =	vshrl.u32 v25, $0x3;
	v30 =	vld.idx.msk [tilespmem:v33+s24+$0x0], $0xffff  }
0x1d6: {  	v24 =	vshrl.u32 v24, $0x3;
	v22 =	vshrl.u32 v22, $0x3;
	v23 =	vshll.u32 v23, v21  }
0x1d7: {  	v27 =	vshll.u32 v27, v21;
	v28 =	vshll.u32 v28, v21;
	v22 =	vshll.u32 v22, v21  }
0x1d8: {  	v23 =	vbroadcast v23, $0x0;
	v24 =	vshll.u32 v24, v21;
	v52 =	vmov s11  }
0x1d9: {  	v27 =	vbroadcast v27, $0x0;
	v28 =	vbroadcast v28, $0x0;
	v29 =	vshrl.u32 v52, $0x3  }
0x1da: {  	v22 =	vbroadcast v22, $0x0;
	v29 =	vshll.u32 v29, v21;
	v20 =	vmul.f32 v30, v20  }
0x1db: {  	v25 =	vshll.u32 v25, v21;
	v29 =	vbroadcast v29, $0x0;
	v19 =	vmul.f32 v30, v19  }
0x1dc: {  	v23 =	vadd.s32 v12, v23;
	v18 =	vmul.f32 v30, v18;
	v53 =	vtrunc.f32 v20  }
0x1dd: {  	v22 =	vadd.s32 v11, v22;
	v54 =	vtrunc.f32 v19;
	v30 =	vcvt.f32.s32 v53  }
0x1de: {  	v21 =	vshll.u32 v26, v21;
	v55 =	vtrunc.f32 v18;
	v26 =	vcvt.f32.s32 v54  }
0x1df: {  	v29 =	vadd.s32 v10, v29;
	v31 =	vcvt.f32.s32 v55;
	v56 =	vcvt.s32.f32 v30  }
0x1e0: {  	v30 =	vmul.u32 $0x9E3779B1, v30;
	v57 =	vcvt.s32.f32 v26;
	v34 =	vadd.s32 $0x1, v26  }
0x1e1: {  	v35 =	vmul.u32 $0x30025795, v31;
	v31 =	vcvt.s32.f32 v31;
	v20 =	vsub.f32 v20, v56  }
0x1e2: {  	v32 =	vxor.u32 v26, v30;
	v19 =	vsub.f32 v19, v57;
	v36 =	vxor.u32 v30, v34  }
0x1e3: {  	v18 =	vsub.f32 v18, v31;
	v30 =	vadd.s32 $0x9E3779B1, v30;
	v58 =	vxor.u32 v35, v32  }
0x1e4: {  	v63 =	vxor.u32 v35, v36;
	v26 =	vxor.u32 v26, v30;
	v30 =	vxor.u32 v34, v30  }
0x1e5: {  	v59 =	vsub.f32 $1.000000000e+00, v20;
	v60 =	vshrl.u32 v58, $0x3;
	v61 =	vshrl.u32 v58, $0x2  }
0x1e6: {  	v62 =	vsub.f32 $1.000000000e+00, v19;
	v39 =	vand.u32 $0x3FFE0, v61;
	v38 =	vand.u32 $0xF, v60  }
0x1e7: {  	s18 =	sadd.s32 $0x40000, s26;
	v41 =	vsub.f32 $1.000000000e+00, v18;
	v49 =	vshrl.u32 v63, $0x3;
	v38 =	vor.u32 v39, v38  }
0x1e8: {  	s21 =	simm.s32 $0x30;
	v33 =	vand.u32 $0x7, v58;
	v37 =	vmul.f32 v59, v62;
	v38 =	vor.u32 s18, v38  }
0x1e9: {  	s4 =	simm.s32 $0x7B0;
	v50 =	vshrl.u32 v63, $0x2;
	v54 =	vxor.u32 v35, v26;
	v48 =	vor.u32 $0x10, v38;
	[tilespmem:v29+s21+$0x0] =	vst.idx.msk $0xffff, v38  }
0x1ea: {  	v43 =	vand.u32 $0xF, v49;
	v51 =	vmul.f32 v37, v41;
	v38 =	vand.u32 $0x3FFE0, v50;
	[tilespmem:v29+s4+$0x0] =	vst.idx.msk $0xffff, v48  }
0x1eb: {  	s25 =	sadd.s32 $0x80, s12;
	v34 =	vadd.s32 $0x30025795, v35;
	v35 =	vxor.u32 v35, v30;
	v53 =	vor.u32 v38, v43;
	[tilespmem:v29+s8+$0x0] =	vst.idx.msk $0xffff, v33  }
0x1ec: {  	v55 =	vshrl.u32 v54, $0x3;
	v31 =	vmul.f32 v59, v19;
	v29 =	vor.u32 s18, v53;
	[tilespmem:s25+$0xFFFFFFC0] =	vst v51  }
0x1ed: {  	v56 =	vshrl.u32 v54, $0x2;
	v39 =	vand.u32 $0x7, v63;
	[tilespmem:v22+s21+$0x0] =	vst.idx.msk $0xffff, v29;
	v29 =	vor.u32 $0x10, v29  }
0x1ee: {  	v40 =	vand.u32 $0xF, v55;
	v57 =	vand.u32 $0x3FFE0, v56;
	v52 =	vmul.f32 v31, v41;
	[tilespmem:v22+s4+$0x0] =	vst.idx.msk $0xffff, v29  }
0x1ef: {  	v27 =	vadd.s32 v13, v27;
	v60 =	vshrl.u32 v35, $0x3;
	v58 =	vor.u32 v57, v40;
	[tilespmem:v22+s8+$0x0] =	vst.idx.msk $0xffff, v39  }
0x1f0: {  	v61 =	vshrl.u32 v35, $0x2;
	v33 =	vmul.f32 v62, v20;
	v22 =	vor.u32 s18, v58;
	[tilespmem:s25+$0xFFFFFFD0] =	vst v52  }
0x1f1: {  	v19 =	vmul.f32 v20, v19;
	v40 =	vand.u32 $0x3FFE0, v61;
	[tilespmem:v23+s21+$0x0] =	vst.idx.msk $0xffff, v22;
	v22 =	vor.u32 $0x10, v22  }
0x1f2: {  	v38 =	vand.u32 $0x7, v54;
	v59 =	vmul.f32 v33, v41;
	v39 =	vand.u32 $0xF, v60;
	[tilespmem:v23+s4+$0x0] =	vst.idx.msk $0xffff, v22  }
0x1f3: {  	v28 =	vadd.s32 v14, v28;
	v45 =	vand.u32 $0x7, v35;
	v39 =	vor.u32 v40, v39;
	[tilespmem:v23+s8+$0x0] =	vst.idx.msk $0xffff, v38  }
0x1f4: {  	v63 =	vxor.u32 v34, v32;
	v46 =	vmul.f32 v41, v19;
	v42 =	vor.u32 s18, v39;
	[tilespmem:s25+$0xFFFFFFE0] =	vst v59  }
0x1f5: {  	v43 =	vshrl.u32 v63, $0x3;
	v40 =	vshrl.u32 v63, $0x2;
	v32 =	vor.u32 $0x10, v42;
	[tilespmem:v27+s21+$0x0] =	vst.idx.msk $0xffff, v42  }
0x1f6: {  	v62 =	vbroadcast v24, $0x0;
	v44 =	vand.u32 $0xF, v43;
	v20 =	vand.u32 $0x3FFE0, v40;
	[tilespmem:v27+s4+$0x0] =	vst.idx.msk $0xffff, v32  }
0x1f7: {  	v25 =	vbroadcast v25, $0x0;
	v47 =	vand.u32 $0x7, v63;
	v20 =	vor.u32 v20, v44;
	[tilespmem:v27+s8+$0x0] =	vst.idx.msk $0xffff, v45  }
0x1f8: {  	v48 =	vxor.u32 v34, v36;
	v22 =	vadd.s32 v15, v62;
	v20 =	vor.u32 s18, v20;
	[tilespmem:s25+$0xFFFFFFF0] =	vst v46  }
0x1f9: {  	v49 =	vshrl.u32 v48, $0x3;
	v50 =	vshrl.u32 v48, $0x2;
	v51 =	vor.u32 $0x10, v20;
	[tilespmem:v28+s21+$0x0] =	vst.idx.msk $0xffff, v20  }
0x1fa: {  	v29 =	vand.u32 $0x3FFE0, v50;
	v52 =	vmul.f32 v37, v18;
	v27 =	vand.u32 $0xF, v49;
	[tilespmem:v28+s4+$0x0] =	vst.idx.msk $0xffff, v51  }
0x1fb: {  	v21 =	vbroadcast v21, $0x0;
	v26 =	vxor.u32 v34, v26;
	v27 =	vor.u32 v29, v27;
	[tilespmem:v28+s8+$0x0] =	vst.idx.msk $0xffff, v47  }
0x1fc: {  	v55 =	vshrl.u32 v26, $0x3;
	v53 =	vadd.s32 v16, v25;
	v27 =	vor.u32 s18, v27;
	[tilespmem:s25+$0x0] =	vst v52  }
0x1fd: {  	v57 =	vmul.f32 v31, v18;
	v54 =	vshrl.u32 v26, $0x2;
	v56 =	vor.u32 $0x10, v27;
	[tilespmem:v22+s21+$0x0] =	vst.idx.msk $0xffff, v27  }
0x1fe: {  	v25 =	vand.u32 $0x3FFE0, v54;
	v24 =	vand.u32 $0x7, v48;
	v20 =	vand.u32 $0xF, v55;
	[tilespmem:v22+s4+$0x0] =	vst.idx.msk $0xffff, v56  }
0x1ff: {  	v21 =	vadd.s32 v17, v21;
	v20 =	vor.u32 v25, v20;
	[tilespmem:v22+s8+$0x0] =	vst.idx.msk $0xffff, v24  }
0x200: {  	v61 =	vand.u32 $0x7, v26;
	v58 =	vxor.u32 v34, v30;
	v20 =	vor.u32 s18, v20;
	[tilespmem:s25+$0x10] =	vst v57  }
0x201: {  	v60 =	vshrl.u32 v58, $0x3;
	v59 =	vshrl.u32 v58, $0x2;
	[tilespmem:v53+s21+$0x0] =	vst.idx.msk $0xffff, v20;
	v20 =	vor.u32 $0x10, v20  }
0x202: {  	v62 =	vmul.f32 v33, v18;
	v22 =	vand.u32 $0x3FFE0, v59;
	v24 =	vand.u32 $0xF, v60;
	[tilespmem:v53+s4+$0x0] =	vst.idx.msk $0xffff, v20  }
0x203: {  	v22 =	vor.u32 v22, v24;
	[tilespmem:v53+s8+$0x0] =	vst.idx.msk $0xffff, v61  }
0x204: {  	v63 =	vor.u32 s18, v22;
	[tilespmem:s25+$0x20] =	vst v62  }
0x205: {  	v20 =	vor.u32 $0x10, v63;
	[tilespmem:v21+s21+$0x0] =	vst.idx.msk $0xffff, v63  }
0x206: {  	v18 =	vmul.f32 v19, v18;
	v19 =	vand.u32 $0x7, v58;
	[tilespmem:v21+s4+$0x0] =	vst.idx.msk $0xffff, v20  }
0x207: {  	[tilespmem:v21+s8+$0x0] =	vst.idx.msk $0xffff, v19  }
0x208: {  	s0 =	simm.s32 $0x16B0;
	s31 =	simm.s32 $0x8EB0;
	s11 =	simm.s32 $0x78;
	[tilespmem:s25+$0x30] =	vst v18  }
0x209: {  	[tilespmem:s0], [sflag:$0x1] =	stream.indirect.gather [hbm4b:s15+s11], $0x8, s21, s11, $0xb8;
	[tilespmem:$0x17EF0] =	vst v63  }
0x20a: {  	s3 =	simm.s32 $0x3C0;
	s2 =	simm.s32 $0x828;
	s26 =	simm.s32 $0x52B0  }
0x20b: {  	[tilespmem:s26], [sflag:$0x1] =	stream.indirect.gather [hbm4b:s15+s11], $0x8, s4, s11, $0xb8;
	[tilespmem:$0x17EF0] =	vst v63  }
0x20c: {  	s9 =	simm.s32 $0x1E00;
	s10 =	simm.s32 $0xCAB0;
	s6 =	simm.s32 $0xA8  }
0x20d: {  	[tilespmem:s31], [sflag:$0x1] =	stream.indirect.gather [hbm4b:s16+s11], $0x8, s21, s11, $0xb8;
	[tilespmem:$0x17EF0] =	vst v63  }
.LBB2_11:
0x20e: {  	[tilespmem:s10], [sflag:$0x1] =	stream.indirect.gather [hbm4b:s16+s11], $0x8, s4, s11, $0xb8;
	[tilespmem:$0x17EF0] =	vst v63  }
0x20f: {  	s0 =	smov.u32 s3  }
0x210: {  	s3 =	smov.u32 s9;
	s4 =	smov.u32 s2;
	s7 =	sadd.s32 $0xF00, s9  }
0x211: {  	p0 =	sne.s32 s9, $0xE100;
	s3 =	sshra.s32 s3, $0x2;
	s8 =	sadd.s32 $0x16B0, s0  }
0x212: {  	[tilespmem:s8], [sflag:$0x1] =	stream.indirect.gather [hbm4b:s15+s11], $0x8, s6, s11, $0xb8;
	[tilespmem:$0x17EF0] =	vst v63  }
.Ltmp4:
0x213: {  	s8 =	sadd.s32 $0x52B0, s0;
	(pc) =	sbr.rel @p0 .LBB2_11-.Ltmp4, $4  }
0x214: {  	[tilespmem:s8], [sflag:$0x1] =	stream.indirect.gather [hbm4b:s15+s11], $0x8, s2, s11, $0xb8;
	[tilespmem:$0x17EF0] =	vst v63  }
0x215: {  	s10 =	sadd.s32 $0xCAB0, s0;
	s8 =	sadd.s32 $0x8EB0, s0  }
0x216: {  	[tilespmem:s8], [sflag:$0x1] =	stream.indirect.gather [hbm4b:s16+s11], $0x8, s6, s11, $0xb8;
	[tilespmem:$0x17EF0] =	vst v63  }
0x217: {  	s9 =	smov.u32 s7;
	s2 =	sadd.s32 $0x78, s2;
	s6 =	sadd.s32 $0x78, s6  }
0x218: {  	[tilespmem:s10], [sflag:$0x1] =	stream.indirect.gather [hbm4b:s16+s11], $0x8, s4, s11, $0xb8;
	[tilespmem:$0x17EF0] =	vst v63  }
0x219: {  	s0 =	sadd.s32 $0x16B0, s3  }
0x21a: {  	[tilespmem:s0], [sflag:$0x1] =	stream.indirect.gather [hbm4b:s15+s11], $0x8, s6, s11, $0xb8;
	[tilespmem:$0x17EF0] =	vst v63  }
0x21b: {  	s25 =	sadd.s32 $0x52B0, s3  }
0x21c: {  	[tilespmem:s25], [sflag:$0x1] =	stream.indirect.gather [hbm4b:s15+s11], $0x8, s2, s11, $0xb8;
	[tilespmem:$0x17EF0] =	vst v63  }
0x21d: {  	s26 =	sadd.s32 $0x8EB0, s3  }
0x21e: {  	[tilespmem:s26], [sflag:$0x1] =	stream.indirect.gather [hbm4b:s16+s11], $0x8, s6, s11, $0xb8;
	[tilespmem:$0x17EF0] =	vst v63  }
0x21f: {  	s31 =	sadd.s32 $0xCAB0, s3  }
0x220: {  	[tilespmem:s31], [sflag:$0x1] =	stream.indirect.gather [hbm4b:s16+s11], $0x8, s2, s11, $0xb8;
	[tilespmem:$0x17EF0] =	vst v63  }
0x221: {  	_ =	swait.ge [sflag:s29], $0x3C0  }
0x222: {  	[sflag:s29] =	ssyncset.done $0x0  }
0x223: {  	[sflag:s29] =	ssyncadd.s32 $0xFFFFFC40  }
0x224: {  	_ =	swait.ge [sflag:s29], $0x3C0  }
0x225: {  	[sflag:s29] =	ssyncset.done $0x0  }
0x226: {  	[sflag:s29] =	ssyncadd.s32 $0xFFFFFC40  }
0x227: {  	_ =	swait.ge [sflag:s29], $0x3C0  }
0x228: {  	[sflag:s29] =	ssyncset.done $0x0  }
0x229: {  	[sflag:s29] =	ssyncadd.s32 $0xFFFFFC40  }
0x22a: {  	s14 =	simm.s32 $0x16B0;
	s4 =	simm.s32 $0x8EB0;
	_ =	swait.ge [sflag:s29], $0x3C0  }
0x22b: {  	vm7 =	vcmask $0xF0C;
	s25 =	simm.s32 $0x52B0;
	s2 =	simm.s32 $0xF;
	[sflag:s29] =	ssyncset.done $0x0  }
.LBB2_13:
0x22c: {  	p0 =	sne.s32 s2, $0x1;
	s2 =	sadd.s32 $0xFFFFFFFF, s2;
	[sflag:s29] =	ssyncadd.s32 $0xFFFFFC40  }
0x22d: {  	_ =	swait.ge [sflag:s29], $0x3C0  }
0x22e: {  	[sflag:s29] =	ssyncset.done $0x0  }
0x22f: {  	[sflag:s29] =	ssyncadd.s32 $0xFFFFFC40  }
0x230: {  	_ =	swait.ge [sflag:s29], $0x3C0  }
0x231: {  	[sflag:s29] =	ssyncset.done $0x0  }
0x232: {  	[sflag:s29] =	ssyncadd.s32 $0xFFFFFC40  }
.Ltmp5:
0x233: {  	_ =	swait.ge [sflag:s29], $0x3C0;
	(pc) =	sbr.rel @p0 .LBB2_13-.Ltmp5, $4  }
0x234: {  	[sflag:s29] =	ssyncset.done $0x0  }
0x235: {  	[sflag:s29] =	ssyncadd.s32 $0xFFFFFC40  }
0x236: {  	_ =	swait.ge [sflag:s29], $0x3C0  }
0x237: {  	[sflag:s29] =	ssyncset.done $0x0  }
0x238: {  	s2 =	simm.s32 $0x0  }
0x239: {  	s0 =	simm.s32 $0x5;
	v19 =	vadd.s32 s2, v10  }
0x23a: {  	s3 =	simm.s32 $0x1;
	[sflag:s29] =	ssyncadd.s32 $0xFFFFFC40;
	s12 =	simm.s32 $0x106F0;
	v21 =	vmov s0  }
0x23b: {  	v23 =	vmov s3;
	v40 =	vld [tilespmem:s12+$0xFFFFFFE0];
	v18 =	vand.u32 $0xFFFFFFF8, v21  }
0x23c: {  	s10 =	simm.s32 $0x2;
	v59 =	vld [tilespmem:s12+$0xFFFFFFC0];
	v20 =	vand.u32 $0xFFFFFFF8, v23;
	v22 =	vadd.s32 v15, v18  }
0x23d: {  	s8 =	simm.s32 $0xF30;
	s11 =	simm.s32 $0x7;
	s18 =	simm.s32 $0x6;
	v24 =	vmov s10;
	v60 =	vld [tilespmem:s12+$0xFFFFFFD0];
	v20 =	vadd.s32 v11, v20  }
0x23e: {  	s21 =	simm.s32 $0x3;
	v28 =	vmov s11;
	v30 =	vmov s18;
	v25 =	vld.idx.msk [tilespmem:v19+s8+$0x0], $0xffff;
	v19 =	vand.u32 $0xFFFFFFF8, v24  }
0x23f: {  	v33 =	vmov s21;
	v32 =	vshll.u32 v21, $0x3;
	v21 =	vld [tilespmem:s12+$0x10];
	v26 =	vadd.s32 v12, v19  }
0x240: {  	s26 =	simm.s32 $0x4;
	v35 =	vmov s2;
	v34 =	vand.u32 $0xFFFFFFF8, v30;
	v38 =	vshll.u32 v23, $0x3;
	v23 =	vld [tilespmem:s12+$0xFFFFFFF0]  }
0x241: {  	v39 =	vmov s26;
	v36 =	vand.u32 $0xFFFFFFF8, v33;
	v34 =	vadd.s32 v16, v34;
	v27 =	vld.idx.msk [tilespmem:v22+s8+$0x0], $0xffff  }
0x242: {  	v35 =	vshll.u32 v35, $0x3;
	v56 =	vand.u32 $0xFFFFFFF8, v39;
	v36 =	vadd.s32 v13, v36;
	v29 =	vld.idx.msk [tilespmem:v20+s8+$0x0], $0xffff  }
0x243: {  	v18 =	vld [tilespmem:s12+$0x30];
	v19 =	vmul.u32 $0x3C0, v0;
	v22 =	vand.u32 $0xFFFFFFF8, v28;
	v37 =	vand.u32 $0xFFFFFFF8, v25  }
0x244: {  	v31 =	vadd.s32 v17, v22;
	v25 =	vand.u32 $0x7, v25;
	v26 =	vld.idx.msk [tilespmem:v26+s8+$0x0], $0xffff;
	v35 =	vadd.s32 v37, v35  }
0x245: {  	v58 =	vadd.s32 v14, v56;
	v20 =	vld [tilespmem:s12+$0x20];
	v25 =	vor.u32 v25, v35  }
0x246: {  	v34 =	vld.idx.msk [tilespmem:v34+s8+$0x0], $0xffff;
	v54 =	vand.u32 $0x7, v27;
	v27 =	vand.u32 $0xFFFFFFF8, v27;
	v25 =	vadd.s32 v19, v25  }
0x247: {  	v24 =	vshll.u32 v24, $0x3;
	v57 =	vld.idx.msk [tilespmem:v36+s8+$0x0], $0xffff;
	v55 =	vand.u32 $0xFFFFFFF8, v29;
	v27 =	vadd.s32 v27, v32  }
0x248: {  	v22 =	vld [tilespmem:s12+$0x0];
	v29 =	vand.u32 $0x7, v29;
	v35 =	vadd.s32 v55, v38;
	v27 =	vor.u32 v54, v27  }
0x249: {  	v31 =	vld.idx.msk [tilespmem:v31+s8+$0x0], $0xffff;
	v29 =	vor.u32 v29, v35;
	v38 =	vadd.s32 v19, v27;
	v27 =	vand.u32 $0xFFFFFFF8, v26  }
0x24a: {  	v29 =	vadd.s32 v19, v29;
	v24 =	vadd.s32 v27, v24;
	v27 =	vld.idx.msk [tilespmem:v58+s8+$0x0], $0xffff  }
0x24b: {  	s3 =	simm.s32 $0xCAB0;
	v41 =	vld.idx.msk [tilespmem:v25+s25+$0x0], $0xffff  }
0x24c: {  	v42 =	vld.idx.msk [tilespmem:v25+s3+$0x0], $0xffff  }
0x24d: {  	v45 =	vld.idx.msk [tilespmem:v25+s4+$0x0], $0xffff  }
0x24e: {  	v26 =	vand.u32 $0x7, v26;
	v25 =	vld.idx.msk [tilespmem:v25+s14+$0x0], $0xffff  }
0x24f: {  	v24 =	vor.u32 v26, v24;
	v61 =	vld.idx.msk [tilespmem:v29+s4+$0x0], $0xffff  }
0x250: {  	v26 =	vadd.s32 v19, v24;
	v43 =	vld.idx.msk [tilespmem:v38+s14+$0x0], $0xffff  }
0x251: {  	v33 =	vshll.u32 v33, $0x3;
	v44 =	vand.u32 $0xFFFFFFF8, v57;
	v24 =	vld.idx.msk [tilespmem:v38+s4+$0x0], $0xffff  }
0x252: {  	v33 =	vadd.s32 v44, v33;
	v35 =	vand.u32 $0x7, v57;
	v62 =	vld.idx.msk [tilespmem:v29+s3+$0x0], $0xffff  }
0x253: {  	v33 =	vor.u32 v35, v33;
	v63 =	vld.idx.msk [tilespmem:v29+s25+$0x0], $0xffff  }
0x254: {  	v33 =	vadd.s32 v19, v33;
	v29 =	vld.idx.msk [tilespmem:v29+s14+$0x0], $0xffff  }
0x255: {  	v39 =	vshll.u32 v39, $0x3;
	v30 =	vshll.u32 v30, $0x3;
	v28 =	vshll.u32 v28, $0x3;
	v47 =	vld.idx.msk [tilespmem:v26+s14+$0x0], $0xffff  }
0x256: {  	v49 =	vand.u32 $0xFFFFFFF8, v31;
	v46 =	vand.u32 $0xFFFFFFF8, v27;
	v27 =	vand.u32 $0x7, v27;
	v52 =	vld.idx.msk [tilespmem:v26+s3+$0x0], $0xffff  }
0x257: {  	v39 =	vadd.s32 v46, v39;
	v54 =	vmul.f32 v41, v59;
	v32 =	vmul.f32 v25, v59;
	v48 =	vld.idx.msk [tilespmem:v26+s4+$0x0], $0xffff  }
0x258: {  	v27 =	vor.u32 v27, v39;
	v50 =	vld.idx.msk [tilespmem:v26+s25+$0x0], $0xffff;
	v26 =	vadd.s32 v49, v28;
	v28 =	vand.u32 $0x7, v31  }
0x259: {  	v57 =	vld.idx.msk [tilespmem:v33+s4+$0x0], $0xffff;
	v53 =	vadd.s32 v19, v27;
	v27 =	vand.u32 $0xFFFFFFF8, v34;
	v34 =	vand.u32 $0x7, v34  }
0x25a: {  	v28 =	vor.u32 v28, v26;
	v58 =	vmul.f32 v63, v60;
	v27 =	vadd.s32 v27, v30;
	v30 =	vld.idx.msk [tilespmem:v33+s3+$0x0], $0xffff  }
0x25b: {  	v25 =	vadd.s32 v19, v28;
	v28 =	vadd.f32 $0.0e+00, v54;
	v31 =	vor.u32 v34, v27;
	v27 =	vld.idx.msk [tilespmem:v33+s25+$0x0], $0xffff  }
0x25c: {  	v42 =	vmul.f32 v42, v59;
	v44 =	vmul.f32 v62, v60;
	v33 =	vld.idx.msk [tilespmem:v33+s14+$0x0], $0xffff;
	v26 =	vadd.s32 v19, v31  }
0x25d: {  	v31 =	vmul.f32 v45, v59;
	v34 =	vadd.f32 v58, v28;
	v28 =	vadd.f32 $0.0e+00, v32;
	v32 =	vld.idx.msk [tilespmem:v38+s25+$0x0], $0xffff  }
0x25e: {  	v42 =	vadd.f32 $0.0e+00, v42;
	v29 =	vmul.f32 v29, v60;
	v36 =	vmul.f32 v61, v60;
	v56 =	vld.idx.msk [tilespmem:v53+s14+$0x0], $0xffff  }
0x25f: {  	v47 =	vmul.f32 v47, v40;
	v60 =	vmul.f32 v52, v40;
	v31 =	vadd.f32 $0.0e+00, v31;
	v59 =	vld.idx.msk [tilespmem:v53+s4+$0x0], $0xffff  }
0x260: {  	v55 =	vadd.f32 v44, v42;
	v61 =	vmul.f32 v48, v40;
	v62 =	vmul.f32 v50, v40;
	v35 =	vld.idx.msk [tilespmem:v53+s3+$0x0], $0xffff  }
0x261: {  	v63 =	vadd.f32 v29, v28;
	v31 =	vadd.f32 v36, v31;
	v36 =	vmul.f32 v30, v23;
	v30 =	vld.idx.msk [tilespmem:v38+s3+$0x0], $0xffff  }
0x262: {  	s31 =	simm.s32 $0x8EB0;
	s6 =	simm.s32 $0x5;
	v29 =	vmul.f32 v43, v21;
	v40 =	vadd.f32 v60, v55;
	v41 =	vmul.f32 v33, v23;
	v33 =	vld.idx.msk [tilespmem:v53+s25+$0x0], $0xffff  }
0x263: {  	s9 =	simm.s32 $0x6;
	s7 =	simm.s32 $0x10E30;
	s18 =	simm.s32 $0x7;
	v43 =	vmul.f32 v57, v23;
	v38 =	vadd.f32 v62, v34;
	v42 =	vadd.f32 v47, v63;
	v28 =	vld.idx.msk [tilespmem:v26+s4+$0x0], $0xffff  }
0x264: {  	s10 =	simm.s32 $0x4;
	s26 =	simm.s32 $0x8;
	s11 =	simm.s32 $0x7;
	v34 =	vld.idx.msk [tilespmem:v26+s14+$0x0], $0xffff;
	v37 =	vadd.f32 v61, v31;
	v31 =	vmul.f32 v56, v22;
	v39 =	vmul.f32 v59, v22  }
.LBB2_15:
0x265: {  	p0 =	sne.s32 s26, $0x70  }
0x266: {  	v23 =	vmul.f32 v27, v23;
	v27 =	vadd.f32 v36, v40;
	v35 =	vmul.f32 v35, v22;
	v36 =	vld.idx.msk [tilespmem:v25+s14+$0x0], $0xffff;
	s18 =	sadd.s32 $0x4, s18;
	s12 =	sadd.s32 $0x80, s12;
	s4 =	smov.u32 s26  }
0x267: {  	s26 =	sadd.s32 $0x8, s26;
	v32 =	vmul.f32 v32, v21;
	s0 =	sadd.s32 $0xFFFFFFFD, s18;
	s2 =	sadd.s32 $0xFFFFFFFE, s18;
	v40 =	vadd.f32 v41, v42;
	v37 =	vadd.f32 v43, v37;
	v41 =	vld.idx.msk [tilespmem:v26+s3+$0x0], $0xffff  }
0x268: {  	s21 =	simm.s32 $0xCAB0;
	s3 =	sadd.s32 $0xFFFFFFFF, s18;
	v30 =	vmul.f32 v30, v21;
	v23 =	vadd.f32 v23, v38;
	v27 =	vadd.f32 v35, v27;
	v26 =	vld.idx.msk [tilespmem:v26+s25+$0x0], $0xffff  }
0x269: {  	v21 =	vmul.f32 v24, v21;
	v31 =	vadd.f32 v31, v40;
	v35 =	vadd.f32 v39, v37;
	v24 =	vld.idx.msk [tilespmem:v25+s25+$0x0], $0xffff  }
0x26a: {  	v28 =	vmul.f32 v28, v20;
	v22 =	vmul.f32 v33, v22;
	v27 =	vadd.f32 v30, v27;
	v30 =	vld.idx.msk [tilespmem:v25+s21+$0x0], $0xffff  }
0x26b: {  	v29 =	vadd.f32 v29, v31;
	v21 =	vadd.f32 v21, v35;
	v31 =	vmul.f32 v34, v20;
	v25 =	vld.idx.msk [tilespmem:v25+s31+$0x0], $0xffff  }
0x26c: {  	v33 =	vor.u32 s10, v3;
	s10 =	smov.u32 s0;
	v22 =	vadd.f32 v22, v23;
	v23 =	vmul.f32 v36, v18  }
0x26d: {  	v29 =	vadd.f32 v31, v29;
	v21 =	vadd.f32 v28, v21;
	v28 =	vmul.f32 v41, v20  }
0x26e: {  	v22 =	vadd.f32 v32, v22;
	v20 =	vmul.f32 v26, v20;
	v26 =	vor.u32 s6, v3;
	s6 =	smov.u32 s2  }
0x26f: {  	v24 =	vmul.f32 v24, v18;
	v27 =	vadd.f32 v28, v27;
	v23 =	vadd.f32 v23, v29  }
0x270: {  	v20 =	vadd.f32 v20, v22;
	v22 =	vmul.f32 v30, v18;
	v28 =	vor.u32 s9, v3;
	s9 =	smov.u32 s3;
	s3 =	simm.s32 $0xCAB0  }
0x271: {  	v18 =	vmul.f32 v25, v18;
	[tilespmem:v33+s7+$0x0] =	vst.idx.msk $0xffff, v23;
	v23 =	vor.u32 s11, v3;
	s11 =	smov.u32 s18  }
0x272: {  	s0 =	sadd.s32 $0x5, s4;
	v20 =	vadd.f32 v24, v20;
	v22 =	vadd.f32 v22, v27  }
0x273: {  	s2 =	sadd.s32 $0x1, s4;
	v24 =	vmov s0;
	v18 =	vadd.f32 v18, v21  }
0x274: {  	v25 =	vmov s2;
	v21 =	vadd.s32 s4, v10;
	v27 =	vand.u32 $0xFFFFFFF8, v24;
	[tilespmem:v26+s7+$0x0] =	vst.idx.msk $0xffff, v20  }
0x275: {  	v20 =	vand.u32 $0xFFFFFFF8, v25;
	v26 =	vadd.s32 v15, v27;
	[tilespmem:v28+s7+$0x0] =	vst.idx.msk $0xffff, v18  }
0x276: {  	v20 =	vadd.s32 v11, v20;
	[tilespmem:v23+s7+$0x0] =	vst.idx.msk $0xffff, v22  }
0x277: {  	s0 =	sadd.s32 $0x2, s4  }
0x278: {  	v27 =	vmov s0;
	v18 =	vld [tilespmem:s12+$0x30]  }
0x279: {  	s0 =	sadd.s32 $0x7, s4;
	v23 =	vld.idx.msk [tilespmem:v21+s8+$0x0], $0xffff;
	v21 =	vand.u32 $0xFFFFFFF8, v27  }
0x27a: {  	v29 =	vmov s0;
	v28 =	vadd.s32 v12, v21;
	v26 =	vld.idx.msk [tilespmem:v26+s8+$0x0], $0xffff  }
0x27b: {  	s0 =	sadd.s32 $0x6, s4;
	v21 =	vand.u32 $0xFFFFFFF8, v29;
	v30 =	vld.idx.msk [tilespmem:v20+s8+$0x0], $0xffff  }
0x27c: {  	s2 =	sadd.s32 $0x3, s4;
	v24 =	vshll.u32 v24, $0x3;
	v31 =	vmov s0;
	v32 =	vadd.s32 v17, v21;
	v20 =	vld [tilespmem:s12+$0x20]  }
0x27d: {  	v33 =	vmov s2;
	v25 =	vshll.u32 v25, $0x3;
	v34 =	vand.u32 $0xFFFFFFF8, v31;
	v21 =	vld [tilespmem:s12+$0x10]  }
0x27e: {  	v35 =	vmov s4;
	v36 =	vand.u32 $0xFFFFFFF8, v33;
	s0 =	sadd.s32 $0x4, s4;
	v34 =	vadd.s32 v16, v34;
	v22 =	vld [tilespmem:s12+$0x0]  }
0x27f: {  	v35 =	vshll.u32 v35, $0x3;
	v36 =	vadd.s32 v13, v36;
	v37 =	vand.u32 $0xFFFFFFF8, v23;
	v28 =	vld.idx.msk [tilespmem:v28+s8+$0x0], $0xffff  }
0x280: {  	v38 =	vand.u32 $0x7, v23;
	v35 =	vadd.s32 v37, v35;
	v37 =	vand.u32 $0x7, v26;
	v23 =	vld [tilespmem:s12+$0xFFFFFFF0]  }
0x281: {  	v39 =	vmov s0;
	v35 =	vor.u32 v38, v35;
	v38 =	vand.u32 $0xFFFFFFF8, v30;
	v32 =	vld.idx.msk [tilespmem:v32+s8+$0x0], $0xffff  }
0x282: {  	v30 =	vand.u32 $0x7, v30;
	v35 =	vadd.s32 v19, v35;
	v25 =	vadd.s32 v38, v25;
	v38 =	vld [tilespmem:s12+$0xFFFFFFE0]  }
0x283: {  	v26 =	vand.u32 $0xFFFFFFF8, v26;
	v25 =	vor.u32 v30, v25;
	v30 =	vand.u32 $0xFFFFFFF8, v39;
	v34 =	vld.idx.msk [tilespmem:v34+s8+$0x0], $0xffff  }
0x284: {  	v24 =	vadd.s32 v26, v24;
	v40 =	vadd.s32 v19, v25;
	v30 =	vadd.s32 v14, v30;
	v25 =	vld.idx.msk [tilespmem:v36+s8+$0x0], $0xffff  }
0x285: {  	v27 =	vshll.u32 v27, $0x3;
	v24 =	vor.u32 v37, v24;
	v26 =	vand.u32 $0xFFFFFFF8, v28;
	v36 =	vld [tilespmem:s12+$0xFFFFFFC0]  }
0x286: {  	v41 =	vadd.s32 v19, v24;
	v28 =	vand.u32 $0x7, v28;
	v26 =	vadd.s32 v26, v27;
	v37 =	vld [tilespmem:s12+$0xFFFFFFD0]  }
0x287: {  	v24 =	vor.u32 v28, v26;
	v26 =	vand.u32 $0xFFFFFFF8, v32;
	v28 =	vshll.u32 v29, $0x3;
	v27 =	vld.idx.msk [tilespmem:v35+s25+$0x0], $0xffff  }
0x288: {  	v32 =	vand.u32 $0x7, v32;
	v42 =	vadd.s32 v19, v24;
	v28 =	vadd.s32 v26, v28;
	v29 =	vld.idx.msk [tilespmem:v35+s3+$0x0], $0xffff  }
0x289: {  	v31 =	vshll.u32 v31, $0x3;
	v24 =	vand.u32 $0xFFFFFFF8, v34;
	v26 =	vand.u32 $0x7, v34;
	v30 =	vld.idx.msk [tilespmem:v30+s8+$0x0], $0xffff  }
0x28a: {  	v33 =	vshll.u32 v33, $0x3;
	v43 =	vand.u32 $0xFFFFFFF8, v25;
	v24 =	vadd.s32 v24, v31;
	v34 =	vld.idx.msk [tilespmem:v40+s31+$0x0], $0xffff  }
0x28b: {  	v25 =	vand.u32 $0x7, v25;
	v31 =	vadd.s32 v43, v33;
	v26 =	vor.u32 v26, v24;
	v43 =	vld.idx.msk [tilespmem:v41+s14+$0x0], $0xffff  }
0x28c: {  	v28 =	vor.u32 v32, v28;
	v25 =	vor.u32 v25, v31;
	v26 =	vadd.s32 v19, v26;
	v24 =	vld.idx.msk [tilespmem:v41+s31+$0x0], $0xffff  }
0x28d: {  	v27 =	vmul.f32 v27, v36;
	v32 =	vadd.s32 v19, v25;
	v25 =	vadd.s32 v19, v28;
	v31 =	vld.idx.msk [tilespmem:v35+s31+$0x0], $0xffff  }
0x28e: {  	v28 =	vmul.f32 v29, v36;
	v29 =	vld.idx.msk [tilespmem:v40+s3+$0x0], $0xffff  }
0x28f: {  	v39 =	vshll.u32 v39, $0x3;
	v44 =	vand.u32 $0xFFFFFFF8, v30;
	v33 =	vld.idx.msk [tilespmem:v40+s25+$0x0], $0xffff  }
0x290: {  	v30 =	vand.u32 $0x7, v30;
	v39 =	vadd.s32 v44, v39;
	v45 =	vld.idx.msk [tilespmem:v42+s14+$0x0], $0xffff  }
0x291: {  	v30 =	vor.u32 v30, v39;
	v40 =	vld.idx.msk [tilespmem:v40+s14+$0x0], $0xffff  }
0x292: {  	v44 =	vadd.s32 v19, v30;
	v39 =	vld.idx.msk [tilespmem:v42+s3+$0x0], $0xffff  }
0x293: {  	v28 =	vadd.f32 $0.0e+00, v28;
	v31 =	vmul.f32 v31, v36;
	v30 =	vld.idx.msk [tilespmem:v35+s14+$0x0], $0xffff  }
0x294: {  	v29 =	vmul.f32 v29, v37;
	v46 =	vld.idx.msk [tilespmem:v42+s31+$0x0], $0xffff  }
0x295: {  	v35 =	vld.idx.msk [tilespmem:v32+s3+$0x0], $0xffff  }
0x296: {  	v28 =	vadd.f32 v29, v28;
	v29 =	vld.idx.msk [tilespmem:v42+s25+$0x0], $0xffff  }
0x297: {  	v33 =	vmul.f32 v33, v37;
	v42 =	vadd.f32 $0.0e+00, v27;
	v27 =	vld.idx.msk [tilespmem:v32+s25+$0x0], $0xffff  }
0x298: {  	v40 =	vmul.f32 v40, v37;
	v47 =	vld.idx.msk [tilespmem:v44+s14+$0x0], $0xffff  }
0x299: {  	v34 =	vmul.f32 v34, v37;
	v30 =	vmul.f32 v30, v36;
	v33 =	vadd.f32 v33, v42;
	v48 =	vld.idx.msk [tilespmem:v32+s31+$0x0], $0xffff  }
0x29a: {  	v42 =	vmul.f32 v45, v38;
	v45 =	vld.idx.msk [tilespmem:v32+s14+$0x0], $0xffff  }
0x29b: {  	v31 =	vadd.f32 $0.0e+00, v31;
	v37 =	vmul.f32 v39, v38;
	v39 =	vld.idx.msk [tilespmem:v44+s31+$0x0], $0xffff  }
0x29c: {  	v30 =	vadd.f32 $0.0e+00, v30;
	v36 =	vmul.f32 v35, v23;
	v35 =	vld.idx.msk [tilespmem:v44+s3+$0x0], $0xffff  }
.Ltmp6:
0x29d: {  	v31 =	vadd.f32 v34, v31;
	v34 =	vmul.f32 v46, v38;
	v29 =	vmul.f32 v29, v38;
	v32 =	vld.idx.msk [tilespmem:v41+s25+$0x0], $0xffff;
	(pc) =	sbr.rel @p0 .LBB2_15-.Ltmp6, $4  }
0x29e: {  	v46 =	vadd.f32 v40, v30;
	v40 =	vadd.f32 v37, v28;
	v30 =	vld.idx.msk [tilespmem:v41+s3+$0x0], $0xffff  }
0x29f: {  	v37 =	vadd.f32 v34, v31;
	v31 =	vmul.f32 v47, v22;
	v28 =	vld.idx.msk [tilespmem:v26+s31+$0x0], $0xffff  }
0x2a0: {  	v38 =	vadd.f32 v29, v33;
	v29 =	vmul.f32 v43, v21;
	v41 =	vmul.f32 v45, v23;
	v33 =	vld.idx.msk [tilespmem:v44+s25+$0x0], $0xffff  }
0x2a1: {  	v42 =	vadd.f32 v42, v46;
	v43 =	vmul.f32 v48, v23;
	v39 =	vmul.f32 v39, v22;
	v34 =	vld.idx.msk [tilespmem:v26+s14+$0x0], $0xffff  }
0x2a2: {  	_ =	sdelay $0x2  }
0x2a3: {  	v10 =	vmul.f32 v27, v23;
	v11 =	vadd.f32 v36, v40;
	v12 =	vmul.f32 v35, v22  }
0x2a4: {  	v13 =	vld.idx.msk [tilespmem:v25+s14+$0x0], $0xffff;
	v16 =	vmul.f32 v32, v21;
	v49 =	vmul.f32 v24, v21;
	v55 =	vor.u32 s10, v3  }
0x2a5: {  	v17 =	vld.idx.msk [tilespmem:v26+s25+$0x0], $0xffff;
	v58 =	vor.u32 s6, v3;
	v60 =	vor.u32 s9, v3;
	v14 =	vadd.f32 v41, v42  }
0x2a6: {  	v19 =	vld.idx.msk [tilespmem:v26+s3+$0x0], $0xffff;
	v62 =	vor.u32 s11, v3;
	v10 =	vadd.f32 v10, v38;
	v48 =	vmul.f32 v33, v22  }
0x2a7: {  	v50 =	vld.idx.msk [tilespmem:v25+s25+$0x0], $0xffff;
	v15 =	vadd.f32 v43, v37;
	v47 =	vmul.f32 v30, v21;
	v14 =	vadd.f32 v31, v14  }
0x2a8: {  	v53 =	vld.idx.msk [tilespmem:v25+s31+$0x0], $0xffff;
	v11 =	vadd.f32 v12, v11;
	v51 =	vmul.f32 v28, v20;
	v10 =	vadd.f32 v48, v10  }
0x2a9: {  	v54 =	vld.idx.msk [tilespmem:v25+s3+$0x0], $0xffff;
	v15 =	vadd.f32 v39, v15;
	v52 =	vmul.f32 v34, v20;
	v14 =	vadd.f32 v29, v14  }
0x2aa: {  	v11 =	vadd.f32 v47, v11;
	v56 =	vmul.f32 v17, v20;
	v10 =	vadd.f32 v16, v10  }
0x2ab: {  	v15 =	vadd.f32 v49, v15;
	v13 =	vmul.f32 v13, v18;
	v14 =	vadd.f32 v52, v14  }
0x2ac: {  	v57 =	vmul.f32 v19, v20;
	v59 =	vmul.f32 v50, v18;
	v10 =	vadd.f32 v56, v10  }
0x2ad: {  	v61 =	vmul.f32 v53, v18;
	v12 =	vadd.f32 v51, v15;
	v13 =	vadd.f32 v13, v14  }
0x2ae: {  	v63 =	vmul.f32 v54, v18;
	v11 =	vadd.f32 v57, v11;
	v10 =	vadd.f32 v59, v10  }
0x2af: {  	v12 =	vadd.f32 v61, v12;
	[tilespmem:v55+s7+$0x0] =	vst.idx.msk $0xffff, v13  }
0x2b0: {  	v11 =	vadd.f32 v63, v11;
	[tilespmem:v58+s7+$0x0] =	vst.idx.msk $0xffff, v10  }
0x2b1: {  	s0 =	sshll.u32 s13, $0x3;
	s2 =	rddreg [dreg:$0x4];
	[tilespmem:v60+s7+$0x0] =	vst.idx.msk $0xffff, v12  }
0x2b2: {  	s0 =	sadd.s32 s2, s0;
	[tilespmem:v62+s7+$0x0] =	vst.idx.msk $0xffff, v11  }
0x2b3: {  	[hbm4b:s0+s20] =	stream.linear.scatter [tilespmem:s7], [sflag:$0x2], $0x400, $0x38;
	[tilespmem:$0x17EF0] =	vst v63  }
0x2b4: {  	s1 =	sadd.s32 $0x1, s1;
	_ =	swait.ge [sflag:s28], $0x400  }
0x2b5: {  	s26 =	sadd.s32 s19, s5;
	p0 =	sne.s32 s1, $0x200;
	[sflag:s28] =	ssyncset.done $0x0  }
.Ltmp7:
0x2b6: {  	s31 =	simm.s32 $0x11230;
	[sflag:s28] =	ssyncadd.s32 $0xFFFFFC00;
	(pc) =	sbr.rel @p0 .LBB2_8-.Ltmp7, $4  }
0x2b7: {  	[hbm4b:s26+s20] =	stream.linear.scatter [tilespmem:s31], [sflag:$0x2], $0x10, $0x38;
	[tilespmem:$0x17EF0] =	vst v63  }
0x2b8: {  	_ =	swait.ge [sflag:s28], $0x10  }
0x2b9: {  	[sflag:s28] =	ssyncset.done $0x0  }
0x2ba: {  	s4 =	simm.s32 $0x0;
	[sflag:s28] =	ssyncadd.s32 $0xFFFFFFF0  }
0x2bb: {  	s1 =	rddreg [dreg:$0xd]  }
0x2bc: {  	s0 =	rddreg [dreg:$0xc];
	s1 =	sadd.s32 $0x1, s1  }
0x2bd: {  	p0 =	sne.s32 s1, s0  }
.Ltmp8:
0x2be: {  	_ = 	snop;
	(pc) =	sbr.rel @p0 .LBB2_1-.Ltmp8, $1  }
0x2bf: {  	_ =	sdelay $0x3  }
0x2c0: {  	_ =	sfence.sel $0x180000  }
0x2c1: {  	[bflag:$0x0] =	sbarrier.arrive $0xFFFF  }
0x2c2: {  	_ =	strace $0x90000047  }
0x2c3: {  	s0 =	stileid.u32;
	[bflag:$0x2] =	sbarrier.arrive $0xFFFF  }
0x2c4: {  	p0 =	sne.s32 s0, $0x0;
	s0 =	rddreg [dreg:$0x6]  }
0x2c5: {  	s0 =	sadd.s32 @!p0 $0x100000, s0  }
0x2c6: {  	[sflag:s0] =	ssyncadd.tile.s32 @!p0 $0x1;
	_ =	shalt  }
.Lfunc_end2:
_tile_overlayer_lowered:
.L_overlay_start_2:
0x2c7: {  	(tag) =	ssettag $0x2  }
0x2c8: {  	s0 =	rddreg [dreg:$0x0];
	s2 =	stileid.u32  }
0x2c9: {  	s1 =	rddreg [dreg:$0x1];
	p0 =	sne.s32 s2, $0x0  }
0x2ca: {  	s3 =	rddreg [dreg:$0x2];
	[bflag:$0x3] =	sbarrier.arrive $0xFFFF;
	s2 =	simm.s32 @!p0 $0x1C02  }
0x2cb: {  	[timem:s3], [sflag:s2] =	dma.local @!p0 [hbm:s0], s1  }
0x2cc: {  	s0 =	simm.s32 @!p0 $0x2  }
0x2cd: {  	_ =	swait.ge @!p0 [sflag:s0], s1  }
0x2ce: {  	s1 =	ssub.s32 @!p0 $0x0, s1;
	[sflag:s0] =	ssyncset.done @!p0 $0x0  }
0x2cf: {  	[sflag:s0] =	ssyncadd.s32 @!p0 s1  }
0x2d0: {  	[bflag:$0x3] =	sbarrier.arrive $0xFFFF  }
0x2d1: {  	_ =	shalt  }

</sc_bundles>
